<compile_context>
chip_gen: v7x
topology: tpu7x:2x2x1
jax: 0.10.2.dev20260603
libtpu: 0.0.44.dev20260713+nightly
codegen_flags: <defaults>
</compile_context>

<pallas_src>
import jax
import jax.numpy as jnp
from jax import lax
from jax.experimental import pallas as pl
from jax.experimental.pallas import tpu as pltpu
from jax.experimental.pallas import tpu_sc as plsc

N = 10000
E = 320000
DF = 128
HD = 64
H = 8
OC = 8
NT = 80
NP = 10240
NC, NS, L = 2, 16, 16
TILES = NC * NS
IGRP = 8
GEDGE = IGRP * 128
NGRP = 10
EPT = GEDGE * NGRP
EP = EPT * TILES
EROWS = EP // 128
RPT = EPT // 128
SUBC = 256
NBUF = 4
RPN = NP // NS

_MESH = plsc.VectorSubcoreMesh(core_axis_name="c", subcore_axis_name="s",
                               num_cores=NC, num_subcores=NS)
_SC_PARAMS = pltpu.CompilerParams(needs_layout_passes=False,
                                  use_tc_tiling_on_sc=False)



def _t1_body(x_ref, w1_ref, am_ref, nt_ref, ad_ref):
    h = jnp.dot(x_ref[...], w1_ref[...], preferred_element_type=jnp.float32)
    asd = jnp.dot(h, am_ref[...], preferred_element_type=jnp.float32)
    nt_ref[...] = jnp.concatenate([h, asd], axis=1)
    ad_ref[...] = asd


_t1 = pl.pallas_call(
    _t1_body,
    out_shape=[jax.ShapeDtypeStruct((NP, NT), jnp.float32),
               jax.ShapeDtypeStruct((NP, 2 * H), jnp.float32)],
)



def _s1_body(srcr, dstr, nt_hbm, adr_hbm, z128,
             outp,
             sidx, didx, rows, adrows, acc, gsem, ssem):
    c = lax.axis_index("c")
    s = lax.axis_index("s")
    wid = c * NS + s

    pltpu.sync_copy(z128.at[pl.ds(s * RPN, RPN)], acc.at[pl.ds(s * RPN, RPN)])
    pltpu.sync_copy(srcr.at[pl.ds(wid * RPT, RPT)], sidx)
    pltpu.sync_copy(dstr.at[pl.ds(wid * RPT, RPT)], didx)
    plsc.subcore_barrier()

    lane = lax.iota(jnp.int32, L)
    col8 = lane >> 3
    cola = lane & 7
    colw = cola + HD

    def start_gather(tt, b):
        pltpu.async_copy(nt_hbm.at[sidx.at[tt]], rows.at[b], gsem.at[b])
        pltpu.async_copy(adr_hbm.at[didx.at[tt]], adrows.at[b], gsem.at[b])

    def wait_gather(b):
        pltpu.make_async_copy(nt_hbm.at[sidx.at[0]], rows.at[b],
                              gsem.at[b]).wait()
        pltpu.make_async_copy(adr_hbm.at[didx.at[0]], adrows.at[b],
                              gsem.at[b]).wait()

    def wait_scatter(b):
        pltpu.make_async_copy(rows.at[b], acc.at[didx.at[0]],
                              ssem.at[b]).wait()

    for pb in range(NBUF - 1):
        start_gather(pb, pb)

    def chunk_body(t, carry):
        b = t & (NBUF - 1)

        @pl.when(t < RPT - (NBUF - 1))
        def _():
            start_gather(t + NBUF - 1, (t + NBUF - 1) & (NBUF - 1))

        wait_gather(b)

        @plsc.parallel_loop(0, 64, unroll=4)
        def pair_body(p):
            e = p * 2
            ridx = e + col8
            adp = plsc.load_gather(adrows.at[b], [ridx, cola + H])
            asp = plsc.load_gather(rows.at[b], [ridx, colw])
            al = asp + adp
            ea = jnp.exp(jnp.maximum(al, 0.2 * al))
            plsc.store_scatter(rows.at[b], [ridx, colw], ea)
            for q in range(2):
                ee = e + q
                eidx = jnp.full((L,), ee, jnp.int32)
                for r in range(4):
                    w = plsc.load_gather(rows.at[b],
                                         [eidx, col8 + (HD + 2 * r)])
                    rows[b, ee, pl.ds(r * L, L)] = (
                        rows[b, ee, pl.ds(r * L, L)] * w)

        pltpu.async_copy(rows.at[b], acc.at[didx.at[t]], ssem.at[b],
                         add=True)
        wait_scatter(b)
        return carry

    lax.fori_loop(0, RPT, chunk_body, 0)
    plsc.subcore_barrier()
    pltpu.sync_copy(acc.at[pl.ds(s * RPN, RPN)],
                    outp.at[c, pl.ds(s * RPN, RPN)])


_s1 = pl.kernel(
    _s1_body,
    out_type=jax.ShapeDtypeStruct((NC, NP, NT), jnp.float32),
    mesh=_MESH,
    compiler_params=_SC_PARAMS,
    scratch_types=[
        pltpu.VMEM((RPT, 128), jnp.int32),
        pltpu.VMEM((RPT, 128), jnp.int32),
        pltpu.VMEM((NBUF, 128, NT), jnp.float32),
        pltpu.VMEM((NBUF, 128, 2 * H), jnp.float32),
        pltpu.VMEM_SHARED((NP, NT), jnp.float32),
        pltpu.SemaphoreType.DMA((NBUF,)),
        pltpu.SemaphoreType.DMA((NBUF,)),
    ],
)



T2B = 2048


def _t2_body(op_ref, nt_ref, b1_ref, w2_ref, h2_ref):
    i = pl.program_id(0)
    nt = nt_ref[...]
    h1 = nt[:, :HD]
    sa = nt[:, HD:HD + H] + nt[:, HD + H:HD + 2 * H]
    se = jnp.exp(jnp.maximum(sa, 0.2 * sa))
    se64 = jnp.broadcast_to(se[:, :, None], (T2B, H, OC)).reshape(T2B, HD)
    outu = op_ref[0][:, :HD] + op_ref[1][:, :HD] + h1 * se64
    den = op_ref[0][:, HD:HD + H] + op_ref[1][:, HD:HD + H] + se
    den64 = jnp.broadcast_to((den + 1e-16)[:, :, None],
                             (T2B, H, OC)).reshape(T2B, HD)
    hrel = jnp.maximum(outu / den64 + b1_ref[...][None, :], 0.0)
    row = i * T2B + lax.broadcasted_iota(jnp.int32, (T2B, 1), 0)
    hrel = jnp.where(row < N, hrel, 0.0)
    h2_ref[...] = jnp.dot(hrel, w2_ref[...], preferred_element_type=jnp.float32)


_t2 = pl.pallas_call(
    _t2_body,
    grid=(NP // T2B,),
    in_specs=[
        pl.BlockSpec((NC, T2B, NT), lambda i: (0, i, 0)),
        pl.BlockSpec((T2B, NT), lambda i: (i, 0)),
        pl.BlockSpec((HD,), lambda i: (0,)),
        pl.BlockSpec((HD, 1), lambda i: (0, 0)),
    ],
    out_specs=pl.BlockSpec((T2B, 1), lambda i: (i, 0)),
    out_shape=jax.ShapeDtypeStruct((NP, 1), jnp.float32),
)



def _s2_body(srcr, dstr, h2_hbm, z2, a2_hbm,
             out2,
             sidx, didx, h2t, val, a2v, acc2, sem):
    c = lax.axis_index("c")
    s = lax.axis_index("s")
    wid = c * NS + s

    pltpu.sync_copy(z2.at[pl.ds(s * RPN, RPN)], acc2.at[pl.ds(s * RPN, RPN)])
    pltpu.sync_copy(z2.at[pl.ds(0, GEDGE)], val)
    pltpu.sync_copy(h2_hbm, h2t)
    pltpu.sync_copy(a2_hbm, a2v)
    pltpu.sync_copy(srcr.at[pl.ds(wid * RPT, RPT)], sidx)
    pltpu.sync_copy(dstr.at[pl.ds(wid * RPT, RPT)], didx)
    plsc.subcore_barrier()

    lane = lax.iota(jnp.int32, L)
    zero16 = jnp.zeros((L,), jnp.int32)
    one16 = zero16 + 1
    a2s = a2v[0, :]
    a2d = a2v[1, :]

    def group_body(g, carry):
        @plsc.parallel_loop(0, IGRP * 128 // L, unroll=4)
        def vec_body(v):
            j = v >> 3
            k = v & 7
            sv = sidx[g * IGRP + j, pl.ds(k * L, L)]
            dv = didx[g * IGRP + j, pl.ds(k * L, L)]
            hs = plsc.load_gather(h2t, [sv])
            hd = plsc.load_gather(h2t, [dv])
            al = a2s * hs + a2d * hd
            ea = jnp.exp(jnp.maximum(al, 0.2 * al))
            gg = j * 128 + k * L + lane
            plsc.store_scatter(val, [gg, zero16], ea * hs)
            plsc.store_scatter(val, [gg, one16], ea)
        for j in range(IGRP):
            pltpu.sync_copy(val.at[pl.ds(j * 128, 128)],
                            acc2.at[didx.at[g * IGRP + j]], add=True)
        return carry

    lax.fori_loop(0, NGRP, group_body, 0)
    plsc.subcore_barrier()
    pltpu.sync_copy(acc2.at[pl.ds(s * RPN, RPN)],
                    out2.at[c, pl.ds(s * RPN, RPN)])


_s2 = pl.kernel(
    _s2_body,
    out_type=jax.ShapeDtypeStruct((NC, NP, 2 * H), jnp.float32),
    mesh=_MESH,
    compiler_params=_SC_PARAMS,
    scratch_types=[
        pltpu.VMEM((RPT, 128), jnp.int32),
        pltpu.VMEM((RPT, 128), jnp.int32),
        pltpu.VMEM((NP,), jnp.float32),
        pltpu.VMEM((GEDGE, 2 * H), jnp.float32),
        pltpu.VMEM((2, L), jnp.float32),
        pltpu.VMEM_SHARED((NP, 2 * H), jnp.float32),
        pltpu.SemaphoreType.DMA,
    ],
)



def _t3_body(o2_ref, h2_ref, sc_ref, out_ref):
    a2s = sc_ref[0, 0]
    a2d = sc_ref[0, 1]
    b2v = sc_ref[0, 2]
    h2 = h2_ref[...]
    sa = (a2s + a2d) * h2
    sea = jnp.exp(jnp.maximum(sa, 0.2 * sa))
    num = o2_ref[0][:, 0:1] + o2_ref[1][:, 0:1] + sea * h2
    den = o2_ref[0][:, 1:2] + o2_ref[1][:, 1:2] + sea
    node = num / (den + 1e-16)
    valid = lax.broadcasted_iota(jnp.int32, (NP, 1), 0) < N
    node = jnp.where(valid, node, 0.0)
    out_ref[...] = (jnp.sum(node) / N + b2v).reshape(1, 1)


_t3 = pl.pallas_call(
    _t3_body,
    out_shape=jax.ShapeDtypeStruct((1, 1), jnp.float32),
)



def kernel(x, edge_index, W1, a_src1, a_dst1, b1, W2, a_src2, a_dst2, b2):
    x = x.astype(jnp.float32)
    src = edge_index[0].astype(jnp.int32)
    dst = edge_index[1].astype(jnp.int32)
    srcr = jnp.pad(src, (0, EP - E), constant_values=N).reshape(EROWS, 128)
    dstr = jnp.pad(dst, (0, EP - E), constant_values=N).reshape(EROWS, 128)
    xp = jnp.pad(x, ((0, NP - N), (0, 0)))

    eye = jnp.eye(H, dtype=jnp.float32)
    a_mat = jnp.concatenate(
        [(eye[:, None, :] * a_src1[:, :, None]).reshape(HD, H),
         (eye[:, None, :] * a_dst1[:, :, None]).reshape(HD, H)], axis=1)

    ntab, adr = _t1(xp, W1, a_mat)

    z128 = jnp.zeros((NP, NT), jnp.float32)
    outp = _s1(srcr, dstr, ntab, adr, z128)

    h2 = _t2(outp, ntab, b1, W2)

    a2v = jnp.stack([jnp.full((L,), a_src2[0, 0], jnp.float32),
                     jnp.full((L,), a_dst2[0, 0], jnp.float32)])
    z2 = jnp.zeros((NP, 2 * H), jnp.float32)
    out2 = _s2(srcr, dstr, h2[:, 0], z2, a2v)

    sc3 = jnp.stack([a_src2[0, 0], a_dst2[0, 0], b2[0],
                     jnp.float32(0.0)]).reshape(1, 4)
    return _t3(out2, h2, sc3)

# --- scband reference (transcript-rebuilt; emitter-appended) ---
"""Pipeline reference for scband-model-regressor-16406775071385 (READ-ONLY COPY).

The authoritative reference and input builder live on the scoring server;
editing this copy changes nothing except your own understanding.
"""

import jax, jax.numpy as jnp
import numpy as np

N_NODES = 10000
N_EDGES = 320000
D_FEAT = 128
HDIM = 64
HEADS = 8


def gat_conv(x, edge_index, W, a_src, a_dst, bias, heads, out_ch, concat, negative_slope=0.2):
    N = x.shape[0]
    loop = jnp.arange(N, dtype=edge_index.dtype)
    ei = jnp.concatenate([edge_index, jnp.stack([loop, loop])], axis=1)
    src, dst = ei[0], ei[1]
    h = (x @ W).reshape(N, heads, out_ch)
    alpha_src = jnp.sum(h * a_src, axis=-1)
    alpha_dst = jnp.sum(h * a_dst, axis=-1)
    alpha = alpha_src[src] + alpha_dst[dst]
    alpha = jax.nn.leaky_relu(alpha, negative_slope)
    amax = jax.ops.segment_max(alpha, dst, num_segments=N)
    amax = jnp.where(jnp.isfinite(amax), amax, 0.0)
    ealpha = jnp.exp(alpha - amax[dst])
    denom = jax.ops.segment_sum(ealpha, dst, num_segments=N)
    ealpha = ealpha / (denom[dst] + 1e-16)
    msg = h[src] * ealpha[..., None]
    out = jax.ops.segment_sum(msg, dst, num_segments=N)
    if concat:
        out = out.reshape(N, heads * out_ch)
    else:
        out = out.mean(axis=1)
    return out + bias


def setup_inputs(seed: int = 0) -> dict:
    key = jax.random.key(seed)
    ks = jax.random.split(key, 12)
    x = jax.random.normal(ks[0], (N_NODES, D_FEAT), dtype=jnp.float32)
    edge_index = jax.random.randint(ks[1], (2, N_EDGES), 0, N_NODES, dtype=jnp.int64)
    oc1 = HDIM // HEADS
    W1 = jax.random.normal(ks[2], (D_FEAT, HEADS * oc1), dtype=jnp.float32) * (1.0 / np.sqrt(D_FEAT))
    a_src1 = jax.random.normal(ks[3], (HEADS, oc1), dtype=jnp.float32) * 0.1
    a_dst1 = jax.random.normal(ks[4], (HEADS, oc1), dtype=jnp.float32) * 0.1
    b1 = jnp.zeros((HEADS * oc1,), dtype=jnp.float32)
    W2 = jax.random.normal(ks[5], (HDIM, 1), dtype=jnp.float32) * (1.0 / np.sqrt(HDIM))
    a_src2 = jax.random.normal(ks[6], (1, 1), dtype=jnp.float32) * 0.1
    a_dst2 = jax.random.normal(ks[7], (1, 1), dtype=jnp.float32) * 0.1
    b2 = jnp.zeros((1,), dtype=jnp.float32)
    return {"x": x, "edge_index": edge_index, "W1": W1, "a_src1": a_src1, "a_dst1": a_dst1, "b1": b1, "W2": W2, "a_src2": a_src2, "a_dst2": a_dst2, "b2": b2}


def reference(x, edge_index, W1, a_src1, a_dst1, b1, W2, a_src2, a_dst2, b2):
    oc1 = HDIM // HEADS
    h = gat_conv(x.astype(jnp.float32), edge_index, W1, a_src1, a_dst1, b1, HEADS, oc1, True)
    h = jax.nn.relu(h)
    # dropout is identity (eval-mode reference)
    h = gat_conv(h, edge_index, W2, a_src2, a_dst2, b2, 1, 1, False)
    # global_mean_pool with batch = zeros -> single graph mean
    out = jnp.mean(h, axis=0, keepdims=True)
    return out

if __name__ == "__main__":
    import jax
    _d = setup_inputs()
    print(jax.jit(kernel)(*tuple(_d.values())))

</pallas_src>

<mosaic_0001>
#map = affine_map<(d0, d1) -> (0, 0)>
#map1 = affine_map<(d0, d1) -> (0, 0, 0)>
module attributes {stable_mosaic.version = 14 : i64} {
  func.func @_s1_body(%arg0: i32, %arg1: i32, %arg2: memref<2560x128xi32, #tpu.memory_space<hbm>>, %arg3: memref<2560x128xi32, #tpu.memory_space<hbm>>, %arg4: memref<10240x80xf32, #tpu.memory_space<hbm>>, %arg5: memref<10240x16xf32, #tpu.memory_space<hbm>>, %arg6: memref<10240x80xf32, #tpu.memory_space<hbm>>, %arg7: memref<2x10240x80xf32, #tpu.memory_space<hbm>>, %arg8: memref<80x128xi32, #tpu.memory_space<vmem>>, %arg9: memref<80x128xi32, #tpu.memory_space<vmem>>, %arg10: memref<4x128x80xf32, #tpu.memory_space<vmem>>, %arg11: memref<4x128x16xf32, #tpu.memory_space<vmem>>, %arg12: memref<10240x80xf32, #tpu.memory_space<vmem_shared>>, %arg13: memref<4x!tpu.dma_semaphore, #tpu.memory_space<semaphore_mem>>, %arg14: memref<4x!tpu.dma_semaphore, #tpu.memory_space<semaphore_mem>>) attributes {dimension_semantics = [#tpu.dimension_semantics<core_parallel>, #tpu.dimension_semantics<subcore_parallel>], iteration_bounds = array<i64: 2, 16>, scalar_prefetch = 0 : i64, scratch_operands = 7 : i64, tpu.core_type = #tpu.core_type<sc_vector_subcore>, window_params = [{transform_indices = #map}, {transform_indices = #map}, {transform_indices = #map}, {transform_indices = #map}, {transform_indices = #map}, {transform_indices = #map1}]} {
    %mul3A = arith.constant 16 : i32
    %mul3A_0 = arith.muli %arg0, %mul3A : i32
    %add3A = arith.addi %mul3A_0, %arg1 : i32
    %mul3A_1 = arith.constant 640 : i32
    %mul3A_2 = arith.muli %arg1, %mul3A_1 : i32
    %mul3A_3 = arith.constant 640 : i32
    %mul3A_4 = arith.muli %arg1, %mul3A_3 : i32
    "tpu.region"() ({
      %run_scoped3A = tpu.sem_alloc : memref<!tpu.dma_semaphore, #tpu.memory_space<semaphore_mem>>
      %dma_start3A_115 = arith.constant 0 : i32
      %dma_start3A_116 = tpu.memref_slice %arg12[%mul3A_4, %dma_start3A_115] : memref<10240x80xf32, #tpu.memory_space<vmem_shared>> -> memref<640x80xf32, #tpu.memory_space<vmem_shared>>
      %dma_start3A_117 = arith.constant 0 : i32
      %dma_start3A_118 = tpu.memref_slice %arg6[%mul3A_2, %dma_start3A_117] : memref<10240x80xf32, #tpu.memory_space<hbm>> -> memref<640x80xf32, #tpu.memory_space<hbm>>
      tpu.enqueue_dma source(%dma_start3A_118 : memref<640x80xf32, #tpu.memory_space<hbm>>) target(%dma_start3A_116 : memref<640x80xf32, #tpu.memory_space<vmem_shared>>) target_semaphore(%run_scoped3A : memref<!tpu.dma_semaphore, #tpu.memory_space<semaphore_mem>>)
      %dma_wait3A = arith.constant 0 : i32
      %dma_wait3A_119 = tpu.memref_slice %arg12[%mul3A_4, %dma_wait3A] : memref<10240x80xf32, #tpu.memory_space<vmem_shared>> -> memref<640x80xf32, #tpu.memory_space<vmem_shared>>
      %dma_wait3A_120 = arith.constant 0 : i32
      %dma_wait3A_121 = tpu.memref_slice %arg6[%mul3A_2, %dma_wait3A_120] : memref<10240x80xf32, #tpu.memory_space<hbm>> -> memref<640x80xf32, #tpu.memory_space<hbm>>
      tpu.wait_dma2 semaphore(%run_scoped3A : memref<!tpu.dma_semaphore, #tpu.memory_space<semaphore_mem>>) src(%dma_wait3A_121 : memref<640x80xf32, #tpu.memory_space<hbm>>) dst(%dma_wait3A_119 : memref<640x80xf32, #tpu.memory_space<vmem_shared>>)
      tpu.yield
    }) : () -> ()
    %mul3A_5 = arith.constant 80 : i32
    %mul3A_6 = arith.muli %add3A, %mul3A_5 : i32
    "tpu.region"() ({
      %run_scoped3A = tpu.sem_alloc : memref<!tpu.dma_semaphore, #tpu.memory_space<semaphore_mem>>
      %dma_start3A_115 = arith.constant 0 : i32
      %dma_start3A_116 = tpu.memref_slice %arg2[%mul3A_6, %dma_start3A_115] : memref<2560x128xi32, #tpu.memory_space<hbm>> -> memref<80x128xi32, #tpu.memory_space<hbm>>
      %dma_start3A_117 = arith.constant 0 : i32
      %dma_start3A_118 = tpu.memref_slice %arg2[%mul3A_6, %dma_start3A_117] : memref<2560x128xi32, #tpu.memory_space<hbm>> -> memref<80x128xi32, #tpu.memory_space<hbm>>
      tpu.enqueue_dma source(%dma_start3A_118 : memref<80x128xi32, #tpu.memory_space<hbm>>) target(%arg8 : memref<80x128xi32, #tpu.memory_space<vmem>>) target_semaphore(%run_scoped3A : memref<!tpu.dma_semaphore, #tpu.memory_space<semaphore_mem>>)
      %dma_wait3A = arith.constant 0 : i32
      %dma_wait3A_119 = tpu.memref_slice %arg2[%mul3A_6, %dma_wait3A] : memref<2560x128xi32, #tpu.memory_space<hbm>> -> memref<80x128xi32, #tpu.memory_space<hbm>>
      %dma_wait3A_120 = arith.constant 0 : i32
      %dma_wait3A_121 = tpu.memref_slice %arg2[%mul3A_6, %dma_wait3A_120] : memref<2560x128xi32, #tpu.memory_space<hbm>> -> memref<80x128xi32, #tpu.memory_space<hbm>>
      tpu.wait_dma2 semaphore(%run_scoped3A : memref<!tpu.dma_semaphore, #tpu.memory_space<semaphore_mem>>) src(%dma_wait3A_121 : memref<80x128xi32, #tpu.memory_space<hbm>>) dst(%arg8 : memref<80x128xi32, #tpu.memory_space<vmem>>)
      tpu.yield
    }) : () -> ()
    %mul3A_7 = arith.constant 80 : i32
    %mul3A_8 = arith.muli %add3A, %mul3A_7 : i32
    "tpu.region"() ({
      %run_scoped3A = tpu.sem_alloc : memref<!tpu.dma_semaphore, #tpu.memory_space<semaphore_mem>>
      %dma_start3A_115 = arith.constant 0 : i32
      %dma_start3A_116 = tpu.memref_slice %arg3[%mul3A_8, %dma_start3A_115] : memref<2560x128xi32, #tpu.memory_space<hbm>> -> memref<80x128xi32, #tpu.memory_space<hbm>>
      %dma_start3A_117 = arith.constant 0 : i32
      %dma_start3A_118 = tpu.memref_slice %arg3[%mul3A_8, %dma_start3A_117] : memref<2560x128xi32, #tpu.memory_space<hbm>> -> memref<80x128xi32, #tpu.memory_space<hbm>>
      tpu.enqueue_dma source(%dma_start3A_118 : memref<80x128xi32, #tpu.memory_space<hbm>>) target(%arg9 : memref<80x128xi32, #tpu.memory_space<vmem>>) target_semaphore(%run_scoped3A : memref<!tpu.dma_semaphore, #tpu.memory_space<semaphore_mem>>)
      %dma_wait3A = arith.constant 0 : i32
      %dma_wait3A_119 = tpu.memref_slice %arg3[%mul3A_8, %dma_wait3A] : memref<2560x128xi32, #tpu.memory_space<hbm>> -> memref<80x128xi32, #tpu.memory_space<hbm>>
      %dma_wait3A_120 = arith.constant 0 : i32
      %dma_wait3A_121 = tpu.memref_slice %arg3[%mul3A_8, %dma_wait3A_120] : memref<2560x128xi32, #tpu.memory_space<hbm>> -> memref<80x128xi32, #tpu.memory_space<hbm>>
      tpu.wait_dma2 semaphore(%run_scoped3A : memref<!tpu.dma_semaphore, #tpu.memory_space<semaphore_mem>>) src(%dma_wait3A_121 : memref<80x128xi32, #tpu.memory_space<hbm>>) dst(%arg9 : memref<80x128xi32, #tpu.memory_space<vmem>>)
      tpu.yield
    }) : () -> ()
    %barrier3A = arith.constant 0 : index
    tpu.barrier barrier_id(%barrier3A)
    %iota3A = tpu.iota {dimensions = array<i32: 0>} : vector<16xi32>
    %shift_right_arithmetic3A = arith.constant 3 : i32
    %shift_right_arithmetic3A_9 = vector.broadcast %shift_right_arithmetic3A : i32 to vector<16xi32>
    %shift_right_arithmetic3A_10 = arith.shrsi %iota3A, %shift_right_arithmetic3A_9 : vector<16xi32>
    %and3A = arith.constant 7 : i32
    %and3A_11 = vector.broadcast %and3A : i32 to vector<16xi32>
    %and3A_12 = arith.andi %iota3A, %and3A_11 : vector<16xi32>
    %add3A_13 = arith.constant 64 : i32
    %add3A_14 = vector.broadcast %add3A_13 : i32 to vector<16xi32>
    %add3A_15 = arith.addi %and3A_12, %add3A_14 : vector<16xi32>
    %dma_start3A = arith.constant 0 : i32
    %dma_start3A_16 = arith.constant 0 : i32
    %dma_start3A_17 = arith.constant 0 : i32
    %dma_start3A_18 = arith.constant 0 : i32
    %dma_start3A_19 = arith.constant 0 : i32
    %dma_start3A_20 = tpu.memref_slice %arg10[%dma_start3A_16, %dma_start3A_18, %dma_start3A_19] : memref<4x128x80xf32, #tpu.memory_space<vmem>> -> memref<1x128x80xf32, #tpu.memory_space<vmem>>
    %dma_start3A_21 = tpu.memref_squeeze %dma_start3A_20 : memref<1x128x80xf32, #tpu.memory_space<vmem>> -> memref<128x80xf32, #tpu.memory_space<vmem>>
    %dma_start3A_22 = arith.constant 0 : i32
    %dma_start3A_23 = tpu.memref_slice %arg8[%dma_start3A, %dma_start3A_22] : memref<80x128xi32, #tpu.memory_space<vmem>> -> memref<1x128xi32, #tpu.memory_space<vmem>>
    %dma_start3A_24 = tpu.memref_squeeze %dma_start3A_23 : memref<1x128xi32, #tpu.memory_space<vmem>> -> memref<128xi32, #tpu.memory_space<vmem>>
    %dma_start3A_25 = arith.constant 0 : i32
    %dma_start3A_26 = arith.constant 0 : i32
    %dma_start3A_27 = tpu.memref_slice %arg4[%dma_start3A_25, %dma_start3A_26] : memref<10240x80xf32, #tpu.memory_space<hbm>> -> memref<10240x80xf32, #tpu.memory_space<hbm>>
    %dma_start3A_28 = tpu.memref_slice %arg13[%dma_start3A_17] : memref<4x!tpu.dma_semaphore, #tpu.memory_space<semaphore_mem>> -> memref<1x!tpu.dma_semaphore, #tpu.memory_space<semaphore_mem>>
    %dma_start3A_29 = tpu.memref_squeeze %dma_start3A_28 : memref<1x!tpu.dma_semaphore, #tpu.memory_space<semaphore_mem>> -> memref<!tpu.dma_semaphore, #tpu.memory_space<semaphore_mem>>
    tpu.enqueue_indirect_dma source(%dma_start3A_27 : memref<10240x80xf32, #tpu.memory_space<hbm>>) target(%dma_start3A_21 : memref<128x80xf32, #tpu.memory_space<vmem>>) offsets(%dma_start3A_24 : memref<128xi32, #tpu.memory_space<vmem>>) semaphore(%dma_start3A_29 : memref<!tpu.dma_semaphore, #tpu.memory_space<semaphore_mem>>)
    %dma_start3A_30 = arith.constant 0 : i32
    %dma_start3A_31 = arith.constant 0 : i32
    %dma_start3A_32 = arith.constant 0 : i32
    %dma_start3A_33 = arith.constant 0 : i32
    %dma_start3A_34 = arith.constant 0 : i32
    %dma_start3A_35 = tpu.memref_slice %arg11[%dma_start3A_31, %dma_start3A_33, %dma_start3A_34] : memref<4x128x16xf32, #tpu.memory_space<vmem>> -> memref<1x128x16xf32, #tpu.memory_space<vmem>>
    %dma_start3A_36 = tpu.memref_squeeze %dma_start3A_35 : memref<1x128x16xf32, #tpu.memory_space<vmem>> -> memref<128x16xf32, #tpu.memory_space<vmem>>
    %dma_start3A_37 = arith.constant 0 : i32
    %dma_start3A_38 = tpu.memref_slice %arg9[%dma_start3A_30, %dma_start3A_37] : memref<80x128xi32, #tpu.memory_space<vmem>> -> memref<1x128xi32, #tpu.memory_space<vmem>>
    %dma_start3A_39 = tpu.memref_squeeze %dma_start3A_38 : memref<1x128xi32, #tpu.memory_space<vmem>> -> memref<128xi32, #tpu.memory_space<vmem>>
    %dma_start3A_40 = arith.constant 0 : i32
    %dma_start3A_41 = arith.constant 0 : i32
    %dma_start3A_42 = tpu.memref_slice %arg5[%dma_start3A_40, %dma_start3A_41] : memref<10240x16xf32, #tpu.memory_space<hbm>> -> memref<10240x16xf32, #tpu.memory_space<hbm>>
    %dma_start3A_43 = tpu.memref_slice %arg13[%dma_start3A_32] : memref<4x!tpu.dma_semaphore, #tpu.memory_space<semaphore_mem>> -> memref<1x!tpu.dma_semaphore, #tpu.memory_space<semaphore_mem>>
    %dma_start3A_44 = tpu.memref_squeeze %dma_start3A_43 : memref<1x!tpu.dma_semaphore, #tpu.memory_space<semaphore_mem>> -> memref<!tpu.dma_semaphore, #tpu.memory_space<semaphore_mem>>
    tpu.enqueue_indirect_dma source(%dma_start3A_42 : memref<10240x16xf32, #tpu.memory_space<hbm>>) target(%dma_start3A_36 : memref<128x16xf32, #tpu.memory_space<vmem>>) offsets(%dma_start3A_39 : memref<128xi32, #tpu.memory_space<vmem>>) semaphore(%dma_start3A_44 : memref<!tpu.dma_semaphore, #tpu.memory_space<semaphore_mem>>)
    %dma_start3A_45 = arith.constant 1 : i32
    %dma_start3A_46 = arith.constant 1 : i32
    %dma_start3A_47 = arith.constant 1 : i32
    %dma_start3A_48 = arith.constant 0 : i32
    %dma_start3A_49 = arith.constant 0 : i32
    %dma_start3A_50 = tpu.memref_slice %arg10[%dma_start3A_46, %dma_start3A_48, %dma_start3A_49] : memref<4x128x80xf32, #tpu.memory_space<vmem>> -> memref<1x128x80xf32, #tpu.memory_space<vmem>>
    %dma_start3A_51 = tpu.memref_squeeze %dma_start3A_50 : memref<1x128x80xf32, #tpu.memory_space<vmem>> -> memref<128x80xf32, #tpu.memory_space<vmem>>
    %dma_start3A_52 = arith.constant 0 : i32
    %dma_start3A_53 = tpu.memref_slice %arg8[%dma_start3A_45, %dma_start3A_52] : memref<80x128xi32, #tpu.memory_space<vmem>> -> memref<1x128xi32, #tpu.memory_space<vmem>>
    %dma_start3A_54 = tpu.memref_squeeze %dma_start3A_53 : memref<1x128xi32, #tpu.memory_space<vmem>> -> memref<128xi32, #tpu.memory_space<vmem>>
    %dma_start3A_55 = arith.constant 0 : i32
    %dma_start3A_56 = arith.constant 0 : i32
    %dma_start3A_57 = tpu.memref_slice %arg4[%dma_start3A_55, %dma_start3A_56] : memref<10240x80xf32, #tpu.memory_space<hbm>> -> memref<10240x80xf32, #tpu.memory_space<hbm>>
    %dma_start3A_58 = tpu.memref_slice %arg13[%dma_start3A_47] : memref<4x!tpu.dma_semaphore, #tpu.memory_space<semaphore_mem>> -> memref<1x!tpu.dma_semaphore, #tpu.memory_space<semaphore_mem>>
    %dma_start3A_59 = tpu.memref_squeeze %dma_start3A_58 : memref<1x!tpu.dma_semaphore, #tpu.memory_space<semaphore_mem>> -> memref<!tpu.dma_semaphore, #tpu.memory_space<semaphore_mem>>
    tpu.enqueue_indirect_dma source(%dma_start3A_57 : memref<10240x80xf32, #tpu.memory_space<hbm>>) target(%dma_start3A_51 : memref<128x80xf32, #tpu.memory_space<vmem>>) offsets(%dma_start3A_54 : memref<128xi32, #tpu.memory_space<vmem>>) semaphore(%dma_start3A_59 : memref<!tpu.dma_semaphore, #tpu.memory_space<semaphore_mem>>)
    %dma_start3A_60 = arith.constant 1 : i32
    %dma_start3A_61 = arith.constant 1 : i32
    %dma_start3A_62 = arith.constant 1 : i32
    %dma_start3A_63 = arith.constant 0 : i32
    %dma_start3A_64 = arith.constant 0 : i32
    %dma_start3A_65 = tpu.memref_slice %arg11[%dma_start3A_61, %dma_start3A_63, %dma_start3A_64] : memref<4x128x16xf32, #tpu.memory_space<vmem>> -> memref<1x128x16xf32, #tpu.memory_space<vmem>>
    %dma_start3A_66 = tpu.memref_squeeze %dma_start3A_65 : memref<1x128x16xf32, #tpu.memory_space<vmem>> -> memref<128x16xf32, #tpu.memory_space<vmem>>
    %dma_start3A_67 = arith.constant 0 : i32
    %dma_start3A_68 = tpu.memref_slice %arg9[%dma_start3A_60, %dma_start3A_67] : memref<80x128xi32, #tpu.memory_space<vmem>> -> memref<1x128xi32, #tpu.memory_space<vmem>>
    %dma_start3A_69 = tpu.memref_squeeze %dma_start3A_68 : memref<1x128xi32, #tpu.memory_space<vmem>> -> memref<128xi32, #tpu.memory_space<vmem>>
    %dma_start3A_70 = arith.constant 0 : i32
    %dma_start3A_71 = arith.constant 0 : i32
    %dma_start3A_72 = tpu.memref_slice %arg5[%dma_start3A_70, %dma_start3A_71] : memref<10240x16xf32, #tpu.memory_space<hbm>> -> memref<10240x16xf32, #tpu.memory_space<hbm>>
    %dma_start3A_73 = tpu.memref_slice %arg13[%dma_start3A_62] : memref<4x!tpu.dma_semaphore, #tpu.memory_space<semaphore_mem>> -> memref<1x!tpu.dma_semaphore, #tpu.memory_space<semaphore_mem>>
    %dma_start3A_74 = tpu.memref_squeeze %dma_start3A_73 : memref<1x!tpu.dma_semaphore, #tpu.memory_space<semaphore_mem>> -> memref<!tpu.dma_semaphore, #tpu.memory_space<semaphore_mem>>
    tpu.enqueue_indirect_dma source(%dma_start3A_72 : memref<10240x16xf32, #tpu.memory_space<hbm>>) target(%dma_start3A_66 : memref<128x16xf32, #tpu.memory_space<vmem>>) offsets(%dma_start3A_69 : memref<128xi32, #tpu.memory_space<vmem>>) semaphore(%dma_start3A_74 : memref<!tpu.dma_semaphore, #tpu.memory_space<semaphore_mem>>)
    %dma_start3A_75 = arith.constant 2 : i32
    %dma_start3A_76 = arith.constant 2 : i32
    %dma_start3A_77 = arith.constant 2 : i32
    %dma_start3A_78 = arith.constant 0 : i32
    %dma_start3A_79 = arith.constant 0 : i32
    %dma_start3A_80 = tpu.memref_slice %arg10[%dma_start3A_76, %dma_start3A_78, %dma_start3A_79] : memref<4x128x80xf32, #tpu.memory_space<vmem>> -> memref<1x128x80xf32, #tpu.memory_space<vmem>>
    %dma_start3A_81 = tpu.memref_squeeze %dma_start3A_80 : memref<1x128x80xf32, #tpu.memory_space<vmem>> -> memref<128x80xf32, #tpu.memory_space<vmem>>
    %dma_start3A_82 = arith.constant 0 : i32
    %dma_start3A_83 = tpu.memref_slice %arg8[%dma_start3A_75, %dma_start3A_82] : memref<80x128xi32, #tpu.memory_space<vmem>> -> memref<1x128xi32, #tpu.memory_space<vmem>>
    %dma_start3A_84 = tpu.memref_squeeze %dma_start3A_83 : memref<1x128xi32, #tpu.memory_space<vmem>> -> memref<128xi32, #tpu.memory_space<vmem>>
    %dma_start3A_85 = arith.constant 0 : i32
    %dma_start3A_86 = arith.constant 0 : i32
    %dma_start3A_87 = tpu.memref_slice %arg4[%dma_start3A_85, %dma_start3A_86] : memref<10240x80xf32, #tpu.memory_space<hbm>> -> memref<10240x80xf32, #tpu.memory_space<hbm>>
    %dma_start3A_88 = tpu.memref_slice %arg13[%dma_start3A_77] : memref<4x!tpu.dma_semaphore, #tpu.memory_space<semaphore_mem>> -> memref<1x!tpu.dma_semaphore, #tpu.memory_space<semaphore_mem>>
    %dma_start3A_89 = tpu.memref_squeeze %dma_start3A_88 : memref<1x!tpu.dma_semaphore, #tpu.memory_space<semaphore_mem>> -> memref<!tpu.dma_semaphore, #tpu.memory_space<semaphore_mem>>
    tpu.enqueue_indirect_dma source(%dma_start3A_87 : memref<10240x80xf32, #tpu.memory_space<hbm>>) target(%dma_start3A_81 : memref<128x80xf32, #tpu.memory_space<vmem>>) offsets(%dma_start3A_84 : memref<128xi32, #tpu.memory_space<vmem>>) semaphore(%dma_start3A_89 : memref<!tpu.dma_semaphore, #tpu.memory_space<semaphore_mem>>)
    %dma_start3A_90 = arith.constant 2 : i32
    %dma_start3A_91 = arith.constant 2 : i32
    %dma_start3A_92 = arith.constant 2 : i32
    %dma_start3A_93 = arith.constant 0 : i32
    %dma_start3A_94 = arith.constant 0 : i32
    %dma_start3A_95 = tpu.memref_slice %arg11[%dma_start3A_91, %dma_start3A_93, %dma_start3A_94] : memref<4x128x16xf32, #tpu.memory_space<vmem>> -> memref<1x128x16xf32, #tpu.memory_space<vmem>>
    %dma_start3A_96 = tpu.memref_squeeze %dma_start3A_95 : memref<1x128x16xf32, #tpu.memory_space<vmem>> -> memref<128x16xf32, #tpu.memory_space<vmem>>
    %dma_start3A_97 = arith.constant 0 : i32
    %dma_start3A_98 = tpu.memref_slice %arg9[%dma_start3A_90, %dma_start3A_97] : memref<80x128xi32, #tpu.memory_space<vmem>> -> memref<1x128xi32, #tpu.memory_space<vmem>>
    %dma_start3A_99 = tpu.memref_squeeze %dma_start3A_98 : memref<1x128xi32, #tpu.memory_space<vmem>> -> memref<128xi32, #tpu.memory_space<vmem>>
    %dma_start3A_100 = arith.constant 0 : i32
    %dma_start3A_101 = arith.constant 0 : i32
    %dma_start3A_102 = tpu.memref_slice %arg5[%dma_start3A_100, %dma_start3A_101] : memref<10240x16xf32, #tpu.memory_space<hbm>> -> memref<10240x16xf32, #tpu.memory_space<hbm>>
    %dma_start3A_103 = tpu.memref_slice %arg13[%dma_start3A_92] : memref<4x!tpu.dma_semaphore, #tpu.memory_space<semaphore_mem>> -> memref<1x!tpu.dma_semaphore, #tpu.memory_space<semaphore_mem>>
    %dma_start3A_104 = tpu.memref_squeeze %dma_start3A_103 : memref<1x!tpu.dma_semaphore, #tpu.memory_space<semaphore_mem>> -> memref<!tpu.dma_semaphore, #tpu.memory_space<semaphore_mem>>
    tpu.enqueue_indirect_dma source(%dma_start3A_102 : memref<10240x16xf32, #tpu.memory_space<hbm>>) target(%dma_start3A_96 : memref<128x16xf32, #tpu.memory_space<vmem>>) offsets(%dma_start3A_99 : memref<128xi32, #tpu.memory_space<vmem>>) semaphore(%dma_start3A_104 : memref<!tpu.dma_semaphore, #tpu.memory_space<semaphore_mem>>)
    %scan3A = arith.constant 0 : i32
    %scan3A_105 = arith.constant 0 : i32
    %scan3A_106 = arith.constant 80 : i32
    %scan3A_107 = arith.addi %scan3A_105, %scan3A_106 : i32
    %scan3A_108 = arith.constant 1 : i32
    scf.for %scan3A_115 = %scan3A_105 to %scan3A_107 step %scan3A_108  : i32 {
      %and3A_116 = arith.constant 3 : i32
      %and3A_117 = arith.andi %scan3A_115, %and3A_116 : i32
      %lt3A = arith.constant 77 : i32
      %lt3A_118 = arith.cmpi slt, %scan3A_115, %lt3A : i32
      %convert_element_type3A = arith.extui %lt3A_118 : i1 to i32
      %cond3A = arith.constant 0 : i32
      %cond3A_119 = arith.cmpi ne, %convert_element_type3A, %cond3A : i32
      scf.if %cond3A_119 {
        %add3A_172 = arith.constant 4 : i32
        %add3A_173 = arith.addi %scan3A_115, %add3A_172 : i32
        %sub3A = arith.constant 1 : i32
        %sub3A_174 = arith.subi %add3A_173, %sub3A : i32
        %add3A_175 = arith.constant 4 : i32
        %add3A_176 = arith.addi %scan3A_115, %add3A_175 : i32
        %sub3A_177 = arith.constant 1 : i32
        %sub3A_178 = arith.subi %add3A_176, %sub3A_177 : i32
        %and3A_179 = arith.constant 3 : i32
        %and3A_180 = arith.andi %sub3A_178, %and3A_179 : i32
        %dma_start3A_181 = arith.constant 0 : i32
        %dma_start3A_182 = arith.constant 0 : i32
        %dma_start3A_183 = tpu.memref_slice %arg10[%and3A_180, %dma_start3A_181, %dma_start3A_182] : memref<4x128x80xf32, #tpu.memory_space<vmem>> -> memref<1x128x80xf32, #tpu.memory_space<vmem>>
        %dma_start3A_184 = tpu.memref_squeeze %dma_start3A_183 : memref<1x128x80xf32, #tpu.memory_space<vmem>> -> memref<128x80xf32, #tpu.memory_space<vmem>>
        %dma_start3A_185 = arith.constant 0 : i32
        %dma_start3A_186 = tpu.memref_slice %arg8[%sub3A_174, %dma_start3A_185] : memref<80x128xi32, #tpu.memory_space<vmem>> -> memref<1x128xi32, #tpu.memory_space<vmem>>
        %dma_start3A_187 = tpu.memref_squeeze %dma_start3A_186 : memref<1x128xi32, #tpu.memory_space<vmem>> -> memref<128xi32, #tpu.memory_space<vmem>>
        %dma_start3A_188 = arith.constant 0 : i32
        %dma_start3A_189 = arith.constant 0 : i32
        %dma_start3A_190 = tpu.memref_slice %arg4[%dma_start3A_188, %dma_start3A_189] : memref<10240x80xf32, #tpu.memory_space<hbm>> -> memref<10240x80xf32, #tpu.memory_space<hbm>>
        %dma_start3A_191 = tpu.memref_slice %arg13[%and3A_180] : memref<4x!tpu.dma_semaphore, #tpu.memory_space<semaphore_mem>> -> memref<1x!tpu.dma_semaphore, #tpu.memory_space<semaphore_mem>>
        %dma_start3A_192 = tpu.memref_squeeze %dma_start3A_191 : memref<1x!tpu.dma_semaphore, #tpu.memory_space<semaphore_mem>> -> memref<!tpu.dma_semaphore, #tpu.memory_space<semaphore_mem>>
        tpu.enqueue_indirect_dma source(%dma_start3A_190 : memref<10240x80xf32, #tpu.memory_space<hbm>>) target(%dma_start3A_184 : memref<128x80xf32, #tpu.memory_space<vmem>>) offsets(%dma_start3A_187 : memref<128xi32, #tpu.memory_space<vmem>>) semaphore(%dma_start3A_192 : memref<!tpu.dma_semaphore, #tpu.memory_space<semaphore_mem>>)
        %dma_start3A_193 = arith.constant 0 : i32
        %dma_start3A_194 = arith.constant 0 : i32
        %dma_start3A_195 = tpu.memref_slice %arg11[%and3A_180, %dma_start3A_193, %dma_start3A_194] : memref<4x128x16xf32, #tpu.memory_space<vmem>> -> memref<1x128x16xf32, #tpu.memory_space<vmem>>
        %dma_start3A_196 = tpu.memref_squeeze %dma_start3A_195 : memref<1x128x16xf32, #tpu.memory_space<vmem>> -> memref<128x16xf32, #tpu.memory_space<vmem>>
        %dma_start3A_197 = arith.constant 0 : i32
        %dma_start3A_198 = tpu.memref_slice %arg9[%sub3A_174, %dma_start3A_197] : memref<80x128xi32, #tpu.memory_space<vmem>> -> memref<1x128xi32, #tpu.memory_space<vmem>>
        %dma_start3A_199 = tpu.memref_squeeze %dma_start3A_198 : memref<1x128xi32, #tpu.memory_space<vmem>> -> memref<128xi32, #tpu.memory_space<vmem>>
        %dma_start3A_200 = arith.constant 0 : i32
        %dma_start3A_201 = arith.constant 0 : i32
        %dma_start3A_202 = tpu.memref_slice %arg5[%dma_start3A_200, %dma_start3A_201] : memref<10240x16xf32, #tpu.memory_space<hbm>> -> memref<10240x16xf32, #tpu.memory_space<hbm>>
        %dma_start3A_203 = tpu.memref_slice %arg13[%and3A_180] : memref<4x!tpu.dma_semaphore, #tpu.memory_space<semaphore_mem>> -> memref<1x!tpu.dma_semaphore, #tpu.memory_space<semaphore_mem>>
        %dma_start3A_204 = tpu.memref_squeeze %dma_start3A_203 : memref<1x!tpu.dma_semaphore, #tpu.memory_space<semaphore_mem>> -> memref<!tpu.dma_semaphore, #tpu.memory_space<semaphore_mem>>
        tpu.enqueue_indirect_dma source(%dma_start3A_202 : memref<10240x16xf32, #tpu.memory_space<hbm>>) target(%dma_start3A_196 : memref<128x16xf32, #tpu.memory_space<vmem>>) offsets(%dma_start3A_199 : memref<128xi32, #tpu.memory_space<vmem>>) semaphore(%dma_start3A_204 : memref<!tpu.dma_semaphore, #tpu.memory_space<semaphore_mem>>)
      } else {
      }
      %dma_wait3A = arith.constant 0 : i32
      %dma_wait3A_120 = arith.constant 0 : i32
      %dma_wait3A_121 = arith.constant 0 : i32
      %dma_wait3A_122 = tpu.memref_slice %arg10[%and3A_117, %dma_wait3A_120, %dma_wait3A_121] : memref<4x128x80xf32, #tpu.memory_space<vmem>> -> memref<1x128x80xf32, #tpu.memory_space<vmem>>
      %dma_wait3A_123 = tpu.memref_squeeze %dma_wait3A_122 : memref<1x128x80xf32, #tpu.memory_space<vmem>> -> memref<128x80xf32, #tpu.memory_space<vmem>>
      %dma_wait3A_124 = arith.constant 0 : i32
      %dma_wait3A_125 = tpu.memref_slice %arg8[%dma_wait3A, %dma_wait3A_124] : memref<80x128xi32, #tpu.memory_space<vmem>> -> memref<1x128xi32, #tpu.memory_space<vmem>>
      %dma_wait3A_126 = tpu.memref_squeeze %dma_wait3A_125 : memref<1x128xi32, #tpu.memory_space<vmem>> -> memref<128xi32, #tpu.memory_space<vmem>>
      %dma_wait3A_127 = arith.constant 0 : i32
      %dma_wait3A_128 = arith.constant 0 : i32
      %dma_wait3A_129 = tpu.memref_slice %arg4[%dma_wait3A_127, %dma_wait3A_128] : memref<10240x80xf32, #tpu.memory_space<hbm>> -> memref<10240x80xf32, #tpu.memory_space<hbm>>
      %dma_wait3A_130 = tpu.memref_slice %arg13[%and3A_117] : memref<4x!tpu.dma_semaphore, #tpu.memory_space<semaphore_mem>> -> memref<1x!tpu.dma_semaphore, #tpu.memory_space<semaphore_mem>>
      %dma_wait3A_131 = tpu.memref_squeeze %dma_wait3A_130 : memref<1x!tpu.dma_semaphore, #tpu.memory_space<semaphore_mem>> -> memref<!tpu.dma_semaphore, #tpu.memory_space<semaphore_mem>>
      tpu.wait_indirect_dma semaphore(%dma_wait3A_131 : memref<!tpu.dma_semaphore, #tpu.memory_space<semaphore_mem>>) src(%dma_wait3A_129 : memref<10240x80xf32, #tpu.memory_space<hbm>>) dst(%dma_wait3A_123 : memref<128x80xf32, #tpu.memory_space<vmem>>)
      %dma_wait3A_132 = arith.constant 0 : i32
      %dma_wait3A_133 = arith.constant 0 : i32
      %dma_wait3A_134 = arith.constant 0 : i32
      %dma_wait3A_135 = tpu.memref_slice %arg11[%and3A_117, %dma_wait3A_133, %dma_wait3A_134] : memref<4x128x16xf32, #tpu.memory_space<vmem>> -> memref<1x128x16xf32, #tpu.memory_space<vmem>>
      %dma_wait3A_136 = tpu.memref_squeeze %dma_wait3A_135 : memref<1x128x16xf32, #tpu.memory_space<vmem>> -> memref<128x16xf32, #tpu.memory_space<vmem>>
      %dma_wait3A_137 = arith.constant 0 : i32
      %dma_wait3A_138 = tpu.memref_slice %arg9[%dma_wait3A_132, %dma_wait3A_137] : memref<80x128xi32, #tpu.memory_space<vmem>> -> memref<1x128xi32, #tpu.memory_space<vmem>>
      %dma_wait3A_139 = tpu.memref_squeeze %dma_wait3A_138 : memref<1x128xi32, #tpu.memory_space<vmem>> -> memref<128xi32, #tpu.memory_space<vmem>>
      %dma_wait3A_140 = arith.constant 0 : i32
      %dma_wait3A_141 = arith.constant 0 : i32
      %dma_wait3A_142 = tpu.memref_slice %arg5[%dma_wait3A_140, %dma_wait3A_141] : memref<10240x16xf32, #tpu.memory_space<hbm>> -> memref<10240x16xf32, #tpu.memory_space<hbm>>
      %dma_wait3A_143 = tpu.memref_slice %arg13[%and3A_117] : memref<4x!tpu.dma_semaphore, #tpu.memory_space<semaphore_mem>> -> memref<1x!tpu.dma_semaphore, #tpu.memory_space<semaphore_mem>>
      %dma_wait3A_144 = tpu.memref_squeeze %dma_wait3A_143 : memref<1x!tpu.dma_semaphore, #tpu.memory_space<semaphore_mem>> -> memref<!tpu.dma_semaphore, #tpu.memory_space<semaphore_mem>>
      tpu.wait_indirect_dma semaphore(%dma_wait3A_144 : memref<!tpu.dma_semaphore, #tpu.memory_space<semaphore_mem>>) src(%dma_wait3A_142 : memref<10240x16xf32, #tpu.memory_space<hbm>>) dst(%dma_wait3A_136 : memref<128x16xf32, #tpu.memory_space<vmem>>)
      %parallel_loop3A = arith.constant 0 : i32
      %parallel_loop3A_145 = arith.constant 64 : i32
      %parallel_loop3A_146 = arith.constant 1 : i32
      scf.for %parallel_loop3A_172 = %parallel_loop3A to %parallel_loop3A_145 step %parallel_loop3A_146  : i32 {
        %parallel_loop3A_173 = arith.constant 2 : i32
        %parallel_loop3A_174 = arith.muli %parallel_loop3A_172, %parallel_loop3A_173 : i32
        %parallel_loop3A_175 = vector.broadcast %parallel_loop3A_174 : i32 to vector<16xi32>
        %parallel_loop3A_176 = arith.addi %parallel_loop3A_175, %shift_right_arithmetic3A_10 : vector<16xi32>
        %parallel_loop3A_177 = arith.constant 8 : i32
        %parallel_loop3A_178 = vector.broadcast %parallel_loop3A_177 : i32 to vector<16xi32>
        %parallel_loop3A_179 = arith.addi %and3A_12, %parallel_loop3A_178 : vector<16xi32>
        %parallel_loop3A_180 = arith.constant 0 : i32
        %parallel_loop3A_181 = arith.constant 0 : i32
        %parallel_loop3A_182 = tpu.memref_slice %arg11[%and3A_117, %parallel_loop3A_180, %parallel_loop3A_181] : memref<4x128x16xf32, #tpu.memory_space<vmem>> -> memref<1x128x16xf32, #tpu.memory_space<vmem>>
        %parallel_loop3A_183 = tpu.memref_squeeze %parallel_loop3A_182 : memref<1x128x16xf32, #tpu.memory_space<vmem>> -> memref<128x16xf32, #tpu.memory_space<vmem>>
        %parallel_loop3A_184 = tpu.vector_load_idx %parallel_loop3A_183[%parallel_loop3A_176, %parallel_loop3A_179] : memref<128x16xf32, #tpu.memory_space<vmem>>[vector<16xi32>, vector<16xi32>], vector<16xf32>,
        %parallel_loop3A_185 = arith.constant 0 : i32
        %parallel_loop3A_186 = arith.constant 0 : i32
        %parallel_loop3A_187 = tpu.memref_slice %arg10[%and3A_117, %parallel_loop3A_185, %parallel_loop3A_186] : memref<4x128x80xf32, #tpu.memory_space<vmem>> -> memref<1x128x80xf32, #tpu.memory_space<vmem>>
        %parallel_loop3A_188 = tpu.memref_squeeze %parallel_loop3A_187 : memref<1x128x80xf32, #tpu.memory_space<vmem>> -> memref<128x80xf32, #tpu.memory_space<vmem>>
        %parallel_loop3A_189 = tpu.vector_load_idx %parallel_loop3A_188[%parallel_loop3A_176, %add3A_15] : memref<128x80xf32, #tpu.memory_space<vmem>>[vector<16xi32>, vector<16xi32>], vector<16xf32>,
        %parallel_loop3A_190 = arith.addf %parallel_loop3A_189, %parallel_loop3A_184 : vector<16xf32>
        %parallel_loop3A_191 = arith.constant 2.000000e-01 : f32
        %parallel_loop3A_192 = vector.broadcast %parallel_loop3A_191 : f32 to vector<16xf32>
        %parallel_loop3A_193 = arith.mulf %parallel_loop3A_192, %parallel_loop3A_190 : vector<16xf32>
        %parallel_loop3A_194 = arith.maximumf %parallel_loop3A_190, %parallel_loop3A_193 : vector<16xf32>
        %parallel_loop3A_195 = math.exp %parallel_loop3A_194 : vector<16xf32>
        %parallel_loop3A_196 = arith.constant 0 : i32
        %parallel_loop3A_197 = arith.constant 0 : i32
        %parallel_loop3A_198 = tpu.memref_slice %arg10[%and3A_117, %parallel_loop3A_196, %parallel_loop3A_197] : memref<4x128x80xf32, #tpu.memory_space<vmem>> -> memref<1x128x80xf32, #tpu.memory_space<vmem>>
        %parallel_loop3A_199 = tpu.memref_squeeze %parallel_loop3A_198 : memref<1x128x80xf32, #tpu.memory_space<vmem>> -> memref<128x80xf32, #tpu.memory_space<vmem>>
        tpu.vector_store_idx %parallel_loop3A_199[%parallel_loop3A_176, %add3A_15], %parallel_loop3A_195 : memref<128x80xf32, #tpu.memory_space<vmem>>[vector<16xi32>, vector<16xi32>], vector<16xf32>,
        %parallel_loop3A_200 = arith.constant 0 : i32
        %parallel_loop3A_201 = arith.addi %parallel_loop3A_174, %parallel_loop3A_200 : i32
        %parallel_loop3A_202 = vector.broadcast %parallel_loop3A_201 : i32 to vector<16xi32>
        %parallel_loop3A_203 = arith.constant 64 : i32
        %parallel_loop3A_204 = vector.broadcast %parallel_loop3A_203 : i32 to vector<16xi32>
        %parallel_loop3A_205 = arith.addi %shift_right_arithmetic3A_10, %parallel_loop3A_204 : vector<16xi32>
        %parallel_loop3A_206 = arith.constant 0 : i32
        %parallel_loop3A_207 = arith.constant 0 : i32
        %parallel_loop3A_208 = tpu.memref_slice %arg10[%and3A_117, %parallel_loop3A_206, %parallel_loop3A_207] : memref<4x128x80xf32, #tpu.memory_space<vmem>> -> memref<1x128x80xf32, #tpu.memory_space<vmem>>
        %parallel_loop3A_209 = tpu.memref_squeeze %parallel_loop3A_208 : memref<1x128x80xf32, #tpu.memory_space<vmem>> -> memref<128x80xf32, #tpu.memory_space<vmem>>
        %parallel_loop3A_210 = tpu.vector_load_idx %parallel_loop3A_209[%parallel_loop3A_202, %parallel_loop3A_205] : memref<128x80xf32, #tpu.memory_space<vmem>>[vector<16xi32>, vector<16xi32>], vector<16xf32>,
        %parallel_loop3A_211 = arith.index_cast %and3A_117 : i32 to index
        %parallel_loop3A_212 = arith.index_cast %parallel_loop3A_201 : i32 to index
        %parallel_loop3A_213 = arith.constant 0 : index
        %parallel_loop3A_214 = tpu.vector_load %arg10[%parallel_loop3A_211, %parallel_loop3A_212, %parallel_loop3A_213] {strides = array<i32>} : memref<4x128x80xf32, #tpu.memory_space<vmem>>, vector<16xf32>,
        %parallel_loop3A_215 = arith.mulf %parallel_loop3A_214, %parallel_loop3A_210 : vector<16xf32>
        %parallel_loop3A_216 = arith.index_cast %and3A_117 : i32 to index
        %parallel_loop3A_217 = arith.index_cast %parallel_loop3A_201 : i32 to index
        %parallel_loop3A_218 = arith.constant 0 : index
        %parallel_loop3A_219 = tpu.vector_load %arg10[%parallel_loop3A_216, %parallel_loop3A_217, %parallel_loop3A_218] {strides = array<i32>} : memref<4x128x80xf32, #tpu.memory_space<vmem>>, vector<16xf32>,
        tpu.vector_store %arg10[%parallel_loop3A_216, %parallel_loop3A_217, %parallel_loop3A_218], %parallel_loop3A_215 {strides = array<i32>} : memref<4x128x80xf32, #tpu.memory_space<vmem>>, vector<16xf32>,
        %parallel_loop3A_220 = arith.constant 66 : i32
        %parallel_loop3A_221 = vector.broadcast %parallel_loop3A_220 : i32 to vector<16xi32>
        %parallel_loop3A_222 = arith.addi %shift_right_arithmetic3A_10, %parallel_loop3A_221 : vector<16xi32>
        %parallel_loop3A_223 = arith.constant 0 : i32
        %parallel_loop3A_224 = arith.constant 0 : i32
        %parallel_loop3A_225 = tpu.memref_slice %arg10[%and3A_117, %parallel_loop3A_223, %parallel_loop3A_224] : memref<4x128x80xf32, #tpu.memory_space<vmem>> -> memref<1x128x80xf32, #tpu.memory_space<vmem>>
        %parallel_loop3A_226 = tpu.memref_squeeze %parallel_loop3A_225 : memref<1x128x80xf32, #tpu.memory_space<vmem>> -> memref<128x80xf32, #tpu.memory_space<vmem>>
        %parallel_loop3A_227 = tpu.vector_load_idx %parallel_loop3A_226[%parallel_loop3A_202, %parallel_loop3A_222] : memref<128x80xf32, #tpu.memory_space<vmem>>[vector<16xi32>, vector<16xi32>], vector<16xf32>,
        %parallel_loop3A_228 = arith.index_cast %and3A_117 : i32 to index
        %parallel_loop3A_229 = arith.index_cast %parallel_loop3A_201 : i32 to index
        %parallel_loop3A_230 = arith.constant 16 : index
        %parallel_loop3A_231 = tpu.vector_load %arg10[%parallel_loop3A_228, %parallel_loop3A_229, %parallel_loop3A_230] {strides = array<i32>} : memref<4x128x80xf32, #tpu.memory_space<vmem>>, vector<16xf32>,
        %parallel_loop3A_232 = arith.mulf %parallel_loop3A_231, %parallel_loop3A_227 : vector<16xf32>
        %parallel_loop3A_233 = arith.index_cast %and3A_117 : i32 to index
        %parallel_loop3A_234 = arith.index_cast %parallel_loop3A_201 : i32 to index
        %parallel_loop3A_235 = arith.constant 16 : index
        %parallel_loop3A_236 = tpu.vector_load %arg10[%parallel_loop3A_233, %parallel_loop3A_234, %parallel_loop3A_235] {strides = array<i32>} : memref<4x128x80xf32, #tpu.memory_space<vmem>>, vector<16xf32>,
        tpu.vector_store %arg10[%parallel_loop3A_233, %parallel_loop3A_234, %parallel_loop3A_235], %parallel_loop3A_232 {strides = array<i32>} : memref<4x128x80xf32, #tpu.memory_space<vmem>>, vector<16xf32>,
        %parallel_loop3A_237 = arith.constant 68 : i32
        %parallel_loop3A_238 = vector.broadcast %parallel_loop3A_237 : i32 to vector<16xi32>
        %parallel_loop3A_239 = arith.addi %shift_right_arithmetic3A_10, %parallel_loop3A_238 : vector<16xi32>
        %parallel_loop3A_240 = arith.constant 0 : i32
        %parallel_loop3A_241 = arith.constant 0 : i32
        %parallel_loop3A_242 = tpu.memref_slice %arg10[%and3A_117, %parallel_loop3A_240, %parallel_loop3A_241] : memref<4x128x80xf32, #tpu.memory_space<vmem>> -> memref<1x128x80xf32, #tpu.memory_space<vmem>>
        %parallel_loop3A_243 = tpu.memref_squeeze %parallel_loop3A_242 : memref<1x128x80xf32, #tpu.memory_space<vmem>> -> memref<128x80xf32, #tpu.memory_space<vmem>>
        %parallel_loop3A_244 = tpu.vector_load_idx %parallel_loop3A_243[%parallel_loop3A_202, %parallel_loop3A_239] : memref<128x80xf32, #tpu.memory_space<vmem>>[vector<16xi32>, vector<16xi32>], vector<16xf32>,
        %parallel_loop3A_245 = arith.index_cast %and3A_117 : i32 to index
        %parallel_loop3A_246 = arith.index_cast %parallel_loop3A_201 : i32 to index
        %parallel_loop3A_247 = arith.constant 32 : index
        %parallel_loop3A_248 = tpu.vector_load %arg10[%parallel_loop3A_245, %parallel_loop3A_246, %parallel_loop3A_247] {strides = array<i32>} : memref<4x128x80xf32, #tpu.memory_space<vmem>>, vector<16xf32>,
        %parallel_loop3A_249 = arith.mulf %parallel_loop3A_248, %parallel_loop3A_244 : vector<16xf32>
        %parallel_loop3A_250 = arith.index_cast %and3A_117 : i32 to index
        %parallel_loop3A_251 = arith.index_cast %parallel_loop3A_201 : i32 to index
        %parallel_loop3A_252 = arith.constant 32 : index
        %parallel_loop3A_253 = tpu.vector_load %arg10[%parallel_loop3A_250, %parallel_loop3A_251, %parallel_loop3A_252] {strides = array<i32>} : memref<4x128x80xf32, #tpu.memory_space<vmem>>, vector<16xf32>,
        tpu.vector_store %arg10[%parallel_loop3A_250, %parallel_loop3A_251, %parallel_loop3A_252], %parallel_loop3A_249 {strides = array<i32>} : memref<4x128x80xf32, #tpu.memory_space<vmem>>, vector<16xf32>,
        %parallel_loop3A_254 = arith.constant 70 : i32
        %parallel_loop3A_255 = vector.broadcast %parallel_loop3A_254 : i32 to vector<16xi32>
        %parallel_loop3A_256 = arith.addi %shift_right_arithmetic3A_10, %parallel_loop3A_255 : vector<16xi32>
        %parallel_loop3A_257 = arith.constant 0 : i32
        %parallel_loop3A_258 = arith.constant 0 : i32
        %parallel_loop3A_259 = tpu.memref_slice %arg10[%and3A_117, %parallel_loop3A_257, %parallel_loop3A_258] : memref<4x128x80xf32, #tpu.memory_space<vmem>> -> memref<1x128x80xf32, #tpu.memory_space<vmem>>
        %parallel_loop3A_260 = tpu.memref_squeeze %parallel_loop3A_259 : memref<1x128x80xf32, #tpu.memory_space<vmem>> -> memref<128x80xf32, #tpu.memory_space<vmem>>
        %parallel_loop3A_261 = tpu.vector_load_idx %parallel_loop3A_260[%parallel_loop3A_202, %parallel_loop3A_256] : memref<128x80xf32, #tpu.memory_space<vmem>>[vector<16xi32>, vector<16xi32>], vector<16xf32>,
        %parallel_loop3A_262 = arith.index_cast %and3A_117 : i32 to index
        %parallel_loop3A_263 = arith.index_cast %parallel_loop3A_201 : i32 to index
        %parallel_loop3A_264 = arith.constant 48 : index
        %parallel_loop3A_265 = tpu.vector_load %arg10[%parallel_loop3A_262, %parallel_loop3A_263, %parallel_loop3A_264] {strides = array<i32>} : memref<4x128x80xf32, #tpu.memory_space<vmem>>, vector<16xf32>,
        %parallel_loop3A_266 = arith.mulf %parallel_loop3A_265, %parallel_loop3A_261 : vector<16xf32>
        %parallel_loop3A_267 = arith.index_cast %and3A_117 : i32 to index
        %parallel_loop3A_268 = arith.index_cast %parallel_loop3A_201 : i32 to index
        %parallel_loop3A_269 = arith.constant 48 : index
        %parallel_loop3A_270 = tpu.vector_load %arg10[%parallel_loop3A_267, %parallel_loop3A_268, %parallel_loop3A_269] {strides = array<i32>} : memref<4x128x80xf32, #tpu.memory_space<vmem>>, vector<16xf32>,
        tpu.vector_store %arg10[%parallel_loop3A_267, %parallel_loop3A_268, %parallel_loop3A_269], %parallel_loop3A_266 {strides = array<i32>} : memref<4x128x80xf32, #tpu.memory_space<vmem>>, vector<16xf32>,
        %parallel_loop3A_271 = arith.constant 1 : i32
        %parallel_loop3A_272 = arith.addi %parallel_loop3A_174, %parallel_loop3A_271 : i32
        %parallel_loop3A_273 = vector.broadcast %parallel_loop3A_272 : i32 to vector<16xi32>
        %parallel_loop3A_274 = arith.constant 64 : i32
        %parallel_loop3A_275 = vector.broadcast %parallel_loop3A_274 : i32 to vector<16xi32>
        %parallel_loop3A_276 = arith.addi %shift_right_arithmetic3A_10, %parallel_loop3A_275 : vector<16xi32>
        %parallel_loop3A_277 = arith.constant 0 : i32
        %parallel_loop3A_278 = arith.constant 0 : i32
        %parallel_loop3A_279 = tpu.memref_slice %arg10[%and3A_117, %parallel_loop3A_277, %parallel_loop3A_278] : memref<4x128x80xf32, #tpu.memory_space<vmem>> -> memref<1x128x80xf32, #tpu.memory_space<vmem>>
        %parallel_loop3A_280 = tpu.memref_squeeze %parallel_loop3A_279 : memref<1x128x80xf32, #tpu.memory_space<vmem>> -> memref<128x80xf32, #tpu.memory_space<vmem>>
        %parallel_loop3A_281 = tpu.vector_load_idx %parallel_loop3A_280[%parallel_loop3A_273, %parallel_loop3A_276] : memref<128x80xf32, #tpu.memory_space<vmem>>[vector<16xi32>, vector<16xi32>], vector<16xf32>,
        %parallel_loop3A_282 = arith.index_cast %and3A_117 : i32 to index
        %parallel_loop3A_283 = arith.index_cast %parallel_loop3A_272 : i32 to index
        %parallel_loop3A_284 = arith.constant 0 : index
        %parallel_loop3A_285 = tpu.vector_load %arg10[%parallel_loop3A_282, %parallel_loop3A_283, %parallel_loop3A_284] {strides = array<i32>} : memref<4x128x80xf32, #tpu.memory_space<vmem>>, vector<16xf32>,
        %parallel_loop3A_286 = arith.mulf %parallel_loop3A_285, %parallel_loop3A_281 : vector<16xf32>
        %parallel_loop3A_287 = arith.index_cast %and3A_117 : i32 to index
        %parallel_loop3A_288 = arith.index_cast %parallel_loop3A_272 : i32 to index
        %parallel_loop3A_289 = arith.constant 0 : index
        %parallel_loop3A_290 = tpu.vector_load %arg10[%parallel_loop3A_287, %parallel_loop3A_288, %parallel_loop3A_289] {strides = array<i32>} : memref<4x128x80xf32, #tpu.memory_space<vmem>>, vector<16xf32>,
        tpu.vector_store %arg10[%parallel_loop3A_287, %parallel_loop3A_288, %parallel_loop3A_289], %parallel_loop3A_286 {strides = array<i32>} : memref<4x128x80xf32, #tpu.memory_space<vmem>>, vector<16xf32>,
        %parallel_loop3A_291 = arith.constant 66 : i32
        %parallel_loop3A_292 = vector.broadcast %parallel_loop3A_291 : i32 to vector<16xi32>
        %parallel_loop3A_293 = arith.addi %shift_right_arithmetic3A_10, %parallel_loop3A_292 : vector<16xi32>
        %parallel_loop3A_294 = arith.constant 0 : i32
        %parallel_loop3A_295 = arith.constant 0 : i32
        %parallel_loop3A_296 = tpu.memref_slice %arg10[%and3A_117, %parallel_loop3A_294, %parallel_loop3A_295] : memref<4x128x80xf32, #tpu.memory_space<vmem>> -> memref<1x128x80xf32, #tpu.memory_space<vmem>>
        %parallel_loop3A_297 = tpu.memref_squeeze %parallel_loop3A_296 : memref<1x128x80xf32, #tpu.memory_space<vmem>> -> memref<128x80xf32, #tpu.memory_space<vmem>>
        %parallel_loop3A_298 = tpu.vector_load_idx %parallel_loop3A_297[%parallel_loop3A_273, %parallel_loop3A_293] : memref<128x80xf32, #tpu.memory_space<vmem>>[vector<16xi32>, vector<16xi32>], vector<16xf32>,
        %parallel_loop3A_299 = arith.index_cast %and3A_117 : i32 to index
        %parallel_loop3A_300 = arith.index_cast %parallel_loop3A_272 : i32 to index
        %parallel_loop3A_301 = arith.constant 16 : index
        %parallel_loop3A_302 = tpu.vector_load %arg10[%parallel_loop3A_299, %parallel_loop3A_300, %parallel_loop3A_301] {strides = array<i32>} : memref<4x128x80xf32, #tpu.memory_space<vmem>>, vector<16xf32>,
        %parallel_loop3A_303 = arith.mulf %parallel_loop3A_302, %parallel_loop3A_298 : vector<16xf32>
        %parallel_loop3A_304 = arith.index_cast %and3A_117 : i32 to index
        %parallel_loop3A_305 = arith.index_cast %parallel_loop3A_272 : i32 to index
        %parallel_loop3A_306 = arith.constant 16 : index
        %parallel_loop3A_307 = tpu.vector_load %arg10[%parallel_loop3A_304, %parallel_loop3A_305, %parallel_loop3A_306] {strides = array<i32>} : memref<4x128x80xf32, #tpu.memory_space<vmem>>, vector<16xf32>,
        tpu.vector_store %arg10[%parallel_loop3A_304, %parallel_loop3A_305, %parallel_loop3A_306], %parallel_loop3A_303 {strides = array<i32>} : memref<4x128x80xf32, #tpu.memory_space<vmem>>, vector<16xf32>,
        %parallel_loop3A_308 = arith.constant 68 : i32
        %parallel_loop3A_309 = vector.broadcast %parallel_loop3A_308 : i32 to vector<16xi32>
        %parallel_loop3A_310 = arith.addi %shift_right_arithmetic3A_10, %parallel_loop3A_309 : vector<16xi32>
        %parallel_loop3A_311 = arith.constant 0 : i32
        %parallel_loop3A_312 = arith.constant 0 : i32
        %parallel_loop3A_313 = tpu.memref_slice %arg10[%and3A_117, %parallel_loop3A_311, %parallel_loop3A_312] : memref<4x128x80xf32, #tpu.memory_space<vmem>> -> memref<1x128x80xf32, #tpu.memory_space<vmem>>
        %parallel_loop3A_314 = tpu.memref_squeeze %parallel_loop3A_313 : memref<1x128x80xf32, #tpu.memory_space<vmem>> -> memref<128x80xf32, #tpu.memory_space<vmem>>
        %parallel_loop3A_315 = tpu.vector_load_idx %parallel_loop3A_314[%parallel_loop3A_273, %parallel_loop3A_310] : memref<128x80xf32, #tpu.memory_space<vmem>>[vector<16xi32>, vector<16xi32>], vector<16xf32>,
        %parallel_loop3A_316 = arith.index_cast %and3A_117 : i32 to index
        %parallel_loop3A_317 = arith.index_cast %parallel_loop3A_272 : i32 to index
        %parallel_loop3A_318 = arith.constant 32 : index
        %parallel_loop3A_319 = tpu.vector_load %arg10[%parallel_loop3A_316, %parallel_loop3A_317, %parallel_loop3A_318] {strides = array<i32>} : memref<4x128x80xf32, #tpu.memory_space<vmem>>, vector<16xf32>,
        %parallel_loop3A_320 = arith.mulf %parallel_loop3A_319, %parallel_loop3A_315 : vector<16xf32>
        %parallel_loop3A_321 = arith.index_cast %and3A_117 : i32 to index
        %parallel_loop3A_322 = arith.index_cast %parallel_loop3A_272 : i32 to index
        %parallel_loop3A_323 = arith.constant 32 : index
        %parallel_loop3A_324 = tpu.vector_load %arg10[%parallel_loop3A_321, %parallel_loop3A_322, %parallel_loop3A_323] {strides = array<i32>} : memref<4x128x80xf32, #tpu.memory_space<vmem>>, vector<16xf32>,
        tpu.vector_store %arg10[%parallel_loop3A_321, %parallel_loop3A_322, %parallel_loop3A_323], %parallel_loop3A_320 {strides = array<i32>} : memref<4x128x80xf32, #tpu.memory_space<vmem>>, vector<16xf32>,
        %parallel_loop3A_325 = arith.constant 70 : i32
        %parallel_loop3A_326 = vector.broadcast %parallel_loop3A_325 : i32 to vector<16xi32>
        %parallel_loop3A_327 = arith.addi %shift_right_arithmetic3A_10, %parallel_loop3A_326 : vector<16xi32>
        %parallel_loop3A_328 = arith.constant 0 : i32
        %parallel_loop3A_329 = arith.constant 0 : i32
        %parallel_loop3A_330 = tpu.memref_slice %arg10[%and3A_117, %parallel_loop3A_328, %parallel_loop3A_329] : memref<4x128x80xf32, #tpu.memory_space<vmem>> -> memref<1x128x80xf32, #tpu.memory_space<vmem>>
        %parallel_loop3A_331 = tpu.memref_squeeze %parallel_loop3A_330 : memref<1x128x80xf32, #tpu.memory_space<vmem>> -> memref<128x80xf32, #tpu.memory_space<vmem>>
        %parallel_loop3A_332 = tpu.vector_load_idx %parallel_loop3A_331[%parallel_loop3A_273, %parallel_loop3A_327] : memref<128x80xf32, #tpu.memory_space<vmem>>[vector<16xi32>, vector<16xi32>], vector<16xf32>,
        %parallel_loop3A_333 = arith.index_cast %and3A_117 : i32 to index
        %parallel_loop3A_334 = arith.index_cast %parallel_loop3A_272 : i32 to index
        %parallel_loop3A_335 = arith.constant 48 : index
        %parallel_loop3A_336 = tpu.vector_load %arg10[%parallel_loop3A_333, %parallel_loop3A_334, %parallel_loop3A_335] {strides = array<i32>} : memref<4x128x80xf32, #tpu.memory_space<vmem>>, vector<16xf32>,
        %parallel_loop3A_337 = arith.mulf %parallel_loop3A_336, %parallel_loop3A_332 : vector<16xf32>
        %parallel_loop3A_338 = arith.index_cast %and3A_117 : i32 to index
        %parallel_loop3A_339 = arith.index_cast %parallel_loop3A_272 : i32 to index
        %parallel_loop3A_340 = arith.constant 48 : index
        %parallel_loop3A_341 = tpu.vector_load %arg10[%parallel_loop3A_338, %parallel_loop3A_339, %parallel_loop3A_340] {strides = array<i32>} : memref<4x128x80xf32, #tpu.memory_space<vmem>>, vector<16xf32>,
        tpu.vector_store %arg10[%parallel_loop3A_338, %parallel_loop3A_339, %parallel_loop3A_340], %parallel_loop3A_337 {strides = array<i32>} : memref<4x128x80xf32, #tpu.memory_space<vmem>>, vector<16xf32>,
      } {sc.loop_unroll_factor = 4 : i64, sc.parallel_access}
      %dma_start3A_147 = arith.constant 0 : i32
      %dma_start3A_148 = arith.constant 0 : i32
      %dma_start3A_149 = tpu.memref_slice %arg10[%and3A_117, %dma_start3A_147, %dma_start3A_148] : memref<4x128x80xf32, #tpu.memory_space<vmem>> -> memref<1x128x80xf32, #tpu.memory_space<vmem>>
      %dma_start3A_150 = tpu.memref_squeeze %dma_start3A_149 : memref<1x128x80xf32, #tpu.memory_space<vmem>> -> memref<128x80xf32, #tpu.memory_space<vmem>>
      %dma_start3A_151 = arith.constant 0 : i32
      %dma_start3A_152 = tpu.memref_slice %arg9[%scan3A_115, %dma_start3A_151] : memref<80x128xi32, #tpu.memory_space<vmem>> -> memref<1x128xi32, #tpu.memory_space<vmem>>
      %dma_start3A_153 = tpu.memref_squeeze %dma_start3A_152 : memref<1x128xi32, #tpu.memory_space<vmem>> -> memref<128xi32, #tpu.memory_space<vmem>>
      %dma_start3A_154 = arith.constant 0 : i32
      %dma_start3A_155 = arith.constant 0 : i32
      %dma_start3A_156 = tpu.memref_slice %arg12[%dma_start3A_154, %dma_start3A_155] : memref<10240x80xf32, #tpu.memory_space<vmem_shared>> -> memref<10240x80xf32, #tpu.memory_space<vmem_shared>>
      %dma_start3A_157 = tpu.memref_slice %arg14[%and3A_117] : memref<4x!tpu.dma_semaphore, #tpu.memory_space<semaphore_mem>> -> memref<1x!tpu.dma_semaphore, #tpu.memory_space<semaphore_mem>>
      %dma_start3A_158 = tpu.memref_squeeze %dma_start3A_157 : memref<1x!tpu.dma_semaphore, #tpu.memory_space<semaphore_mem>> -> memref<!tpu.dma_semaphore, #tpu.memory_space<semaphore_mem>>
      tpu.enqueue_indirect_dma source(%dma_start3A_150 : memref<128x80xf32, #tpu.memory_space<vmem>>) target(%dma_start3A_156 : memref<10240x80xf32, #tpu.memory_space<vmem_shared>>) offsets(%dma_start3A_153 : memref<128xi32, #tpu.memory_space<vmem>>) semaphore(%dma_start3A_158 : memref<!tpu.dma_semaphore, #tpu.memory_space<semaphore_mem>>) {add = true}
      %dma_wait3A_159 = arith.constant 0 : i32
      %dma_wait3A_160 = arith.constant 0 : i32
      %dma_wait3A_161 = arith.constant 0 : i32
      %dma_wait3A_162 = tpu.memref_slice %arg10[%and3A_117, %dma_wait3A_160, %dma_wait3A_161] : memref<4x128x80xf32, #tpu.memory_space<vmem>> -> memref<1x128x80xf32, #tpu.memory_space<vmem>>
      %dma_wait3A_163 = tpu.memref_squeeze %dma_wait3A_162 : memref<1x128x80xf32, #tpu.memory_space<vmem>> -> memref<128x80xf32, #tpu.memory_space<vmem>>
      %dma_wait3A_164 = arith.constant 0 : i32
      %dma_wait3A_165 = tpu.memref_slice %arg9[%dma_wait3A_159, %dma_wait3A_164] : memref<80x128xi32, #tpu.memory_space<vmem>> -> memref<1x128xi32, #tpu.memory_space<vmem>>
      %dma_wait3A_166 = tpu.memref_squeeze %dma_wait3A_165 : memref<1x128xi32, #tpu.memory_space<vmem>> -> memref<128xi32, #tpu.memory_space<vmem>>
      %dma_wait3A_167 = arith.constant 0 : i32
      %dma_wait3A_168 = arith.constant 0 : i32
      %dma_wait3A_169 = tpu.memref_slice %arg12[%dma_wait3A_167, %dma_wait3A_168] : memref<10240x80xf32, #tpu.memory_space<vmem_shared>> -> memref<10240x80xf32, #tpu.memory_space<vmem_shared>>
      %dma_wait3A_170 = tpu.memref_slice %arg14[%and3A_117] : memref<4x!tpu.dma_semaphore, #tpu.memory_space<semaphore_mem>> -> memref<1x!tpu.dma_semaphore, #tpu.memory_space<semaphore_mem>>
      %dma_wait3A_171 = tpu.memref_squeeze %dma_wait3A_170 : memref<1x!tpu.dma_semaphore, #tpu.memory_space<semaphore_mem>> -> memref<!tpu.dma_semaphore, #tpu.memory_space<semaphore_mem>>
      tpu.wait_indirect_dma semaphore(%dma_wait3A_171 : memref<!tpu.dma_semaphore, #tpu.memory_space<semaphore_mem>>) src(%dma_wait3A_163 : memref<128x80xf32, #tpu.memory_space<vmem>>) dst(%dma_wait3A_169 : memref<10240x80xf32, #tpu.memory_space<vmem_shared>>)
    }
    %scan3A_109 = arith.constant 80 : i32
    %barrier3A_110 = arith.constant 0 : index
    tpu.barrier barrier_id(%barrier3A_110)
    %mul3A_111 = arith.constant 640 : i32
    %mul3A_112 = arith.muli %arg1, %mul3A_111 : i32
    %mul3A_113 = arith.constant 640 : i32
    %mul3A_114 = arith.muli %arg1, %mul3A_113 : i32
    "tpu.region"() ({
      %run_scoped3A = tpu.sem_alloc : memref<!tpu.dma_semaphore, #tpu.memory_space<semaphore_mem>>
      %dma_start3A_115 = arith.constant 0 : i32
      %dma_start3A_116 = tpu.memref_slice %arg7[%arg0, %mul3A_114, %dma_start3A_115] : memref<2x10240x80xf32, #tpu.memory_space<hbm>> -> memref<1x640x80xf32, #tpu.memory_space<hbm>>
      %dma_start3A_117 = tpu.memref_squeeze %dma_start3A_116 : memref<1x640x80xf32, #tpu.memory_space<hbm>> -> memref<640x80xf32, #tpu.memory_space<hbm>>
      %dma_start3A_118 = arith.constant 0 : i32
      %dma_start3A_119 = tpu.memref_slice %arg12[%mul3A_112, %dma_start3A_118] : memref<10240x80xf32, #tpu.memory_space<vmem_shared>> -> memref<640x80xf32, #tpu.memory_space<vmem_shared>>
      tpu.enqueue_dma source(%dma_start3A_119 : memref<640x80xf32, #tpu.memory_space<vmem_shared>>) target(%dma_start3A_117 : memref<640x80xf32, #tpu.memory_space<hbm>>) target_semaphore(%run_scoped3A : memref<!tpu.dma_semaphore, #tpu.memory_space<semaphore_mem>>)
      %dma_wait3A = arith.constant 0 : i32
      %dma_wait3A_120 = tpu.memref_slice %arg7[%arg0, %mul3A_114, %dma_wait3A] : memref<2x10240x80xf32, #tpu.memory_space<hbm>> -> memref<1x640x80xf32, #tpu.memory_space<hbm>>
      %dma_wait3A_121 = tpu.memref_squeeze %dma_wait3A_120 : memref<1x640x80xf32, #tpu.memory_space<hbm>> -> memref<640x80xf32, #tpu.memory_space<hbm>>
      %dma_wait3A_122 = arith.constant 0 : i32
      %dma_wait3A_123 = tpu.memref_slice %arg12[%mul3A_112, %dma_wait3A_122] : memref<10240x80xf32, #tpu.memory_space<vmem_shared>> -> memref<640x80xf32, #tpu.memory_space<vmem_shared>>
      tpu.wait_dma2 semaphore(%run_scoped3A : memref<!tpu.dma_semaphore, #tpu.memory_space<semaphore_mem>>) src(%dma_wait3A_123 : memref<640x80xf32, #tpu.memory_space<vmem_shared>>) dst(%dma_wait3A_121 : memref<640x80xf32, #tpu.memory_space<hbm>>)
      tpu.yield
    }) : () -> ()
    return
  }
}

#map = affine_map<(d0, d1) -> (0, 0)>
#map1 = affine_map<(d0, d1) -> (0)>
#map2 = affine_map<(d0, d1) -> (0, 0, 0)>
module attributes {stable_mosaic.version = 14 : i64} {
  func.func @_s2_body(%arg0: i32, %arg1: i32, %arg2: memref<2560x128xi32, #tpu.memory_space<hbm>>, %arg3: memref<2560x128xi32, #tpu.memory_space<hbm>>, %arg4: memref<10240xf32, #tpu.memory_space<hbm>>, %arg5: memref<10240x16xf32, #tpu.memory_space<hbm>>, %arg6: memref<2x16xf32, #tpu.memory_space<hbm>>, %arg7: memref<2x10240x16xf32, #tpu.memory_space<hbm>>, %arg8: memref<80x128xi32, #tpu.memory_space<vmem>>, %arg9: memref<80x128xi32, #tpu.memory_space<vmem>>, %arg10: memref<10240xf32, #tpu.memory_space<vmem>>, %arg11: memref<1024x16xf32, #tpu.memory_space<vmem>>, %arg12: memref<2x16xf32, #tpu.memory_space<vmem>>, %arg13: memref<10240x16xf32, #tpu.memory_space<vmem_shared>>, %arg14: memref<!tpu.dma_semaphore, #tpu.memory_space<semaphore_mem>>) attributes {dimension_semantics = [#tpu.dimension_semantics<core_parallel>, #tpu.dimension_semantics<subcore_parallel>], iteration_bounds = array<i64: 2, 16>, scalar_prefetch = 0 : i64, scratch_operands = 7 : i64, tpu.core_type = #tpu.core_type<sc_vector_subcore>, window_params = [{transform_indices = #map}, {transform_indices = #map}, {transform_indices = #map1}, {transform_indices = #map}, {transform_indices = #map}, {transform_indices = #map2}]} {
    %mul3A = arith.constant 16 : i32
    %mul3A_0 = arith.muli %arg0, %mul3A : i32
    %add3A = arith.addi %mul3A_0, %arg1 : i32
    %mul3A_1 = arith.constant 640 : i32
    %mul3A_2 = arith.muli %arg1, %mul3A_1 : i32
    %mul3A_3 = arith.constant 640 : i32
    %mul3A_4 = arith.muli %arg1, %mul3A_3 : i32
    "tpu.region"() ({
      %run_scoped3A = tpu.sem_alloc : memref<!tpu.dma_semaphore, #tpu.memory_space<semaphore_mem>>
      %dma_start3A = arith.constant 0 : i32
      %dma_start3A_30 = tpu.memref_slice %arg13[%mul3A_4, %dma_start3A] : memref<10240x16xf32, #tpu.memory_space<vmem_shared>> -> memref<640x16xf32, #tpu.memory_space<vmem_shared>>
      %dma_start3A_31 = arith.constant 0 : i32
      %dma_start3A_32 = tpu.memref_slice %arg5[%mul3A_2, %dma_start3A_31] : memref<10240x16xf32, #tpu.memory_space<hbm>> -> memref<640x16xf32, #tpu.memory_space<hbm>>
      tpu.enqueue_dma source(%dma_start3A_32 : memref<640x16xf32, #tpu.memory_space<hbm>>) target(%dma_start3A_30 : memref<640x16xf32, #tpu.memory_space<vmem_shared>>) target_semaphore(%run_scoped3A : memref<!tpu.dma_semaphore, #tpu.memory_space<semaphore_mem>>)
      %dma_wait3A = arith.constant 0 : i32
      %dma_wait3A_33 = tpu.memref_slice %arg13[%mul3A_4, %dma_wait3A] : memref<10240x16xf32, #tpu.memory_space<vmem_shared>> -> memref<640x16xf32, #tpu.memory_space<vmem_shared>>
      %dma_wait3A_34 = arith.constant 0 : i32
      %dma_wait3A_35 = tpu.memref_slice %arg5[%mul3A_2, %dma_wait3A_34] : memref<10240x16xf32, #tpu.memory_space<hbm>> -> memref<640x16xf32, #tpu.memory_space<hbm>>
      tpu.wait_dma2 semaphore(%run_scoped3A : memref<!tpu.dma_semaphore, #tpu.memory_space<semaphore_mem>>) src(%dma_wait3A_35 : memref<640x16xf32, #tpu.memory_space<hbm>>) dst(%dma_wait3A_33 : memref<640x16xf32, #tpu.memory_space<vmem_shared>>)
      tpu.yield
    }) : () -> ()
    "tpu.region"() ({
      %run_scoped3A = tpu.sem_alloc : memref<!tpu.dma_semaphore, #tpu.memory_space<semaphore_mem>>
      %dma_start3A = arith.constant 0 : i32
      %dma_start3A_30 = arith.constant 0 : i32
      %dma_start3A_31 = tpu.memref_slice %arg5[%dma_start3A, %dma_start3A_30] : memref<10240x16xf32, #tpu.memory_space<hbm>> -> memref<1024x16xf32, #tpu.memory_space<hbm>>
      %dma_start3A_32 = arith.constant 0 : i32
      %dma_start3A_33 = arith.constant 0 : i32
      %dma_start3A_34 = tpu.memref_slice %arg5[%dma_start3A_32, %dma_start3A_33] : memref<10240x16xf32, #tpu.memory_space<hbm>> -> memref<1024x16xf32, #tpu.memory_space<hbm>>
      tpu.enqueue_dma source(%dma_start3A_34 : memref<1024x16xf32, #tpu.memory_space<hbm>>) target(%arg11 : memref<1024x16xf32, #tpu.memory_space<vmem>>) target_semaphore(%run_scoped3A : memref<!tpu.dma_semaphore, #tpu.memory_space<semaphore_mem>>)
      %dma_wait3A = arith.constant 0 : i32
      %dma_wait3A_35 = arith.constant 0 : i32
      %dma_wait3A_36 = tpu.memref_slice %arg5[%dma_wait3A, %dma_wait3A_35] : memref<10240x16xf32, #tpu.memory_space<hbm>> -> memref<1024x16xf32, #tpu.memory_space<hbm>>
      %dma_wait3A_37 = arith.constant 0 : i32
      %dma_wait3A_38 = arith.constant 0 : i32
      %dma_wait3A_39 = tpu.memref_slice %arg5[%dma_wait3A_37, %dma_wait3A_38] : memref<10240x16xf32, #tpu.memory_space<hbm>> -> memref<1024x16xf32, #tpu.memory_space<hbm>>
      tpu.wait_dma2 semaphore(%run_scoped3A : memref<!tpu.dma_semaphore, #tpu.memory_space<semaphore_mem>>) src(%dma_wait3A_39 : memref<1024x16xf32, #tpu.memory_space<hbm>>) dst(%arg11 : memref<1024x16xf32, #tpu.memory_space<vmem>>)
      tpu.yield
    }) : () -> ()
    "tpu.region"() ({
      %run_scoped3A = tpu.sem_alloc : memref<!tpu.dma_semaphore, #tpu.memory_space<semaphore_mem>>
      tpu.enqueue_dma source(%arg4 : memref<10240xf32, #tpu.memory_space<hbm>>) target(%arg10 : memref<10240xf32, #tpu.memory_space<vmem>>) target_semaphore(%run_scoped3A : memref<!tpu.dma_semaphore, #tpu.memory_space<semaphore_mem>>)
      tpu.wait_dma2 semaphore(%run_scoped3A : memref<!tpu.dma_semaphore, #tpu.memory_space<semaphore_mem>>) src(%arg4 : memref<10240xf32, #tpu.memory_space<hbm>>) dst(%arg10 : memref<10240xf32, #tpu.memory_space<vmem>>)
      tpu.yield
    }) : () -> ()
    "tpu.region"() ({
      %run_scoped3A = tpu.sem_alloc : memref<!tpu.dma_semaphore, #tpu.memory_space<semaphore_mem>>
      tpu.enqueue_dma source(%arg6 : memref<2x16xf32, #tpu.memory_space<hbm>>) target(%arg12 : memref<2x16xf32, #tpu.memory_space<vmem>>) target_semaphore(%run_scoped3A : memref<!tpu.dma_semaphore, #tpu.memory_space<semaphore_mem>>)
      tpu.wait_dma2 semaphore(%run_scoped3A : memref<!tpu.dma_semaphore, #tpu.memory_space<semaphore_mem>>) src(%arg6 : memref<2x16xf32, #tpu.memory_space<hbm>>) dst(%arg12 : memref<2x16xf32, #tpu.memory_space<vmem>>)
      tpu.yield
    }) : () -> ()
    %mul3A_5 = arith.constant 80 : i32
    %mul3A_6 = arith.muli %add3A, %mul3A_5 : i32
    "tpu.region"() ({
      %run_scoped3A = tpu.sem_alloc : memref<!tpu.dma_semaphore, #tpu.memory_space<semaphore_mem>>
      %dma_start3A = arith.constant 0 : i32
      %dma_start3A_30 = tpu.memref_slice %arg2[%mul3A_6, %dma_start3A] : memref<2560x128xi32, #tpu.memory_space<hbm>> -> memref<80x128xi32, #tpu.memory_space<hbm>>
      %dma_start3A_31 = arith.constant 0 : i32
      %dma_start3A_32 = tpu.memref_slice %arg2[%mul3A_6, %dma_start3A_31] : memref<2560x128xi32, #tpu.memory_space<hbm>> -> memref<80x128xi32, #tpu.memory_space<hbm>>
      tpu.enqueue_dma source(%dma_start3A_32 : memref<80x128xi32, #tpu.memory_space<hbm>>) target(%arg8 : memref<80x128xi32, #tpu.memory_space<vmem>>) target_semaphore(%run_scoped3A : memref<!tpu.dma_semaphore, #tpu.memory_space<semaphore_mem>>)
      %dma_wait3A = arith.constant 0 : i32
      %dma_wait3A_33 = tpu.memref_slice %arg2[%mul3A_6, %dma_wait3A] : memref<2560x128xi32, #tpu.memory_space<hbm>> -> memref<80x128xi32, #tpu.memory_space<hbm>>
      %dma_wait3A_34 = arith.constant 0 : i32
      %dma_wait3A_35 = tpu.memref_slice %arg2[%mul3A_6, %dma_wait3A_34] : memref<2560x128xi32, #tpu.memory_space<hbm>> -> memref<80x128xi32, #tpu.memory_space<hbm>>
      tpu.wait_dma2 semaphore(%run_scoped3A : memref<!tpu.dma_semaphore, #tpu.memory_space<semaphore_mem>>) src(%dma_wait3A_35 : memref<80x128xi32, #tpu.memory_space<hbm>>) dst(%arg8 : memref<80x128xi32, #tpu.memory_space<vmem>>)
      tpu.yield
    }) : () -> ()
    %mul3A_7 = arith.constant 80 : i32
    %mul3A_8 = arith.muli %add3A, %mul3A_7 : i32
    "tpu.region"() ({
      %run_scoped3A = tpu.sem_alloc : memref<!tpu.dma_semaphore, #tpu.memory_space<semaphore_mem>>
      %dma_start3A = arith.constant 0 : i32
      %dma_start3A_30 = tpu.memref_slice %arg3[%mul3A_8, %dma_start3A] : memref<2560x128xi32, #tpu.memory_space<hbm>> -> memref<80x128xi32, #tpu.memory_space<hbm>>
      %dma_start3A_31 = arith.constant 0 : i32
      %dma_start3A_32 = tpu.memref_slice %arg3[%mul3A_8, %dma_start3A_31] : memref<2560x128xi32, #tpu.memory_space<hbm>> -> memref<80x128xi32, #tpu.memory_space<hbm>>
      tpu.enqueue_dma source(%dma_start3A_32 : memref<80x128xi32, #tpu.memory_space<hbm>>) target(%arg9 : memref<80x128xi32, #tpu.memory_space<vmem>>) target_semaphore(%run_scoped3A : memref<!tpu.dma_semaphore, #tpu.memory_space<semaphore_mem>>)
      %dma_wait3A = arith.constant 0 : i32
      %dma_wait3A_33 = tpu.memref_slice %arg3[%mul3A_8, %dma_wait3A] : memref<2560x128xi32, #tpu.memory_space<hbm>> -> memref<80x128xi32, #tpu.memory_space<hbm>>
      %dma_wait3A_34 = arith.constant 0 : i32
      %dma_wait3A_35 = tpu.memref_slice %arg3[%mul3A_8, %dma_wait3A_34] : memref<2560x128xi32, #tpu.memory_space<hbm>> -> memref<80x128xi32, #tpu.memory_space<hbm>>
      tpu.wait_dma2 semaphore(%run_scoped3A : memref<!tpu.dma_semaphore, #tpu.memory_space<semaphore_mem>>) src(%dma_wait3A_35 : memref<80x128xi32, #tpu.memory_space<hbm>>) dst(%arg9 : memref<80x128xi32, #tpu.memory_space<vmem>>)
      tpu.yield
    }) : () -> ()
    %barrier3A = arith.constant 0 : index
    tpu.barrier barrier_id(%barrier3A)
    %iota3A = tpu.iota {dimensions = array<i32: 0>} : vector<16xi32>
    %broadcast_in_dim3A = arith.constant 0 : i32
    %broadcast_in_dim3A_9 = vector.broadcast %broadcast_in_dim3A : i32 to vector<16xi32>
    %add3A_10 = arith.constant 1 : i32
    %add3A_11 = vector.broadcast %add3A_10 : i32 to vector<16xi32>
    %add3A_12 = arith.addi %broadcast_in_dim3A_9, %add3A_11 : vector<16xi32>
    %get3A = arith.constant 0 : i32
    %get3A_13 = arith.index_cast %get3A : i32 to index
    %get3A_14 = arith.constant 0 : index
    %get3A_15 = tpu.vector_load %arg12[%get3A_13, %get3A_14] {strides = array<i32>} : memref<2x16xf32, #tpu.memory_space<vmem>>, vector<16xf32>,
    %get3A_16 = arith.constant 1 : i32
    %get3A_17 = arith.index_cast %get3A_16 : i32 to index
    %get3A_18 = arith.constant 0 : index
    %get3A_19 = tpu.vector_load %arg12[%get3A_17, %get3A_18] {strides = array<i32>} : memref<2x16xf32, #tpu.memory_space<vmem>>, vector<16xf32>,
    %scan3A = arith.constant 0 : i32
    %scan3A_20 = arith.constant 0 : i32
    %scan3A_21 = arith.constant 10 : i32
    %scan3A_22 = arith.addi %scan3A_20, %scan3A_21 : i32
    %scan3A_23 = arith.constant 1 : i32
    scf.for %scan3A_30 = %scan3A_20 to %scan3A_22 step %scan3A_23  : i32 {
      %parallel_loop3A = arith.constant 0 : i32
      %parallel_loop3A_31 = arith.constant 64 : i32
      %parallel_loop3A_32 = arith.constant 1 : i32
      scf.for %parallel_loop3A_65 = %parallel_loop3A to %parallel_loop3A_31 step %parallel_loop3A_32  : i32 {
        %parallel_loop3A_66 = arith.constant 3 : i32
        %parallel_loop3A_67 = arith.shrsi %parallel_loop3A_65, %parallel_loop3A_66 : i32
        %parallel_loop3A_68 = arith.constant 7 : i32
        %parallel_loop3A_69 = arith.andi %parallel_loop3A_65, %parallel_loop3A_68 : i32
        %parallel_loop3A_70 = arith.constant 8 : i32
        %parallel_loop3A_71 = arith.muli %scan3A_30, %parallel_loop3A_70 : i32
        %parallel_loop3A_72 = arith.addi %parallel_loop3A_71, %parallel_loop3A_67 : i32
        %parallel_loop3A_73 = arith.constant 16 : i32
        %parallel_loop3A_74 = arith.muli %parallel_loop3A_69, %parallel_loop3A_73 : i32
        %parallel_loop3A_75 = arith.index_cast %parallel_loop3A_72 : i32 to index
        %parallel_loop3A_76 = arith.index_cast %parallel_loop3A_74 : i32 to index
        %parallel_loop3A_77 = tpu.vector_load %arg8[%parallel_loop3A_75, %parallel_loop3A_76] {strides = array<i32>} : memref<80x128xi32, #tpu.memory_space<vmem>>, vector<16xi32>,
        %parallel_loop3A_78 = arith.constant 8 : i32
        %parallel_loop3A_79 = arith.muli %scan3A_30, %parallel_loop3A_78 : i32
        %parallel_loop3A_80 = arith.addi %parallel_loop3A_79, %parallel_loop3A_67 : i32
        %parallel_loop3A_81 = arith.constant 16 : i32
        %parallel_loop3A_82 = arith.muli %parallel_loop3A_69, %parallel_loop3A_81 : i32
        %parallel_loop3A_83 = arith.index_cast %parallel_loop3A_80 : i32 to index
        %parallel_loop3A_84 = arith.index_cast %parallel_loop3A_82 : i32 to index
        %parallel_loop3A_85 = tpu.vector_load %arg9[%parallel_loop3A_83, %parallel_loop3A_84] {strides = array<i32>} : memref<80x128xi32, #tpu.memory_space<vmem>>, vector<16xi32>,
        %parallel_loop3A_86 = tpu.vector_load_idx %arg10[%parallel_loop3A_77] : memref<10240xf32, #tpu.memory_space<vmem>>[vector<16xi32>], vector<16xf32>,
        %parallel_loop3A_87 = tpu.vector_load_idx %arg10[%parallel_loop3A_85] : memref<10240xf32, #tpu.memory_space<vmem>>[vector<16xi32>], vector<16xf32>,
        %parallel_loop3A_88 = arith.mulf %get3A_15, %parallel_loop3A_86 : vector<16xf32>
        %parallel_loop3A_89 = arith.mulf %get3A_19, %parallel_loop3A_87 : vector<16xf32>
        %parallel_loop3A_90 = arith.addf %parallel_loop3A_88, %parallel_loop3A_89 : vector<16xf32>
        %parallel_loop3A_91 = arith.constant 2.000000e-01 : f32
        %parallel_loop3A_92 = vector.broadcast %parallel_loop3A_91 : f32 to vector<16xf32>
        %parallel_loop3A_93 = arith.mulf %parallel_loop3A_92, %parallel_loop3A_90 : vector<16xf32>
        %parallel_loop3A_94 = arith.maximumf %parallel_loop3A_90, %parallel_loop3A_93 : vector<16xf32>
        %parallel_loop3A_95 = math.exp %parallel_loop3A_94 : vector<16xf32>
        %parallel_loop3A_96 = arith.constant 128 : i32
        %parallel_loop3A_97 = arith.muli %parallel_loop3A_67, %parallel_loop3A_96 : i32
        %parallel_loop3A_98 = arith.constant 16 : i32
        %parallel_loop3A_99 = arith.muli %parallel_loop3A_69, %parallel_loop3A_98 : i32
        %parallel_loop3A_100 = arith.addi %parallel_loop3A_97, %parallel_loop3A_99 : i32
        %parallel_loop3A_101 = vector.broadcast %parallel_loop3A_100 : i32 to vector<16xi32>
        %parallel_loop3A_102 = arith.addi %parallel_loop3A_101, %iota3A : vector<16xi32>
        %parallel_loop3A_103 = arith.mulf %parallel_loop3A_95, %parallel_loop3A_86 : vector<16xf32>
        tpu.vector_store_idx %arg11[%parallel_loop3A_102, %broadcast_in_dim3A_9], %parallel_loop3A_103 : memref<1024x16xf32, #tpu.memory_space<vmem>>[vector<16xi32>, vector<16xi32>], vector<16xf32>,
        tpu.vector_store_idx %arg11[%parallel_loop3A_102, %add3A_12], %parallel_loop3A_95 : memref<1024x16xf32, #tpu.memory_space<vmem>>[vector<16xi32>, vector<16xi32>], vector<16xf32>,
      } {sc.loop_unroll_factor = 4 : i64, sc.parallel_access}
      %mul3A_33 = arith.constant 8 : i32
      %mul3A_34 = arith.muli %scan3A_30, %mul3A_33 : i32
      %add3A_35 = arith.constant 0 : i32
      %add3A_36 = arith.addi %mul3A_34, %add3A_35 : i32
      "tpu.region"() ({
        %run_scoped3A = tpu.sem_alloc : memref<!tpu.dma_semaphore, #tpu.memory_space<semaphore_mem>>
        %dma_start3A = arith.constant 0 : i32
        %dma_start3A_65 = arith.constant 0 : i32
        %dma_start3A_66 = tpu.memref_slice %arg11[%dma_start3A, %dma_start3A_65] : memref<1024x16xf32, #tpu.memory_space<vmem>> -> memref<128x16xf32, #tpu.memory_space<vmem>>
        %dma_start3A_67 = arith.constant 0 : i32
        %dma_start3A_68 = tpu.memref_slice %arg9[%add3A_36, %dma_start3A_67] : memref<80x128xi32, #tpu.memory_space<vmem>> -> memref<1x128xi32, #tpu.memory_space<vmem>>
        %dma_start3A_69 = tpu.memref_squeeze %dma_start3A_68 : memref<1x128xi32, #tpu.memory_space<vmem>> -> memref<128xi32, #tpu.memory_space<vmem>>
        %dma_start3A_70 = arith.constant 0 : i32
        %dma_start3A_71 = arith.constant 0 : i32
        %dma_start3A_72 = tpu.memref_slice %arg13[%dma_start3A_70, %dma_start3A_71] : memref<10240x16xf32, #tpu.memory_space<vmem_shared>> -> memref<10240x16xf32, #tpu.memory_space<vmem_shared>>
        tpu.enqueue_indirect_dma source(%dma_start3A_66 : memref<128x16xf32, #tpu.memory_space<vmem>>) target(%dma_start3A_72 : memref<10240x16xf32, #tpu.memory_space<vmem_shared>>) offsets(%dma_start3A_69 : memref<128xi32, #tpu.memory_space<vmem>>) semaphore(%run_scoped3A : memref<!tpu.dma_semaphore, #tpu.memory_space<semaphore_mem>>) {add = true}
        %dma_wait3A = arith.constant 0 : i32
        %dma_wait3A_73 = arith.constant 0 : i32
        %dma_wait3A_74 = tpu.memref_slice %arg11[%dma_wait3A, %dma_wait3A_73] : memref<1024x16xf32, #tpu.memory_space<vmem>> -> memref<128x16xf32, #tpu.memory_space<vmem>>
        %dma_wait3A_75 = arith.constant 0 : i32
        %dma_wait3A_76 = tpu.memref_slice %arg9[%add3A_36, %dma_wait3A_75] : memref<80x128xi32, #tpu.memory_space<vmem>> -> memref<1x128xi32, #tpu.memory_space<vmem>>
        %dma_wait3A_77 = tpu.memref_squeeze %dma_wait3A_76 : memref<1x128xi32, #tpu.memory_space<vmem>> -> memref<128xi32, #tpu.memory_space<vmem>>
        %dma_wait3A_78 = arith.constant 0 : i32
        %dma_wait3A_79 = arith.constant 0 : i32
        %dma_wait3A_80 = tpu.memref_slice %arg13[%dma_wait3A_78, %dma_wait3A_79] : memref<10240x16xf32, #tpu.memory_space<vmem_shared>> -> memref<10240x16xf32, #tpu.memory_space<vmem_shared>>
        tpu.wait_indirect_dma semaphore(%run_scoped3A : memref<!tpu.dma_semaphore, #tpu.memory_space<semaphore_mem>>) src(%dma_wait3A_74 : memref<128x16xf32, #tpu.memory_space<vmem>>) dst(%dma_wait3A_80 : memref<10240x16xf32, #tpu.memory_space<vmem_shared>>)
        tpu.yield
      }) : () -> ()
      %mul3A_37 = arith.constant 8 : i32
      %mul3A_38 = arith.muli %scan3A_30, %mul3A_37 : i32
      %add3A_39 = arith.constant 1 : i32
      %add3A_40 = arith.addi %mul3A_38, %add3A_39 : i32
      "tpu.region"() ({
        %run_scoped3A = tpu.sem_alloc : memref<!tpu.dma_semaphore, #tpu.memory_space<semaphore_mem>>
        %dma_start3A = arith.constant 128 : i32
        %dma_start3A_65 = arith.constant 0 : i32
        %dma_start3A_66 = tpu.memref_slice %arg11[%dma_start3A, %dma_start3A_65] : memref<1024x16xf32, #tpu.memory_space<vmem>> -> memref<128x16xf32, #tpu.memory_space<vmem>>
        %dma_start3A_67 = arith.constant 0 : i32
        %dma_start3A_68 = tpu.memref_slice %arg9[%add3A_40, %dma_start3A_67] : memref<80x128xi32, #tpu.memory_space<vmem>> -> memref<1x128xi32, #tpu.memory_space<vmem>>
        %dma_start3A_69 = tpu.memref_squeeze %dma_start3A_68 : memref<1x128xi32, #tpu.memory_space<vmem>> -> memref<128xi32, #tpu.memory_space<vmem>>
        %dma_start3A_70 = arith.constant 0 : i32
        %dma_start3A_71 = arith.constant 0 : i32
        %dma_start3A_72 = tpu.memref_slice %arg13[%dma_start3A_70, %dma_start3A_71] : memref<10240x16xf32, #tpu.memory_space<vmem_shared>> -> memref<10240x16xf32, #tpu.memory_space<vmem_shared>>
        tpu.enqueue_indirect_dma source(%dma_start3A_66 : memref<128x16xf32, #tpu.memory_space<vmem>>) target(%dma_start3A_72 : memref<10240x16xf32, #tpu.memory_space<vmem_shared>>) offsets(%dma_start3A_69 : memref<128xi32, #tpu.memory_space<vmem>>) semaphore(%run_scoped3A : memref<!tpu.dma_semaphore, #tpu.memory_space<semaphore_mem>>) {add = true}
        %dma_wait3A = arith.constant 128 : i32
        %dma_wait3A_73 = arith.constant 0 : i32
        %dma_wait3A_74 = tpu.memref_slice %arg11[%dma_wait3A, %dma_wait3A_73] : memref<1024x16xf32, #tpu.memory_space<vmem>> -> memref<128x16xf32, #tpu.memory_space<vmem>>
        %dma_wait3A_75 = arith.constant 0 : i32
        %dma_wait3A_76 = tpu.memref_slice %arg9[%add3A_40, %dma_wait3A_75] : memref<80x128xi32, #tpu.memory_space<vmem>> -> memref<1x128xi32, #tpu.memory_space<vmem>>
        %dma_wait3A_77 = tpu.memref_squeeze %dma_wait3A_76 : memref<1x128xi32, #tpu.memory_space<vmem>> -> memref<128xi32, #tpu.memory_space<vmem>>
        %dma_wait3A_78 = arith.constant 0 : i32
        %dma_wait3A_79 = arith.constant 0 : i32
        %dma_wait3A_80 = tpu.memref_slice %arg13[%dma_wait3A_78, %dma_wait3A_79] : memref<10240x16xf32, #tpu.memory_space<vmem_shared>> -> memref<10240x16xf32, #tpu.memory_space<vmem_shared>>
        tpu.wait_indirect_dma semaphore(%run_scoped3A : memref<!tpu.dma_semaphore, #tpu.memory_space<semaphore_mem>>) src(%dma_wait3A_74 : memref<128x16xf32, #tpu.memory_space<vmem>>) dst(%dma_wait3A_80 : memref<10240x16xf32, #tpu.memory_space<vmem_shared>>)
        tpu.yield
      }) : () -> ()
      %mul3A_41 = arith.constant 8 : i32
      %mul3A_42 = arith.muli %scan3A_30, %mul3A_41 : i32
      %add3A_43 = arith.constant 2 : i32
      %add3A_44 = arith.addi %mul3A_42, %add3A_43 : i32
      "tpu.region"() ({
        %run_scoped3A = tpu.sem_alloc : memref<!tpu.dma_semaphore, #tpu.memory_space<semaphore_mem>>
        %dma_start3A = arith.constant 256 : i32
        %dma_start3A_65 = arith.constant 0 : i32
        %dma_start3A_66 = tpu.memref_slice %arg11[%dma_start3A, %dma_start3A_65] : memref<1024x16xf32, #tpu.memory_space<vmem>> -> memref<128x16xf32, #tpu.memory_space<vmem>>
        %dma_start3A_67 = arith.constant 0 : i32
        %dma_start3A_68 = tpu.memref_slice %arg9[%add3A_44, %dma_start3A_67] : memref<80x128xi32, #tpu.memory_space<vmem>> -> memref<1x128xi32, #tpu.memory_space<vmem>>
        %dma_start3A_69 = tpu.memref_squeeze %dma_start3A_68 : memref<1x128xi32, #tpu.memory_space<vmem>> -> memref<128xi32, #tpu.memory_space<vmem>>
        %dma_start3A_70 = arith.constant 0 : i32
        %dma_start3A_71 = arith.constant 0 : i32
        %dma_start3A_72 = tpu.memref_slice %arg13[%dma_start3A_70, %dma_start3A_71] : memref<10240x16xf32, #tpu.memory_space<vmem_shared>> -> memref<10240x16xf32, #tpu.memory_space<vmem_shared>>
        tpu.enqueue_indirect_dma source(%dma_start3A_66 : memref<128x16xf32, #tpu.memory_space<vmem>>) target(%dma_start3A_72 : memref<10240x16xf32, #tpu.memory_space<vmem_shared>>) offsets(%dma_start3A_69 : memref<128xi32, #tpu.memory_space<vmem>>) semaphore(%run_scoped3A : memref<!tpu.dma_semaphore, #tpu.memory_space<semaphore_mem>>) {add = true}
        %dma_wait3A = arith.constant 256 : i32
        %dma_wait3A_73 = arith.constant 0 : i32
        %dma_wait3A_74 = tpu.memref_slice %arg11[%dma_wait3A, %dma_wait3A_73] : memref<1024x16xf32, #tpu.memory_space<vmem>> -> memref<128x16xf32, #tpu.memory_space<vmem>>
        %dma_wait3A_75 = arith.constant 0 : i32
        %dma_wait3A_76 = tpu.memref_slice %arg9[%add3A_44, %dma_wait3A_75] : memref<80x128xi32, #tpu.memory_space<vmem>> -> memref<1x128xi32, #tpu.memory_space<vmem>>
        %dma_wait3A_77 = tpu.memref_squeeze %dma_wait3A_76 : memref<1x128xi32, #tpu.memory_space<vmem>> -> memref<128xi32, #tpu.memory_space<vmem>>
        %dma_wait3A_78 = arith.constant 0 : i32
        %dma_wait3A_79 = arith.constant 0 : i32
        %dma_wait3A_80 = tpu.memref_slice %arg13[%dma_wait3A_78, %dma_wait3A_79] : memref<10240x16xf32, #tpu.memory_space<vmem_shared>> -> memref<10240x16xf32, #tpu.memory_space<vmem_shared>>
        tpu.wait_indirect_dma semaphore(%run_scoped3A : memref<!tpu.dma_semaphore, #tpu.memory_space<semaphore_mem>>) src(%dma_wait3A_74 : memref<128x16xf32, #tpu.memory_space<vmem>>) dst(%dma_wait3A_80 : memref<10240x16xf32, #tpu.memory_space<vmem_shared>>)
        tpu.yield
      }) : () -> ()
      %mul3A_45 = arith.constant 8 : i32
      %mul3A_46 = arith.muli %scan3A_30, %mul3A_45 : i32
      %add3A_47 = arith.constant 3 : i32
      %add3A_48 = arith.addi %mul3A_46, %add3A_47 : i32
      "tpu.region"() ({
        %run_scoped3A = tpu.sem_alloc : memref<!tpu.dma_semaphore, #tpu.memory_space<semaphore_mem>>
        %dma_start3A = arith.constant 384 : i32
        %dma_start3A_65 = arith.constant 0 : i32
        %dma_start3A_66 = tpu.memref_slice %arg11[%dma_start3A, %dma_start3A_65] : memref<1024x16xf32, #tpu.memory_space<vmem>> -> memref<128x16xf32, #tpu.memory_space<vmem>>
        %dma_start3A_67 = arith.constant 0 : i32
        %dma_start3A_68 = tpu.memref_slice %arg9[%add3A_48, %dma_start3A_67] : memref<80x128xi32, #tpu.memory_space<vmem>> -> memref<1x128xi32, #tpu.memory_space<vmem>>
        %dma_start3A_69 = tpu.memref_squeeze %dma_start3A_68 : memref<1x128xi32, #tpu.memory_space<vmem>> -> memref<128xi32, #tpu.memory_space<vmem>>
        %dma_start3A_70 = arith.constant 0 : i32
        %dma_start3A_71 = arith.constant 0 : i32
        %dma_start3A_72 = tpu.memref_slice %arg13[%dma_start3A_70, %dma_start3A_71] : memref<10240x16xf32, #tpu.memory_space<vmem_shared>> -> memref<10240x16xf32, #tpu.memory_space<vmem_shared>>
        tpu.enqueue_indirect_dma source(%dma_start3A_66 : memref<128x16xf32, #tpu.memory_space<vmem>>) target(%dma_start3A_72 : memref<10240x16xf32, #tpu.memory_space<vmem_shared>>) offsets(%dma_start3A_69 : memref<128xi32, #tpu.memory_space<vmem>>) semaphore(%run_scoped3A : memref<!tpu.dma_semaphore, #tpu.memory_space<semaphore_mem>>) {add = true}
        %dma_wait3A = arith.constant 384 : i32
        %dma_wait3A_73 = arith.constant 0 : i32
        %dma_wait3A_74 = tpu.memref_slice %arg11[%dma_wait3A, %dma_wait3A_73] : memref<1024x16xf32, #tpu.memory_space<vmem>> -> memref<128x16xf32, #tpu.memory_space<vmem>>
        %dma_wait3A_75 = arith.constant 0 : i32
        %dma_wait3A_76 = tpu.memref_slice %arg9[%add3A_48, %dma_wait3A_75] : memref<80x128xi32, #tpu.memory_space<vmem>> -> memref<1x128xi32, #tpu.memory_space<vmem>>
        %dma_wait3A_77 = tpu.memref_squeeze %dma_wait3A_76 : memref<1x128xi32, #tpu.memory_space<vmem>> -> memref<128xi32, #tpu.memory_space<vmem>>
        %dma_wait3A_78 = arith.constant 0 : i32
        %dma_wait3A_79 = arith.constant 0 : i32
        %dma_wait3A_80 = tpu.memref_slice %arg13[%dma_wait3A_78, %dma_wait3A_79] : memref<10240x16xf32, #tpu.memory_space<vmem_shared>> -> memref<10240x16xf32, #tpu.memory_space<vmem_shared>>
        tpu.wait_indirect_dma semaphore(%run_scoped3A : memref<!tpu.dma_semaphore, #tpu.memory_space<semaphore_mem>>) src(%dma_wait3A_74 : memref<128x16xf32, #tpu.memory_space<vmem>>) dst(%dma_wait3A_80 : memref<10240x16xf32, #tpu.memory_space<vmem_shared>>)
        tpu.yield
      }) : () -> ()
      %mul3A_49 = arith.constant 8 : i32
      %mul3A_50 = arith.muli %scan3A_30, %mul3A_49 : i32
      %add3A_51 = arith.constant 4 : i32
      %add3A_52 = arith.addi %mul3A_50, %add3A_51 : i32
      "tpu.region"() ({
        %run_scoped3A = tpu.sem_alloc : memref<!tpu.dma_semaphore, #tpu.memory_space<semaphore_mem>>
        %dma_start3A = arith.constant 512 : i32
        %dma_start3A_65 = arith.constant 0 : i32
        %dma_start3A_66 = tpu.memref_slice %arg11[%dma_start3A, %dma_start3A_65] : memref<1024x16xf32, #tpu.memory_space<vmem>> -> memref<128x16xf32, #tpu.memory_space<vmem>>
        %dma_start3A_67 = arith.constant 0 : i32
        %dma_start3A_68 = tpu.memref_slice %arg9[%add3A_52, %dma_start3A_67] : memref<80x128xi32, #tpu.memory_space<vmem>> -> memref<1x128xi32, #tpu.memory_space<vmem>>
        %dma_start3A_69 = tpu.memref_squeeze %dma_start3A_68 : memref<1x128xi32, #tpu.memory_space<vmem>> -> memref<128xi32, #tpu.memory_space<vmem>>
        %dma_start3A_70 = arith.constant 0 : i32
        %dma_start3A_71 = arith.constant 0 : i32
        %dma_start3A_72 = tpu.memref_slice %arg13[%dma_start3A_70, %dma_start3A_71] : memref<10240x16xf32, #tpu.memory_space<vmem_shared>> -> memref<10240x16xf32, #tpu.memory_space<vmem_shared>>
        tpu.enqueue_indirect_dma source(%dma_start3A_66 : memref<128x16xf32, #tpu.memory_space<vmem>>) target(%dma_start3A_72 : memref<10240x16xf32, #tpu.memory_space<vmem_shared>>) offsets(%dma_start3A_69 : memref<128xi32, #tpu.memory_space<vmem>>) semaphore(%run_scoped3A : memref<!tpu.dma_semaphore, #tpu.memory_space<semaphore_mem>>) {add = true}
        %dma_wait3A = arith.constant 512 : i32
        %dma_wait3A_73 = arith.constant 0 : i32
        %dma_wait3A_74 = tpu.memref_slice %arg11[%dma_wait3A, %dma_wait3A_73] : memref<1024x16xf32, #tpu.memory_space<vmem>> -> memref<128x16xf32, #tpu.memory_space<vmem>>
        %dma_wait3A_75 = arith.constant 0 : i32
        %dma_wait3A_76 = tpu.memref_slice %arg9[%add3A_52, %dma_wait3A_75] : memref<80x128xi32, #tpu.memory_space<vmem>> -> memref<1x128xi32, #tpu.memory_space<vmem>>
        %dma_wait3A_77 = tpu.memref_squeeze %dma_wait3A_76 : memref<1x128xi32, #tpu.memory_space<vmem>> -> memref<128xi32, #tpu.memory_space<vmem>>
        %dma_wait3A_78 = arith.constant 0 : i32
        %dma_wait3A_79 = arith.constant 0 : i32
        %dma_wait3A_80 = tpu.memref_slice %arg13[%dma_wait3A_78, %dma_wait3A_79] : memref<10240x16xf32, #tpu.memory_space<vmem_shared>> -> memref<10240x16xf32, #tpu.memory_space<vmem_shared>>
        tpu.wait_indirect_dma semaphore(%run_scoped3A : memref<!tpu.dma_semaphore, #tpu.memory_space<semaphore_mem>>) src(%dma_wait3A_74 : memref<128x16xf32, #tpu.memory_space<vmem>>) dst(%dma_wait3A_80 : memref<10240x16xf32, #tpu.memory_space<vmem_shared>>)
        tpu.yield
      }) : () -> ()
      %mul3A_53 = arith.constant 8 : i32
      %mul3A_54 = arith.muli %scan3A_30, %mul3A_53 : i32
      %add3A_55 = arith.constant 5 : i32
      %add3A_56 = arith.addi %mul3A_54, %add3A_55 : i32
      "tpu.region"() ({
        %run_scoped3A = tpu.sem_alloc : memref<!tpu.dma_semaphore, #tpu.memory_space<semaphore_mem>>
        %dma_start3A = arith.constant 640 : i32
        %dma_start3A_65 = arith.constant 0 : i32
        %dma_start3A_66 = tpu.memref_slice %arg11[%dma_start3A, %dma_start3A_65] : memref<1024x16xf32, #tpu.memory_space<vmem>> -> memref<128x16xf32, #tpu.memory_space<vmem>>
        %dma_start3A_67 = arith.constant 0 : i32
        %dma_start3A_68 = tpu.memref_slice %arg9[%add3A_56, %dma_start3A_67] : memref<80x128xi32, #tpu.memory_space<vmem>> -> memref<1x128xi32, #tpu.memory_space<vmem>>
        %dma_start3A_69 = tpu.memref_squeeze %dma_start3A_68 : memref<1x128xi32, #tpu.memory_space<vmem>> -> memref<128xi32, #tpu.memory_space<vmem>>
        %dma_start3A_70 = arith.constant 0 : i32
        %dma_start3A_71 = arith.constant 0 : i32
        %dma_start3A_72 = tpu.memref_slice %arg13[%dma_start3A_70, %dma_start3A_71] : memref<10240x16xf32, #tpu.memory_space<vmem_shared>> -> memref<10240x16xf32, #tpu.memory_space<vmem_shared>>
        tpu.enqueue_indirect_dma source(%dma_start3A_66 : memref<128x16xf32, #tpu.memory_space<vmem>>) target(%dma_start3A_72 : memref<10240x16xf32, #tpu.memory_space<vmem_shared>>) offsets(%dma_start3A_69 : memref<128xi32, #tpu.memory_space<vmem>>) semaphore(%run_scoped3A : memref<!tpu.dma_semaphore, #tpu.memory_space<semaphore_mem>>) {add = true}
        %dma_wait3A = arith.constant 640 : i32
        %dma_wait3A_73 = arith.constant 0 : i32
        %dma_wait3A_74 = tpu.memref_slice %arg11[%dma_wait3A, %dma_wait3A_73] : memref<1024x16xf32, #tpu.memory_space<vmem>> -> memref<128x16xf32, #tpu.memory_space<vmem>>
        %dma_wait3A_75 = arith.constant 0 : i32
        %dma_wait3A_76 = tpu.memref_slice %arg9[%add3A_56, %dma_wait3A_75] : memref<80x128xi32, #tpu.memory_space<vmem>> -> memref<1x128xi32, #tpu.memory_space<vmem>>
        %dma_wait3A_77 = tpu.memref_squeeze %dma_wait3A_76 : memref<1x128xi32, #tpu.memory_space<vmem>> -> memref<128xi32, #tpu.memory_space<vmem>>
        %dma_wait3A_78 = arith.constant 0 : i32
        %dma_wait3A_79 = arith.constant 0 : i32
        %dma_wait3A_80 = tpu.memref_slice %arg13[%dma_wait3A_78, %dma_wait3A_79] : memref<10240x16xf32, #tpu.memory_space<vmem_shared>> -> memref<10240x16xf32, #tpu.memory_space<vmem_shared>>
        tpu.wait_indirect_dma semaphore(%run_scoped3A : memref<!tpu.dma_semaphore, #tpu.memory_space<semaphore_mem>>) src(%dma_wait3A_74 : memref<128x16xf32, #tpu.memory_space<vmem>>) dst(%dma_wait3A_80 : memref<10240x16xf32, #tpu.memory_space<vmem_shared>>)
        tpu.yield
      }) : () -> ()
      %mul3A_57 = arith.constant 8 : i32
      %mul3A_58 = arith.muli %scan3A_30, %mul3A_57 : i32
      %add3A_59 = arith.constant 6 : i32
      %add3A_60 = arith.addi %mul3A_58, %add3A_59 : i32
      "tpu.region"() ({
        %run_scoped3A = tpu.sem_alloc : memref<!tpu.dma_semaphore, #tpu.memory_space<semaphore_mem>>
        %dma_start3A = arith.constant 768 : i32
        %dma_start3A_65 = arith.constant 0 : i32
        %dma_start3A_66 = tpu.memref_slice %arg11[%dma_start3A, %dma_start3A_65] : memref<1024x16xf32, #tpu.memory_space<vmem>> -> memref<128x16xf32, #tpu.memory_space<vmem>>
        %dma_start3A_67 = arith.constant 0 : i32
        %dma_start3A_68 = tpu.memref_slice %arg9[%add3A_60, %dma_start3A_67] : memref<80x128xi32, #tpu.memory_space<vmem>> -> memref<1x128xi32, #tpu.memory_space<vmem>>
        %dma_start3A_69 = tpu.memref_squeeze %dma_start3A_68 : memref<1x128xi32, #tpu.memory_space<vmem>> -> memref<128xi32, #tpu.memory_space<vmem>>
        %dma_start3A_70 = arith.constant 0 : i32
        %dma_start3A_71 = arith.constant 0 : i32
        %dma_start3A_72 = tpu.memref_slice %arg13[%dma_start3A_70, %dma_start3A_71] : memref<10240x16xf32, #tpu.memory_space<vmem_shared>> -> memref<10240x16xf32, #tpu.memory_space<vmem_shared>>
        tpu.enqueue_indirect_dma source(%dma_start3A_66 : memref<128x16xf32, #tpu.memory_space<vmem>>) target(%dma_start3A_72 : memref<10240x16xf32, #tpu.memory_space<vmem_shared>>) offsets(%dma_start3A_69 : memref<128xi32, #tpu.memory_space<vmem>>) semaphore(%run_scoped3A : memref<!tpu.dma_semaphore, #tpu.memory_space<semaphore_mem>>) {add = true}
        %dma_wait3A = arith.constant 768 : i32
        %dma_wait3A_73 = arith.constant 0 : i32
        %dma_wait3A_74 = tpu.memref_slice %arg11[%dma_wait3A, %dma_wait3A_73] : memref<1024x16xf32, #tpu.memory_space<vmem>> -> memref<128x16xf32, #tpu.memory_space<vmem>>
        %dma_wait3A_75 = arith.constant 0 : i32
        %dma_wait3A_76 = tpu.memref_slice %arg9[%add3A_60, %dma_wait3A_75] : memref<80x128xi32, #tpu.memory_space<vmem>> -> memref<1x128xi32, #tpu.memory_space<vmem>>
        %dma_wait3A_77 = tpu.memref_squeeze %dma_wait3A_76 : memref<1x128xi32, #tpu.memory_space<vmem>> -> memref<128xi32, #tpu.memory_space<vmem>>
        %dma_wait3A_78 = arith.constant 0 : i32
        %dma_wait3A_79 = arith.constant 0 : i32
        %dma_wait3A_80 = tpu.memref_slice %arg13[%dma_wait3A_78, %dma_wait3A_79] : memref<10240x16xf32, #tpu.memory_space<vmem_shared>> -> memref<10240x16xf32, #tpu.memory_space<vmem_shared>>
        tpu.wait_indirect_dma semaphore(%run_scoped3A : memref<!tpu.dma_semaphore, #tpu.memory_space<semaphore_mem>>) src(%dma_wait3A_74 : memref<128x16xf32, #tpu.memory_space<vmem>>) dst(%dma_wait3A_80 : memref<10240x16xf32, #tpu.memory_space<vmem_shared>>)
        tpu.yield
      }) : () -> ()
      %mul3A_61 = arith.constant 8 : i32
      %mul3A_62 = arith.muli %scan3A_30, %mul3A_61 : i32
      %add3A_63 = arith.constant 7 : i32
      %add3A_64 = arith.addi %mul3A_62, %add3A_63 : i32
      "tpu.region"() ({
        %run_scoped3A = tpu.sem_alloc : memref<!tpu.dma_semaphore, #tpu.memory_space<semaphore_mem>>
        %dma_start3A = arith.constant 896 : i32
        %dma_start3A_65 = arith.constant 0 : i32
        %dma_start3A_66 = tpu.memref_slice %arg11[%dma_start3A, %dma_start3A_65] : memref<1024x16xf32, #tpu.memory_space<vmem>> -> memref<128x16xf32, #tpu.memory_space<vmem>>
        %dma_start3A_67 = arith.constant 0 : i32
        %dma_start3A_68 = tpu.memref_slice %arg9[%add3A_64, %dma_start3A_67] : memref<80x128xi32, #tpu.memory_space<vmem>> -> memref<1x128xi32, #tpu.memory_space<vmem>>
        %dma_start3A_69 = tpu.memref_squeeze %dma_start3A_68 : memref<1x128xi32, #tpu.memory_space<vmem>> -> memref<128xi32, #tpu.memory_space<vmem>>
        %dma_start3A_70 = arith.constant 0 : i32
        %dma_start3A_71 = arith.constant 0 : i32
        %dma_start3A_72 = tpu.memref_slice %arg13[%dma_start3A_70, %dma_start3A_71] : memref<10240x16xf32, #tpu.memory_space<vmem_shared>> -> memref<10240x16xf32, #tpu.memory_space<vmem_shared>>
        tpu.enqueue_indirect_dma source(%dma_start3A_66 : memref<128x16xf32, #tpu.memory_space<vmem>>) target(%dma_start3A_72 : memref<10240x16xf32, #tpu.memory_space<vmem_shared>>) offsets(%dma_start3A_69 : memref<128xi32, #tpu.memory_space<vmem>>) semaphore(%run_scoped3A : memref<!tpu.dma_semaphore, #tpu.memory_space<semaphore_mem>>) {add = true}
        %dma_wait3A = arith.constant 896 : i32
        %dma_wait3A_73 = arith.constant 0 : i32
        %dma_wait3A_74 = tpu.memref_slice %arg11[%dma_wait3A, %dma_wait3A_73] : memref<1024x16xf32, #tpu.memory_space<vmem>> -> memref<128x16xf32, #tpu.memory_space<vmem>>
        %dma_wait3A_75 = arith.constant 0 : i32
        %dma_wait3A_76 = tpu.memref_slice %arg9[%add3A_64, %dma_wait3A_75] : memref<80x128xi32, #tpu.memory_space<vmem>> -> memref<1x128xi32, #tpu.memory_space<vmem>>
        %dma_wait3A_77 = tpu.memref_squeeze %dma_wait3A_76 : memref<1x128xi32, #tpu.memory_space<vmem>> -> memref<128xi32, #tpu.memory_space<vmem>>
        %dma_wait3A_78 = arith.constant 0 : i32
        %dma_wait3A_79 = arith.constant 0 : i32
        %dma_wait3A_80 = tpu.memref_slice %arg13[%dma_wait3A_78, %dma_wait3A_79] : memref<10240x16xf32, #tpu.memory_space<vmem_shared>> -> memref<10240x16xf32, #tpu.memory_space<vmem_shared>>
        tpu.wait_indirect_dma semaphore(%run_scoped3A : memref<!tpu.dma_semaphore, #tpu.memory_space<semaphore_mem>>) src(%dma_wait3A_74 : memref<128x16xf32, #tpu.memory_space<vmem>>) dst(%dma_wait3A_80 : memref<10240x16xf32, #tpu.memory_space<vmem_shared>>)
        tpu.yield
      }) : () -> ()
    }
    %scan3A_24 = arith.constant 10 : i32
    %barrier3A_25 = arith.constant 0 : index
    tpu.barrier barrier_id(%barrier3A_25)
    %mul3A_26 = arith.constant 640 : i32
    %mul3A_27 = arith.muli %arg1, %mul3A_26 : i32
    %mul3A_28 = arith.constant 640 : i32
    %mul3A_29 = arith.muli %arg1, %mul3A_28 : i32
    "tpu.region"() ({
      %run_scoped3A = tpu.sem_alloc : memref<!tpu.dma_semaphore, #tpu.memory_space<semaphore_mem>>
      %dma_start3A = arith.constant 0 : i32
      %dma_start3A_30 = tpu.memref_slice %arg7[%arg0, %mul3A_29, %dma_start3A] : memref<2x10240x16xf32, #tpu.memory_space<hbm>> -> memref<1x640x16xf32, #tpu.memory_space<hbm>>
      %dma_start3A_31 = tpu.memref_squeeze %dma_start3A_30 : memref<1x640x16xf32, #tpu.memory_space<hbm>> -> memref<640x16xf32, #tpu.memory_space<hbm>>
      %dma_start3A_32 = arith.constant 0 : i32
      %dma_start3A_33 = tpu.memref_slice %arg13[%mul3A_27, %dma_start3A_32] : memref<10240x16xf32, #tpu.memory_space<vmem_shared>> -> memref<640x16xf32, #tpu.memory_space<vmem_shared>>
      tpu.enqueue_dma source(%dma_start3A_33 : memref<640x16xf32, #tpu.memory_space<vmem_shared>>) target(%dma_start3A_31 : memref<640x16xf32, #tpu.memory_space<hbm>>) target_semaphore(%run_scoped3A : memref<!tpu.dma_semaphore, #tpu.memory_space<semaphore_mem>>)
      %dma_wait3A = arith.constant 0 : i32
      %dma_wait3A_34 = tpu.memref_slice %arg7[%arg0, %mul3A_29, %dma_wait3A] : memref<2x10240x16xf32, #tpu.memory_space<hbm>> -> memref<1x640x16xf32, #tpu.memory_space<hbm>>
      %dma_wait3A_35 = tpu.memref_squeeze %dma_wait3A_34 : memref<1x640x16xf32, #tpu.memory_space<hbm>> -> memref<640x16xf32, #tpu.memory_space<hbm>>
      %dma_wait3A_36 = arith.constant 0 : i32
      %dma_wait3A_37 = tpu.memref_slice %arg13[%mul3A_27, %dma_wait3A_36] : memref<10240x16xf32, #tpu.memory_space<vmem_shared>> -> memref<640x16xf32, #tpu.memory_space<vmem_shared>>
      tpu.wait_dma2 semaphore(%run_scoped3A : memref<!tpu.dma_semaphore, #tpu.memory_space<semaphore_mem>>) src(%dma_wait3A_37 : memref<640x16xf32, #tpu.memory_space<vmem_shared>>) dst(%dma_wait3A_35 : memref<640x16xf32, #tpu.memory_space<hbm>>)
      tpu.yield
    }) : () -> ()
    return
  }
}

module attributes {stable_mosaic.version = 14 : i64} {
  func.func @_t1_body(%arg0: memref<10240x128xf32, #tpu.memory_space<vmem>>, %arg1: memref<128x64xf32, #tpu.memory_space<vmem>>, %arg2: memref<64x16xf32, #tpu.memory_space<vmem>>, %arg3: memref<10240x80xf32, #tpu.memory_space<vmem>>, %arg4: memref<10240x16xf32, #tpu.memory_space<vmem>>) attributes {dimension_semantics = [], scalar_prefetch = 0 : i64, scratch_operands = 0 : i64, tpu.core_type = #tpu.core_type<tc>} {
    %get3A = arith.constant 0 : index
    %get3A_0 = arith.constant 0 : index
    %get3A_1 = vector.load %arg0[%get3A, %get3A_0] : memref<10240x128xf32, #tpu.memory_space<vmem>>, vector<10240x128xf32>
    %get3A_2 = arith.constant 0 : index
    %get3A_3 = arith.constant 0 : index
    %get3A_4 = vector.load %arg1[%get3A_2, %get3A_3] : memref<128x64xf32, #tpu.memory_space<vmem>>, vector<128x64xf32>
    %dot_general3A = arith.constant dense<0.000000e+00> : vector<10240x64xf32>
    %dot_general3A_5 = tpu.matmul %get3A_1, %get3A_4, %dot_general3A {dimension_numbers = #tpu.dot_dimension_numbers<[1], [0], [0], [1], [0, 0, 1, 1], [], []>, transpose_lhs_hint = false} : vector<10240x128xf32>, vector<128x64xf32>, vector<10240x64xf32> -> vector<10240x64xf32>
    %get3A_6 = arith.constant 0 : index
    %get3A_7 = arith.constant 0 : index
    %get3A_8 = vector.load %arg2[%get3A_6, %get3A_7] : memref<64x16xf32, #tpu.memory_space<vmem>>, vector<64x16xf32>
    %dot_general3A_9 = arith.constant dense<0.000000e+00> : vector<10240x16xf32>
    %dot_general3A_10 = tpu.matmul %dot_general3A_5, %get3A_8, %dot_general3A_9 {dimension_numbers = #tpu.dot_dimension_numbers<[1], [0], [0], [1], [0, 0, 1, 1], [], []>, transpose_lhs_hint = false} : vector<10240x64xf32>, vector<64x16xf32>, vector<10240x16xf32> -> vector<10240x16xf32>
    %concatenate3A = tpu.concatenate %dot_general3A_5, %dot_general3A_10 in 1 : vector<10240x64xf32>, vector<10240x16xf32> -> vector<10240x80xf32>
    %swap3A = arith.constant 0 : index
    %swap3A_11 = arith.constant 0 : index
    %swap3A_12 = vector.load %arg3[%swap3A, %swap3A_11] : memref<10240x80xf32, #tpu.memory_space<vmem>>, vector<10240x80xf32>
    tpu.vector_store %arg3[%swap3A, %swap3A_11], %concatenate3A {strides = array<i32>} : memref<10240x80xf32, #tpu.memory_space<vmem>>, vector<10240x80xf32>,
    %swap3A_13 = arith.constant 0 : index
    %swap3A_14 = arith.constant 0 : index
    %swap3A_15 = vector.load %arg4[%swap3A_13, %swap3A_14] : memref<10240x16xf32, #tpu.memory_space<vmem>>, vector<10240x16xf32>
    tpu.vector_store %arg4[%swap3A_13, %swap3A_14], %dot_general3A_10 {strides = array<i32>} : memref<10240x16xf32, #tpu.memory_space<vmem>>, vector<10240x16xf32>,
    return
  }
}

module attributes {stable_mosaic.version = 14 : i64} {
  func.func @_t2_body(%arg0: i32, %arg1: memref<2x2048x80xf32, #tpu.memory_space<vmem>>, %arg2: memref<2048x80xf32, #tpu.memory_space<vmem>>, %arg3: memref<64xf32, #tpu.memory_space<vmem>>, %arg4: memref<64x1xf32, #tpu.memory_space<vmem>>, %arg5: memref<2048x1xf32, #tpu.memory_space<vmem>>) attributes {dimension_semantics = [#tpu.dimension_semantics<arbitrary>], iteration_bounds = array<i64: 5>, scalar_prefetch = 0 : i64, scratch_operands = 0 : i64, tpu.core_type = #tpu.core_type<tc>, window_params = [{transform_indices = @transform_0, window_bounds = array<i64: 2, 2048, 80>}, {transform_indices = @transform_1, window_bounds = array<i64: 2048, 80>}, {pipeline_mode = #tpu.pipeline_mode<synchronous>, transform_indices = @transform_2, window_bounds = array<i64: 64>}, {pipeline_mode = #tpu.pipeline_mode<synchronous>, transform_indices = @transform_3, window_bounds = array<i64: 64, 1>}, {transform_indices = @transform_4, window_bounds = array<i64: 2048, 1>}]} {
    %get3A = arith.constant 0 : index
    %get3A_0 = arith.constant 0 : index
    %get3A_1 = vector.load %arg2[%get3A, %get3A_0] : memref<2048x80xf32, #tpu.memory_space<vmem>>, vector<2048x80xf32>
    %slice3A = vector.extract_strided_slice %get3A_1 {offsets = [0, 0], sizes = [2048, 64], strides = [1, 1]} : vector<2048x80xf32> to vector<2048x64xf32>
    %slice3A_2 = vector.extract_strided_slice %get3A_1 {offsets = [0, 64], sizes = [2048, 8], strides = [1, 1]} : vector<2048x80xf32> to vector<2048x8xf32>
    %slice3A_3 = vector.extract_strided_slice %get3A_1 {offsets = [0, 72], sizes = [2048, 8], strides = [1, 1]} : vector<2048x80xf32> to vector<2048x8xf32>
    %add3A = arith.addf %slice3A_2, %slice3A_3 : vector<2048x8xf32>
    %mul3A = arith.constant 2.000000e-01 : f32
    %mul3A_4 = vector.broadcast %mul3A : f32 to vector<2048x8xf32>
    %mul3A_5 = arith.mulf %mul3A_4, %add3A : vector<2048x8xf32>
    %max3A = arith.maximumf %add3A, %mul3A_5 : vector<2048x8xf32>
    %exp3A = math.exp %max3A : vector<2048x8xf32>
    %broadcast_in_dim3A = vector.shape_cast %exp3A : vector<2048x8xf32> to vector<2048x8x1xf32>
    %broadcast_in_dim3A_6 = vector.shape_cast %broadcast_in_dim3A : vector<2048x8x1xf32> to vector<2048x8x1xf32>
    %broadcast_in_dim3A_7 = vector.broadcast %broadcast_in_dim3A_6 : vector<2048x8x1xf32> to vector<2048x8x8xf32>
    %reshape3A = vector.shape_cast %broadcast_in_dim3A_7 : vector<2048x8x8xf32> to vector<2048x64xf32>
    %get3A_8 = arith.constant 0 : index
    %get3A_9 = arith.constant 0 : index
    %get3A_10 = arith.constant 0 : index
    %get3A_11 = vector.load %arg1[%get3A_8, %get3A_9, %get3A_10] : memref<2x2048x80xf32, #tpu.memory_space<vmem>>, vector<1x2048x80xf32>
    %get3A_12 = vector.shape_cast %get3A_11 : vector<1x2048x80xf32> to vector<2048x80xf32>
    %slice3A_13 = vector.extract_strided_slice %get3A_12 {offsets = [0, 0], sizes = [2048, 64], strides = [1, 1]} : vector<2048x80xf32> to vector<2048x64xf32>
    %get3A_14 = arith.constant 1 : index
    %get3A_15 = arith.constant 0 : index
    %get3A_16 = arith.constant 0 : index
    %get3A_17 = vector.load %arg1[%get3A_14, %get3A_15, %get3A_16] : memref<2x2048x80xf32, #tpu.memory_space<vmem>>, vector<1x2048x80xf32>
    %get3A_18 = vector.shape_cast %get3A_17 : vector<1x2048x80xf32> to vector<2048x80xf32>
    %slice3A_19 = vector.extract_strided_slice %get3A_18 {offsets = [0, 0], sizes = [2048, 64], strides = [1, 1]} : vector<2048x80xf32> to vector<2048x64xf32>
    %add3A_20 = arith.addf %slice3A_13, %slice3A_19 : vector<2048x64xf32>
    %mul3A_21 = arith.mulf %slice3A, %reshape3A : vector<2048x64xf32>
    %add3A_22 = arith.addf %add3A_20, %mul3A_21 : vector<2048x64xf32>
    %get3A_23 = arith.constant 0 : index
    %get3A_24 = arith.constant 0 : index
    %get3A_25 = arith.constant 0 : index
    %get3A_26 = vector.load %arg1[%get3A_23, %get3A_24, %get3A_25] : memref<2x2048x80xf32, #tpu.memory_space<vmem>>, vector<1x2048x80xf32>
    %get3A_27 = vector.shape_cast %get3A_26 : vector<1x2048x80xf32> to vector<2048x80xf32>
    %slice3A_28 = vector.extract_strided_slice %get3A_27 {offsets = [0, 64], sizes = [2048, 8], strides = [1, 1]} : vector<2048x80xf32> to vector<2048x8xf32>
    %get3A_29 = arith.constant 1 : index
    %get3A_30 = arith.constant 0 : index
    %get3A_31 = arith.constant 0 : index
    %get3A_32 = vector.load %arg1[%get3A_29, %get3A_30, %get3A_31] : memref<2x2048x80xf32, #tpu.memory_space<vmem>>, vector<1x2048x80xf32>
    %get3A_33 = vector.shape_cast %get3A_32 : vector<1x2048x80xf32> to vector<2048x80xf32>
    %slice3A_34 = vector.extract_strided_slice %get3A_33 {offsets = [0, 64], sizes = [2048, 8], strides = [1, 1]} : vector<2048x80xf32> to vector<2048x8xf32>
    %add3A_35 = arith.addf %slice3A_28, %slice3A_34 : vector<2048x8xf32>
    %add3A_36 = arith.addf %add3A_35, %exp3A : vector<2048x8xf32>
    %add3A_37 = arith.constant 1.000000e-16 : f32
    %add3A_38 = vector.broadcast %add3A_37 : f32 to vector<2048x8xf32>
    %add3A_39 = arith.addf %add3A_36, %add3A_38 : vector<2048x8xf32>
    %broadcast_in_dim3A_40 = vector.shape_cast %add3A_39 : vector<2048x8xf32> to vector<2048x8x1xf32>
    %broadcast_in_dim3A_41 = vector.shape_cast %broadcast_in_dim3A_40 : vector<2048x8x1xf32> to vector<2048x8x1xf32>
    %broadcast_in_dim3A_42 = vector.broadcast %broadcast_in_dim3A_41 : vector<2048x8x1xf32> to vector<2048x8x8xf32>
    %reshape3A_43 = vector.shape_cast %broadcast_in_dim3A_42 : vector<2048x8x8xf32> to vector<2048x64xf32>
    %div3A = arith.divf %add3A_22, %reshape3A_43 : vector<2048x64xf32>
    %get3A_44 = arith.constant 0 : index
    %get3A_45 = vector.load %arg3[%get3A_44] : memref<64xf32, #tpu.memory_space<vmem>>, vector<64xf32>
    %broadcast_in_dim3A_46 = vector.shape_cast %get3A_45 : vector<64xf32> to vector<1x64xf32>
    %add3A_47 = vector.broadcast %broadcast_in_dim3A_46 : vector<1x64xf32> to vector<2048x64xf32>
    %add3A_48 = arith.addf %div3A, %add3A_47 : vector<2048x64xf32>
    %max3A_49 = arith.constant 0.000000e+00 : f32
    %max3A_50 = vector.broadcast %max3A_49 : f32 to vector<2048x64xf32>
    %max3A_51 = arith.maximumf %add3A_48, %max3A_50 : vector<2048x64xf32>
    %mul3A_52 = arith.constant 2048 : i32
    %mul3A_53 = arith.muli %arg0, %mul3A_52 : i32
    %iota3A = tpu.iota {dimensions = array<i32: 0>} : vector<2048x1xi32>
    %add3A_54 = vector.broadcast %mul3A_53 : i32 to vector<2048x1xi32>
    %add3A_55 = arith.addi %add3A_54, %iota3A : vector<2048x1xi32>
    %lt3A = arith.constant 10000 : i32
    %lt3A_56 = vector.broadcast %lt3A : i32 to vector<2048x1xi32>
    %lt3A_57 = arith.cmpi slt, %add3A_55, %lt3A_56 : vector<2048x1xi32>
    %jit3A = arith.constant 0.000000e+00 : f32
    %broadcast_in_dim3A_58 = vector.shape_cast %lt3A_57 : vector<2048x1xi1> to vector<2048x1xi1>
    %broadcast_in_dim3A_59 = vector.broadcast %broadcast_in_dim3A_58 : vector<2048x1xi1> to vector<2048x64xi1>
    %broadcast_in_dim3A_60 = vector.broadcast %jit3A : f32 to vector<2048x64xf32>
    %select_n3A = arith.select %broadcast_in_dim3A_59, %max3A_51, %broadcast_in_dim3A_60 : vector<2048x64xi1>, vector<2048x64xf32>
    %get3A_61 = arith.constant 0 : index
    %get3A_62 = arith.constant 0 : index
    %get3A_63 = vector.load %arg4[%get3A_61, %get3A_62] : memref<64x1xf32, #tpu.memory_space<vmem>>, vector<64x1xf32>
    %dot_general3A = arith.constant dense<0.000000e+00> : vector<2048x1xf32>
    %dot_general3A_64 = tpu.matmul %select_n3A, %get3A_63, %dot_general3A {dimension_numbers = #tpu.dot_dimension_numbers<[1], [0], [0], [1], [0, 0, 1, 1], [], []>, transpose_lhs_hint = false} : vector<2048x64xf32>, vector<64x1xf32>, vector<2048x1xf32> -> vector<2048x1xf32>
    %swap3A = arith.constant 0 : index
    %swap3A_65 = arith.constant 0 : index
    %swap3A_66 = vector.load %arg5[%swap3A, %swap3A_65] : memref<2048x1xf32, #tpu.memory_space<vmem>>, vector<2048x1xf32>
    tpu.vector_store %arg5[%swap3A, %swap3A_65], %dot_general3A_64 {strides = array<i32>} : memref<2048x1xf32, #tpu.memory_space<vmem>>, vector<2048x1xf32>,
    return
  }
  func.func @transform_0(%arg0: i32) -> (i32, i32, i32) {
    %c0_i32 = arith.constant 0 : i32
    %c0_i32_0 = arith.constant 0 : i32
    %c0_i32_1 = arith.constant 0 : i32
    return %c0_i32, %arg0, %c0_i32_0 : i32, i32, i32
  }
  func.func @transform_1(%arg0: i32) -> (i32, i32) {
    %c0_i32 = arith.constant 0 : i32
    %c0_i32_0 = arith.constant 0 : i32
    return %arg0, %c0_i32 : i32, i32
  }
  func.func @transform_2(%arg0: i32) -> i32 {
    %c0_i32 = arith.constant 0 : i32
    %c0_i32_0 = arith.constant 0 : i32
    return %c0_i32 : i32
  }
  func.func @transform_3(%arg0: i32) -> (i32, i32) {
    %c0_i32 = arith.constant 0 : i32
    %c0_i32_0 = arith.constant 0 : i32
    %c0_i32_1 = arith.constant 0 : i32
    return %c0_i32, %c0_i32_0 : i32, i32
  }
  func.func @transform_4(%arg0: i32) -> (i32, i32) {
    %c0_i32 = arith.constant 0 : i32
    %c0_i32_0 = arith.constant 0 : i32
    return %arg0, %c0_i32 : i32, i32
  }
}

module attributes {stable_mosaic.version = 14 : i64} {
  func.func @_t3_body(%arg0: memref<2x10240x16xf32, #tpu.memory_space<vmem>>, %arg1: memref<10240x1xf32, #tpu.memory_space<vmem>>, %arg2: memref<1x4xf32, #tpu.memory_space<vmem>>, %arg3: memref<1x1xf32, #tpu.memory_space<vmem>>) attributes {dimension_semantics = [], scalar_prefetch = 0 : i64, scratch_operands = 0 : i64, tpu.core_type = #tpu.core_type<tc>} {
    %get3A = arith.constant 0 : index
    %get3A_0 = arith.constant 0 : index
    %get3A_1 = vector.load %arg2[%get3A, %get3A_0] : memref<1x4xf32, #tpu.memory_space<vmem>>, vector<1x1xf32>
    %get3A_2 = vector.extract %get3A_1[0, 0] : f32 from vector<1x1xf32>
    %get3A_3 = arith.constant 0 : index
    %get3A_4 = arith.constant 1 : index
    %get3A_5 = vector.load %arg2[%get3A_3, %get3A_4] : memref<1x4xf32, #tpu.memory_space<vmem>>, vector<1x1xf32>
    %get3A_6 = vector.extract %get3A_5[0, 0] : f32 from vector<1x1xf32>
    %get3A_7 = arith.constant 0 : index
    %get3A_8 = arith.constant 2 : index
    %get3A_9 = vector.load %arg2[%get3A_7, %get3A_8] : memref<1x4xf32, #tpu.memory_space<vmem>>, vector<1x1xf32>
    %get3A_10 = vector.extract %get3A_9[0, 0] : f32 from vector<1x1xf32>
    %get3A_11 = arith.constant 0 : index
    %get3A_12 = arith.constant 0 : index
    %get3A_13 = vector.load %arg1[%get3A_11, %get3A_12] : memref<10240x1xf32, #tpu.memory_space<vmem>>, vector<10240x1xf32>
    %add3A = arith.addf %get3A_2, %get3A_6 : f32
    %mul3A = vector.broadcast %add3A : f32 to vector<10240x1xf32>
    %mul3A_14 = arith.mulf %mul3A, %get3A_13 : vector<10240x1xf32>
    %mul3A_15 = arith.constant 2.000000e-01 : f32
    %mul3A_16 = vector.broadcast %mul3A_15 : f32 to vector<10240x1xf32>
    %mul3A_17 = arith.mulf %mul3A_16, %mul3A_14 : vector<10240x1xf32>
    %max3A = arith.maximumf %mul3A_14, %mul3A_17 : vector<10240x1xf32>
    %exp3A = math.exp %max3A : vector<10240x1xf32>
    %get3A_18 = arith.constant 0 : index
    %get3A_19 = arith.constant 0 : index
    %get3A_20 = arith.constant 0 : index
    %get3A_21 = vector.load %arg0[%get3A_18, %get3A_19, %get3A_20] : memref<2x10240x16xf32, #tpu.memory_space<vmem>>, vector<1x10240x16xf32>
    %get3A_22 = vector.shape_cast %get3A_21 : vector<1x10240x16xf32> to vector<10240x16xf32>
    %slice3A = vector.extract_strided_slice %get3A_22 {offsets = [0, 0], sizes = [10240, 1], strides = [1, 1]} : vector<10240x16xf32> to vector<10240x1xf32>
    %get3A_23 = arith.constant 1 : index
    %get3A_24 = arith.constant 0 : index
    %get3A_25 = arith.constant 0 : index
    %get3A_26 = vector.load %arg0[%get3A_23, %get3A_24, %get3A_25] : memref<2x10240x16xf32, #tpu.memory_space<vmem>>, vector<1x10240x16xf32>
    %get3A_27 = vector.shape_cast %get3A_26 : vector<1x10240x16xf32> to vector<10240x16xf32>
    %slice3A_28 = vector.extract_strided_slice %get3A_27 {offsets = [0, 0], sizes = [10240, 1], strides = [1, 1]} : vector<10240x16xf32> to vector<10240x1xf32>
    %add3A_29 = arith.addf %slice3A, %slice3A_28 : vector<10240x1xf32>
    %mul3A_30 = arith.mulf %exp3A, %get3A_13 : vector<10240x1xf32>
    %add3A_31 = arith.addf %add3A_29, %mul3A_30 : vector<10240x1xf32>
    %get3A_32 = arith.constant 0 : index
    %get3A_33 = arith.constant 0 : index
    %get3A_34 = arith.constant 0 : index
    %get3A_35 = vector.load %arg0[%get3A_32, %get3A_33, %get3A_34] : memref<2x10240x16xf32, #tpu.memory_space<vmem>>, vector<1x10240x16xf32>
    %get3A_36 = vector.shape_cast %get3A_35 : vector<1x10240x16xf32> to vector<10240x16xf32>
    %slice3A_37 = vector.extract_strided_slice %get3A_36 {offsets = [0, 1], sizes = [10240, 1], strides = [1, 1]} : vector<10240x16xf32> to vector<10240x1xf32>
    %get3A_38 = arith.constant 1 : index
    %get3A_39 = arith.constant 0 : index
    %get3A_40 = arith.constant 0 : index
    %get3A_41 = vector.load %arg0[%get3A_38, %get3A_39, %get3A_40] : memref<2x10240x16xf32, #tpu.memory_space<vmem>>, vector<1x10240x16xf32>
    %get3A_42 = vector.shape_cast %get3A_41 : vector<1x10240x16xf32> to vector<10240x16xf32>
    %slice3A_43 = vector.extract_strided_slice %get3A_42 {offsets = [0, 1], sizes = [10240, 1], strides = [1, 1]} : vector<10240x16xf32> to vector<10240x1xf32>
    %add3A_44 = arith.addf %slice3A_37, %slice3A_43 : vector<10240x1xf32>
    %add3A_45 = arith.addf %add3A_44, %exp3A : vector<10240x1xf32>
    %add3A_46 = arith.constant 1.000000e-16 : f32
    %add3A_47 = vector.broadcast %add3A_46 : f32 to vector<10240x1xf32>
    %add3A_48 = arith.addf %add3A_45, %add3A_47 : vector<10240x1xf32>
    %div3A = arith.divf %add3A_31, %add3A_48 : vector<10240x1xf32>
    %iota3A = tpu.iota {dimensions = array<i32: 0>} : vector<10240x1xi32>
    %lt3A = arith.constant 10000 : i32
    %lt3A_49 = vector.broadcast %lt3A : i32 to vector<10240x1xi32>
    %lt3A_50 = arith.cmpi slt, %iota3A, %lt3A_49 : vector<10240x1xi32>
    %jit3A = arith.constant 0.000000e+00 : f32
    %broadcast_in_dim3A = vector.broadcast %jit3A : f32 to vector<10240x1xf32>
    %select_n3A = arith.select %lt3A_50, %div3A, %broadcast_in_dim3A : vector<10240x1xi1>, vector<10240x1xf32>
    %reduce_sum3A = vector.shape_cast %select_n3A : vector<10240x1xf32> to vector<1x10240x1xf32>
    %reduce_sum3A_51 = arith.constant dense<0.000000e+00> : vector<1xf32>
    %reduce_sum3A_52 = vector.multi_reduction <add>, %reduce_sum3A, %reduce_sum3A_51 [1, 2] : vector<1x10240x1xf32> to vector<1xf32>
    %reduce_sum3A_53 = vector.shape_cast %reduce_sum3A_52 : vector<1xf32> to vector<1x1x1xf32>
    %reduce_sum3A_54 = vector.extract %reduce_sum3A_53[0, 0, 0] : f32 from vector<1x1x1xf32>
    %div3A_55 = arith.constant 1.000000e+04 : f32
    %div3A_56 = arith.divf %reduce_sum3A_54, %div3A_55 : f32
    %add3A_57 = arith.addf %div3A_56, %get3A_10 : f32
    %reshape3A = vector.broadcast %add3A_57 : f32 to vector<1x1xf32>
    %swap3A = arith.constant 0 : index
    %swap3A_58 = arith.constant 0 : index
    %swap3A_59 = vector.load %arg3[%swap3A, %swap3A_58] : memref<1x1xf32, #tpu.memory_space<vmem>>, vector<1x1xf32>
    tpu.vector_store %arg3[%swap3A, %swap3A_58], %reshape3A {strides = array<i32>} : memref<1x1xf32, #tpu.memory_space<vmem>>, vector<1x1xf32>,
    return
  }
}

</mosaic_0001>

<sc_bundles>
// kernel: kernel.10.cloned.1.call-start
scs
__scs_entry_jumppad:
0x0: {  	(pc) =	sbr.rel $0x88, $3  }
0x1: {  	(tag) =	ssettag $0x0;
	lr =	simm.s32 $0x1  }
0x2: {  	[smem:$0x3F97] =	sst lr;
	_ =	strace $0xD0000000  }
0x3: {  	_ = 	snop  }
0x4: {  	_ = 	snop  }
0x5: {  	_ = 	snop  }
0x6: {  	_ = 	snop  }
0x7: {  	_ = 	snop  }
__scs_overlays_trampoline_lowered:
0x8: {  	[smem:$0x3FA6] =	sst s0  }
0x9: {  	[smem:$0x3FA7] =	sst s1  }
0xa: {  	[smem:$0x3FA8] =	sst s2  }
0xb: {  	[smem:$0x3FA9] =	sst s3  }
0xc: {  	[smem:$0x3FAA] =	sst s4  }
0xd: {  	[smem:$0x3FAB] =	sst s5  }
0xe: {  	[smem:$0x3FAC] =	sst s6  }
0xf: {  	[smem:$0x3FAD] =	sst s7  }
0x10: {  	[smem:$0x3FAE] =	sst s8  }
0x11: {  	[smem:$0x3FAF] =	sst s9;
	s0 =	simm.s32 @!p0 $0x0  }
0x12: {  	s1 =	sld [smem:$0x3F95];
	s0 =	simm.s32 @p0 $0x1  }
0x13: {  	[smem:$0x3FB0] =	sst s0;
	s0 =	simm.s32 @!p1 $0x0  }
0x14: {  	s2 =	sld [smem:$0x3F94];
	s0 =	simm.s32 @p1 $0x1  }
0x15: {  	[smem:$0x3FB1] =	sst s0;
	s0 =	simm.s32 @!p2 $0x0  }
0x16: {  	s3 =	sld [smem:$0x3FDB];
	s0 =	simm.s32 @p2 $0x1  }
0x17: {  	s4 =	simm.s32 $0x1BF5;
	[smem:$0x3FB3] =	sst s0  }
0x18: {  	s0 =	sld [smem:$0x3F96];
	_ =	swait.ge [sflag:s4], $0x0  }
0x19: {  	s7 =	sld [smem:$0x3F97]  }
0x1a: {  	s8 =	sadd.s32 $0xFFFFE003, lr  }
0x1b: {  	s9 =	sadd.s32 $0xFFFFFEF7, lr;
	s5 =	simm.s32 $0xFFFFFFFF;
	p2 =	slt.u32 s8, $0xFFFFF086  }
0x1c: {  	p1 =	slt.u32 s9, $0xF7A;
	s5 =	simm.s32 @!p2 $0x0  }
0x1d: {  	s5 =	simm.s32 @p1 $0x1;
	p0 =	seq.s32 s7, s2  }
0x1e: {  	s7 =	smul.u32 @!p0 $0xF7A, s2;
	p2 =	seq.s32 @!p0 s5, $0x0  }
0x1f: {  	s9 =	smul.u32 $0xF7A, s1;
	s8 =	simm.s32 @!p0 $0x1BF5;
	p2 =	por !p2, p0  }
0x20: {  	[sflag:s8] =	ssyncset.s32 @!p0 $0xFFFFF086;
	s6 =	sadd.s32 @!p0 s3, s7;
	s7 =	simm.s32 @!p0 $0x108  }
0x21: {  	s3 =	sadd.s32 s3, s9;
	s6 =	sadd.s32 @!p0 $0x88, s6;
	s7 =	simm.s32 @p2 $0x1082  }
0x22: {  	[simem:s7], [sflag:s8] =	dma.local @!p0 [hbm:s6], $0xF7A  }
0x23: {  	s9 =	sor.u32 $0xD0000000, s2;
	s6 =	simm.s32 $0x108;
	_ =	swait.ge @!p0 [sflag:s8], $0x0  }
0x24: {  	s3 =	sadd.s32 $0x88, s3;
	s6 =	simm.s32 @!p1 $0x1082;
	[sflag:s4] =	ssyncset.s32 $0xFFFFF086  }
0x25: {  	[simem:s6], [sflag:s4] =	dma.local [hbm:s3], $0xF7A  }
0x26: {  	[smem:$0x3F97] =	sst s1;
	(tag) =	ssettag s2;
	_ =	strace s9  }
0x27: {  	s1 =	sld [smem:$0x3FA7]  }
0x28: {  	s2 =	sld [smem:$0x3FA8]  }
0x29: {  	s4 =	sld [smem:$0x3FAA]  }
0x2a: {  	p0 =	seq.s32 s5, $0x0;
	s5 =	sld [smem:$0x3FAB]  }
0x2b: {  	s6 =	sld [smem:$0x3FAC]  }
0x2c: {  	s7 =	sld [smem:$0x3FAD]  }
0x2d: {  	s3 =	simm.s32 $0x108;
	s8 =	sld [smem:$0x3FAE]  }
0x2e: {  	s3 =	simm.s32 @!p0 $0x1082;
	s9 =	sld [smem:$0x3FAF]  }
0x2f: {  	lr =	sadd.s32 s0, s3;
	s0 =	sld [smem:$0x3FA6]  }
0x30: {  	s3 =	sld [smem:$0x3FA9]  }
0x31: {  	[smem:$0x3FB2] =	sst s10  }
0x32: {  	s10 =	sld [smem:$0x3FB0];
	_ =	sdelay $0x3  }
0x33: {  	p0 =	seq.s32 s10, $0x1;
	s10 =	sld [smem:$0x3FB2];
	_ =	sdelay $0x3  }
0x34: {  	[smem:$0x3FB2] =	sst s10  }
0x35: {  	s10 =	sld [smem:$0x3FB1];
	_ =	sdelay $0x3  }
0x36: {  	p1 =	seq.s32 s10, $0x1;
	s10 =	sld [smem:$0x3FB2];
	_ =	sdelay $0x3  }
0x37: {  	[smem:$0x3FB2] =	sst s10  }
0x38: {  	s10 =	sld [smem:$0x3FB3]  }
0x39: {  	_ = 	snop;
	(pc) =	sbr.ind lr, $3  }
0x3a: {  	_ = 	snop  }
0x3b: {  	_ = 	snop  }
0x3c: {  	p2 =	seq.s32 s10, $0x1;
	s10 =	sld [smem:$0x3FB2]  }
0x3d: {  	_ =	shalt  }
0x3e: {  	_ =	shalt  }
0x3f: {  	_ =	shalt  }
0x40: {  	_ =	shalt  }
0x41: {  	_ =	shalt  }
0x42: {  	_ =	shalt  }
0x43: {  	_ =	shalt  }
0x44: {  	_ =	shalt  }
0x45: {  	_ =	shalt  }
0x46: {  	_ =	shalt  }
0x47: {  	_ =	shalt  }
0x48: {  	_ =	shalt  }
0x49: {  	_ =	shalt  }
0x4a: {  	_ =	shalt  }
0x4b: {  	_ =	shalt  }
0x4c: {  	_ =	shalt  }
0x4d: {  	_ =	shalt  }
0x4e: {  	_ =	shalt  }
0x4f: {  	_ =	shalt  }
0x50: {  	_ =	shalt  }
0x51: {  	_ =	shalt  }
0x52: {  	_ =	shalt  }
0x53: {  	_ =	shalt  }
0x54: {  	_ =	shalt  }
0x55: {  	_ =	shalt  }
0x56: {  	_ =	shalt  }
0x57: {  	_ =	shalt  }
0x58: {  	_ =	shalt  }
0x59: {  	_ =	shalt  }
0x5a: {  	_ =	shalt  }
0x5b: {  	_ =	shalt  }
0x5c: {  	_ =	shalt  }
0x5d: {  	_ =	shalt  }
0x5e: {  	_ =	shalt  }
0x5f: {  	_ =	shalt  }
0x60: {  	_ =	shalt  }
0x61: {  	_ =	shalt  }
0x62: {  	_ =	shalt  }
0x63: {  	_ =	shalt  }
0x64: {  	_ =	shalt  }
0x65: {  	_ =	shalt  }
0x66: {  	_ =	shalt  }
0x67: {  	_ =	shalt  }
0x68: {  	_ =	shalt  }
0x69: {  	_ =	shalt  }
0x6a: {  	_ =	shalt  }
0x6b: {  	_ =	shalt  }
0x6c: {  	_ =	shalt  }
0x6d: {  	_ =	shalt  }
0x6e: {  	_ =	shalt  }
0x6f: {  	_ =	shalt  }
0x70: {  	_ =	shalt  }
0x71: {  	_ =	shalt  }
0x72: {  	_ =	shalt  }
0x73: {  	_ =	shalt  }
0x74: {  	_ =	shalt  }
0x75: {  	_ =	shalt  }
0x76: {  	_ =	shalt  }
0x77: {  	_ =	shalt  }
0x78: {  	_ =	shalt  }
0x79: {  	_ =	shalt  }
0x7a: {  	_ =	shalt  }
0x7b: {  	_ =	shalt  }
0x7c: {  	_ =	shalt  }
0x7d: {  	_ =	shalt  }
0x7e: {  	_ =	shalt  }
0x7f: {  	_ =	shalt  }
0x80: {  	_ =	shalt  }
0x81: {  	_ =	shalt  }
0x82: {  	_ =	shalt  }
0x83: {  	_ =	shalt  }
0x84: {  	_ =	shalt  }
0x85: {  	_ =	shalt  }
0x86: {  	_ =	shalt  }
0x87: {  	_ =	shalt  }
.Lfunc_end0:
.L_simem_size_0:
called_computation.1_lowered:
.L_overlay_start_0:
0x88: {  	s2 =	sld [smem:$0x3FD9]  }
0x89: {  	s3 =	sld [smem:$0x3FFE];
	_ =	sdelay $0x1  }
0x8a: {  	s1 =	srdreg.scid  }
0x8b: {  	s0 =	sand.u32 $0x1, s1  }
0x8c: {  	s16 =	sshll.u32 s0, $0xA;
	s2 =	sadd.s32 s3, s2  }
0x8d: {  	s2 =	sadd.s32 s2, s16  }
0x8e: {  	[smem:$0x3FBE] =	sst s2  }
0x8f: {  	_ = 	snop  }
0x90: {  	(tm) =	ssettm $0x1  }
0x91: {  	s17 =	sld [smem:$0x3FFB];
	_ =	sdelay $0x3  }
0x92: {  	_ =	strace s17  }
0x93: {  	s2 =	sld [smem:$0x3FFC];
	_ =	sdelay $0x3  }
0x94: {  	_ =	strace s2  }
0x95: {  	s2 =	sld [smem:$0x3FFD];
	_ =	sdelay $0x3  }
0x96: {  	_ =	strace s2  }
0x97: {  	_ =	strace $0x8FFFFFFF  }
0x98: {  	s18 =	sld [smem:$0x3FDB];
	_ =	sdelay $0x1  }
0x99: {  	s19 =	simm.s32 $_scs_section_size  }
0x9a: {  	s4 =	simm.s32 $_size__tile_overlayer_lowered;
	s5 =	simm.s32 $_tile_overlayer_lowered  }
0x9b: {  	s22 =	simm.s32 $0x1BFF;
	s21 =	sshll.u32 s5, $0x1;
	s2 =	sadd.s32 s19, s18  }
0x9c: {  	s6 =	simm.s32 $0x0;
	s20 =	sshll.u32 s4, $0x1;
	s4 =	sadd.s32 s21, s2  }
0x9d: {  	[timem:s6], [sflag:s22] =	dma.local [hbm:s4], s20  }
0x9e: {  	_ =	swait.ge [sflag:s22], s20  }
0x9f: {  	s3 =	ssub.s32 $0x0, s20;
	[sflag:s22] =	ssyncset.done $0x0  }
0xa0: {  	[sflag:s22] =	ssyncadd.s32 s3;
	_ =	sdelay $0x1  }
0xa1: {  	s23 =	simm.s32 $0x1B8B  }
0xa2: {  	_ =	swait.ge [sflag:s23], $0x1  }
0xa3: {  	[sflag:s23] =	ssyncset.done $0x0  }
0xa4: {  	s25 =	simm.s32 $0x1B8E;
	s24 =	sld [smem:$0x3FFE];
	[sflag:s23] =	ssyncadd.s32 $0xFFFFFFFF  }
0xa5: {  	s26 =	simm.s32 $execute0_lowered;
	[smem:$0x3FD2] =	sst s25  }
0xa6: {  	s4 =	sshll.u32 s26, $0x1;
	_ =	strace $0x80000049;
	[dreg:$0x1] =	wrdreg $0xFFFFFFFF  }
0xa7: {  	s28 =	simm.s32 $_size_execute0_lowered;
	s2 =	sadd.s32 s2, s4;
	[dreg:$0x0] =	wrdreg $0x0  }
0xa8: {  	s4 =	sshll.u32 s28, $0x1;
	[dreg:$0x2] =	wrdreg s2  }
0xa9: {  	[dreg:$0x3] =	wrdreg s4  }
0xaa: {  	[dreg:$0x4] =	wrdreg $0xC0  }
0xab: {  	_ =	task [dreg:s6], $0x5FFFF  }
0xac: {  	[dreg:$0x1] =	wrdreg $0xFFFFFFFF  }
0xad: {  	[dreg:$0x0] =	wrdreg $0x60  }
0xae: {  	[dreg:$0x2] =	wrdreg s24  }
0xaf: {  	[dreg:$0x3] =	wrdreg $0xB8200  }
0xb0: {  	[dreg:$0x4] =	wrdreg $0x9  }
0xb1: {  	_ =	task.clear_ibuf [dreg:s6], $0x5FFFF;
	_ =	strace $0x90000049  }
0xb2: {  	s29 =	simm.s32 $0x9;
	_ =	strace $0x8000004B  }
0xb3: {  	_ =	swait.ge [sflag:s29], $0x1  }
0xb4: {  	[sflag:s29] =	ssyncadd.s32 $0xFFFFFFFF  }
0xb5: {  	_ =	strace $0x9000004B  }
0xb6: {  	_ =	sfence  }
0xb7: {  	s30 =	sld [smem:$0x0];
	_ =	sdelay $0x2  }
0xb8: {  	s31 =	sshll.u32 s1, $0xD;
	s1 =	sshrl.u32 s1, $0x2  }
0xb9: {  	s3 =	sand.u32 $0x4000, s31;
	s1 =	sadd.s32 s1, s30  }
0xba: {  	s0 =	sor.u32 s3, s0;
	s1 =	sshll.u32 s1, $0x11  }
0xbb: {  	s0 =	sor.u32 s1, s0  }
0xbc: {  	s0 =	sadd.s32 $0x8F2B, s0  }
0xbd: {  	[sflag:s0] =	ssyncadd.remote.s32 $0x1  }
0xbe: {  	_ =	sfence.sel $0xFFFF  }
0xbf: {  	[dreg:$0x0] =	wrdreg $0xFFFFFFFF;
	(pc) =	sbr.abs _section_cstart, $3  }
0xc0: {  	[dreg:$0x1] =	wrdreg $0xFFFFFFFF  }
0xc1: {  	_ =	task.clear_ibuf [dreg:s6], $0x2FFFF;
	_ =	strace $0x9FFFFFFF  }
0xc2: {  	(tm) =	ssettm $0x7FFFFFFF  }
0xc3: {  	_ =	shalt  }
tec
execute0_lowered:
.L_overlay_start_1:
0x0: {  	(tag) =	ssettag $0x1  }
0x1: {  	s0 =	srdreg.scid;
	s7 =	rddreg [dreg:$0x0]  }
0x2: {  	s4 =	stileid.u32;
	s2 =	rddreg [dreg:$0x1]  }
0x3: {  	s3 =	simm.s32 $0x0;
	s14 =	simm.s32 $0x1;
	s15 =	simm.s32 $0x7800  }
0x4: {  	s16 =	simm.s32 $0x5000;
	s19 =	simm.s32 $0x80;
	s20 =	simm.s32 $0x8000  }
0x5: {  	s21 =	simm.s32 $0x8800;
	s22 =	simm.s32 $0x9000;
	s28 =	simm.s32 $0x0  }
0x6: {  	s0 =	sand.u32 $0x1, s0;
	s8 =	smul.u32 $0x2800, s4;
	[smem:$0x7FF] =	sst s3  }
0x7: {  	s6 =	sadd.s32 $0x400, s7;
	s24 =	sadd.s32 $0x7D600, s7;
	s26 =	sshll.u32 s4, $0x6  }
0x8: {  	s1 =	sshll.u32 s0, $0x4;
	_ =	strace $0x8000004A;
	[dreg:$0x3] =	wrdreg s6  }
0x9: {  	s5 =	smul.u32 $0x28000, s0;
	s0 =	ssub.s32 $0x2, s0;
	[dreg:$0x4] =	wrdreg s24  }
0xa: {  	s24 =	simm.s32 $0xA000;
	s1 =	sor.u32 s4, s1;
	s10 =	sshrl.u32 s0, $0x1  }
0xb: {  	s13 =	sadd.s32 s8, s2;
	s25 =	sshrl.u32 s8, $0x3;
	s1 =	smul.u32 $0x500, s1  }
0xc: {  	s23 =	sadd.s32 s8, s5;
	s5 =	sadd.s32 $0xA00, s7;
	s0 =	ssub.s32 s0, s10  }
0xd: {  	s8 =	sor.u32 $0x1C01, s26;
	s13 =	sshrl.u32 s13, $0x3;
	s29 =	sadd.s32 s5, s25  }
0xe: {  	s0 =	smax.u32 s0, $0x1;
	s1 =	sadd.s32 s1, s7;
	[dreg:$0x5] =	wrdreg s29  }
0xf: {  	s9 =	sshrl.u32 s23, $0x3;
	[dreg:$0x9] =	wrdreg s0;
	s30 =	sadd.s32 $0x28400, s1  }
0x10: {  	v0 =	vlaneseq.u32;
	s11 =	sadd.s32 s9, s7;
	s1 =	sadd.s32 $0x1E400, s1;
	[dreg:$0x6] =	wrdreg s30  }
0x11: {  	v0 =	vmul.u32 $0x10, v0;
	s26 =	simm.s32 $0xB000;
	s31 =	sadd.s32 $0x5A00, s11;
	[dreg:$0x7] =	wrdreg s1  }
0x12: {  	s23 =	simm.s32 $0x9800;
	s25 =	simm.s32 $0xA800;
	[dreg:$0x8] =	wrdreg s31  }
.LBB2_1:
0x13: {  	s0 =	rddreg [dreg:$0x5]  }
0x14: {  	[spmem:s13], [sflag:s8] =	dma.local [hbm:s0], $0x500  }
0x15: {  	_ =	swait.ge [sflag:s14], $0x500  }
0x16: {  	[sflag:s14] =	ssyncset.done $0x0  }
0x17: {  	[sflag:s14] =	ssyncadd.s32 $0xFFFFFB00  }
0x18: {  	[tilespmem:s15], [sflag:$0x1] =	stream.linear.gather [hbm4b:s5+s3], $0x4000, $0x38;
	[tilespmem:$0xE020] =	vst v63  }
0x19: {  	_ =	swait.ge [sflag:s14], $0x4000  }
0x1a: {  	[sflag:s14] =	ssyncset.done $0x0  }
0x1b: {  	s12 =	rddreg [dreg:$0x3];
	[sflag:s14] =	ssyncadd.s32 $0xFFFFC000  }
0x1c: {  	[tilespmem:s16], [sflag:$0x1] =	stream.linear.gather [hbm4b:s12+s3], $0x2800, $0x38;
	[tilespmem:$0xE020] =	vst v63  }
0x1d: {  	_ =	swait.ge [sflag:s14], $0x2800  }
0x1e: {  	[sflag:s14] =	ssyncset.done $0x0  }
0x1f: {  	s1 =	simm.s32 $0xB800;
	s17 =	rddreg [dreg:$0x4];
	[sflag:s14] =	ssyncadd.s32 $0xFFFFD800  }
0x20: {  	[tilespmem:s1], [sflag:$0x1] =	stream.linear.gather [hbm4b:s17+s3], $0x20, $0x38;
	[tilespmem:$0xE020] =	vst v63  }
0x21: {  	_ =	swait.ge [sflag:s14], $0x20  }
0x22: {  	[sflag:s14] =	ssyncset.done $0x0  }
0x23: {  	s18 =	rddreg [dreg:$0x6];
	[sflag:s14] =	ssyncadd.s32 $0xFFFFFFE0  }
0x24: {  	[tilespmem:s3], [sflag:$0x1] =	stream.linear.gather [hbm4b:s18+s3], $0x2800, $0x38;
	[tilespmem:$0xE020] =	vst v63  }
0x25: {  	_ =	swait.ge [sflag:s14], $0x2800  }
0x26: {  	[sflag:s14] =	ssyncset.done $0x0  }
0x27: {  	s31 =	simm.s32 $0x2800;
	s30 =	rddreg [dreg:$0x7];
	[sflag:s14] =	ssyncadd.s32 $0xFFFFD800  }
0x28: {  	[tilespmem:s31], [sflag:$0x1] =	stream.linear.gather [hbm4b:s30+s3], $0x2800, $0x38;
	[tilespmem:$0xE020] =	vst v63  }
0x29: {  	_ =	swait.ge [sflag:s14], $0x2800  }
0x2a: {  	[sflag:s14] =	ssyncset.done $0x0  }
0x2b: {  	[sflag:s14] =	ssyncadd.s32 $0xFFFFD800  }
0x2c: {  	[bflag:$0x0] =	sbarrier.arrive $0xFFFF  }
0x2d: {  	v1 =	vld [tilespmem:$0xB800]  }
0x2e: {  	v2 =	vld [tilespmem:$0xB810];
	_ =	sdelay $0x1  }
0x2f: {  	s29 =	simm.s32 $0x0  }
.LBB2_2:
0x30: {  	s0 =	simm.s32 $0x0  }
0x31: {  	s30 =	sshll.u32 s29, $0xA;
	s17 =	sand.u32 $0x7FFFFF80, s0  }
0x32: {  	s1 =	sand.u32 $0x40, s0;
	s18 =	sadd.s32 s30, s17  }
0x33: {  	s31 =	sor.u32 s1, s18  }
0x34: {  	s7 =	sor.u32 $0x30, s1;
	v3 =	vld [tilespmem:s31+$0x0]  }
0x35: {  	s4 =	sor.u32 $0x10, s1;
	s6 =	sor.u32 $0x20, s1;
	s1 =	sor.u32 s7, s18;
	v5 =	vld [tilespmem:s31+$0x2800]  }
0x36: {  	v10 =	vld [tilespmem:s1+$0x0]  }
0x37: {  	s31 =	sor.u32 s4, s18;
	v11 =	vld [tilespmem:s1+$0x2800]  }
0x38: {  	v6 =	vld [tilespmem:s31+$0x0]  }
0x39: {  	v7 =	vld [tilespmem:s31+$0x2800];
	s31 =	sor.u32 s6, s18  }
0x3a: {  	s1 =	simm.s32 $0x40;
	v8 =	vld [tilespmem:s31+$0x0]  }
0x3b: {  	s18 =	sand.u32 $0x7FFFFF80, s1;
	s6 =	sor.u32 s17, s6;
	v9 =	vld [tilespmem:s31+$0x2800];
	s31 =	sand.u32 $0x40, s1  }
0x3c: {  	s9 =	sadd.s32 s30, s18;
	v13 =	vmov s6;
	s6 =	sor.u32 $0x20, s31  }
0x3d: {  	s7 =	sor.u32 s17, s7;
	s4 =	sor.u32 s17, s4;
	s17 =	sor.u32 s6, s9  }
0x3e: {  	v21 =	vld [tilespmem:s17+$0x2800]  }
0x3f: {  	v4 =	vld.idx.msk [tilespmem:v3+s16+$0x0], $0xffff  }
0x40: {  	v3 =	vld.idx.msk [tilespmem:v5+s16+$0x0], $0xffff  }
0x41: {  	v16 =	vld.idx.msk [tilespmem:v10+s16+$0x0], $0xffff  }
0x42: {  	v12 =	vld.idx.msk [tilespmem:v6+s16+$0x0], $0xffff  }
0x43: {  	v6 =	vld.idx.msk [tilespmem:v7+s16+$0x0], $0xffff  }
0x44: {  	v5 =	vld.idx.msk [tilespmem:v8+s16+$0x0], $0xffff  }
0x45: {  	v7 =	vld.idx.msk [tilespmem:v9+s16+$0x0], $0xffff  }
0x46: {  	s10 =	sor.u32 s31, s9;
	v8 =	vld.idx.msk [tilespmem:v11+s16+$0x0], $0xffff  }
0x47: {  	s11 =	sor.u32 $0x10, s31;
	v9 =	vld [tilespmem:s10+$0x0]  }
0x48: {  	v18 =	vmov s7;
	v17 =	vshll.u32 v13, $0x4;
	s12 =	sor.u32 s11, s9;
	v11 =	vld [tilespmem:s10+$0x2800]  }
0x49: {  	v15 =	vld [tilespmem:s12+$0x0];
	v10 =	vmov s4;
	v19 =	vmul.f32 v4, v1;
	v3 =	vmul.f32 v3, v2  }
0x4a: {  	v13 =	vld [tilespmem:s12+$0x2800];
	v14 =	vshll.u32 v10, $0x4;
	s10 =	sor.u32 $0x30, s31;
	v10 =	vmul.f32 v12, v1;
	v6 =	vmul.f32 v6, v2  }
0x4b: {  	v18 =	vshll.u32 v18, $0x4;
	v20 =	vld [tilespmem:s17+$0x0];
	s12 =	sor.u32 s10, s9;
	v8 =	vmul.f32 v8, v2;
	v19 =	vadd.f32 v3, v19  }
0x4c: {  	s6 =	sor.u32 s18, s6;
	v25 =	vld [tilespmem:s12+$0x2800];
	v22 =	vmul.f32 v5, v1;
	v6 =	vadd.f32 v6, v10;
	v10 =	vmul.f32 v16, v1  }
0x4d: {  	s17 =	sor.u32 s18, s11;
	v27 =	vmov s6;
	v23 =	vld [tilespmem:s12+$0x0];
	v7 =	vmul.f32 v7, v2;
	v28 =	vmul.f32 $2.000000030e-01, v19  }
0x4e: {  	s31 =	simm.s32 $0x80;
	v21 =	vld.idx.msk [tilespmem:v21+s16+$0x0], $0xffff;
	v24 =	vmul.f32 $2.000000030e-01, v6;
	v26 =	vadd.f32 v8, v10;
	v8 =	vmov s17  }
0x4f: {  	s4 =	sand.u32 $0x40, s31;
	v3 =	vld.idx.msk [tilespmem:v9+s16+$0x0], $0xffff;
	v9 =	vadd.f32 v7, v22;
	v7 =	vshll.u32 v27, $0x4;
	v27 =	vor.u32 v0, v18  }
0x50: {  	s7 =	sor.u32 $0x20, s4;
	v11 =	vld.idx.msk [tilespmem:v11+s16+$0x0], $0xffff;
	s17 =	sand.u32 $0x7FFFFF80, s31;
	v10 =	vshll.u32 v8, $0x4;
	v6 =	vmax.f32 v6, v24;
	v22 =	vmul.f32 $2.000000030e-01, v26  }
0x51: {  	v19 =	vmax.f32 v19, v28;
	v8 =	vld.idx.msk [tilespmem:v15+s16+$0x0], $0xffff;
	s12 =	sor.u32 s17, s7;
	v15 =	vmul.f32 $2.000000030e-01, v9;
	v6 =	vmul.f32 $1.442695020e+00, v6  }
0x52: {  	s9 =	sor.u32 s18, s10;
	v24 =	vld.idx.msk [tilespmem:v13+s16+$0x0], $0xffff;
	v19 =	vmul.f32 $1.442695020e+00, v19;
	v28 =	vmov s12;
	v13 =	vmax.f32 v26, v22  }
0x53: {  	v22 =	vmov s9;
	(erf) = vpow2.f32 v6;
	v6 =	vld.idx.msk [tilespmem:v20+s16+$0x0], $0xffff;
	v20 =	vmul.f32 $1.442695020e+00, v13  }
0x54: {  	s6 =	sadd.s32 s30, s17;
	v25 =	vld.idx.msk [tilespmem:v25+s16+$0x0], $0xffff;
	v15 =	vmax.f32 v9, v15;
	v13 =	vshll.u32 v22, $0x4;
	v26 =	vmul.f32 v3, v1  }
0x55: {  	s11 =	sor.u32 $0x10, s4;
	s10 =	sor.u32 s4, s6;
	v9 =	vld.idx.msk [tilespmem:v23+s16+$0x0], $0xffff;
	v22 =	vor.u32 v0, v14;
	v23 =	vmul.f32 v11, v2;
	(erf) = vpow2.f32 v20  }
0x56: {  	s9 =	sor.u32 s17, s11;
	v15 =	vmul.f32 $1.442695020e+00, v15;
	v11 =	vor.u32 v0, v17;
	v17 =	vld [tilespmem:s10+$0x2800];
	v14 =	vmul.f32 v8, v1  }
0x57: {  	s18 =	sor.u32 s11, s6;
	v18 =	vld [tilespmem:s10+$0x0];
	v29 =	vmov s9;
	v24 =	vmul.f32 v24, v2;
	(erf) = vpow2.f32 v19  }
0x58: {  	s11 =	sor.u32 s7, s6;
	v37 =	vor.u32 $0x1, v22;
	v20 =	vmov s0;
	v19 =	vld [tilespmem:s18+$0x0];
	(erf) = vpow2.f32 v15  }
0x59: {  	v33 =	vld [tilespmem:s11+$0x0];
	v15 =	vadd.f32 v24, v14;
	v24 =	vmul.f32 v21, v2;
	v30 =	vmul.f32 v6, v1  }
0x5a: {  	s4 =	sor.u32 $0x30, s4;
	v31 =	vld [tilespmem:s18+$0x2800];
	v26 =	vadd.f32 v23, v26;
	v14 =	vshll.u32 v29, $0x4;
	v29 =	vmul.f32 v9, v1  }
0x5b: {  	s12 =	sor.u32 s4, s6;
	v21 =	vld [tilespmem:s11+$0x2800];
	v34 =	vmul.f32 $2.000000030e-01, v15;
	v35 =	vadd.f32 v24, v30;
	v24 =	vmul.f32 v25, v2  }
0x5c: {  	v32 =	vor.u32 $0x1, v27;
	v20 =	vshll.u32 v20, $0x4;
	v25 =	vld [tilespmem:s12+$0x0];
	v30 =	vmul.f32 $2.000000030e-01, v26;
	v36 =	vpop (erf)  }
0x5d: {  	v23 =	vld [tilespmem:s12+$0x2800];
	v34 =	vmax.f32 v15, v34;
	v38 =	vadd.f32 v24, v29;
	v12 =	vmul.f32 v36, v12  }
0x5e: {  	v30 =	vmax.f32 v26, v30;
	v24 =	vmul.f32 $1.442695020e+00, v34;
	v26 =	vld.idx.msk [tilespmem:v17+s16+$0x0], $0xffff;
	v17 =	vmul.f32 $2.000000030e-01, v35;
	v39 =	vpop (erf)  }
0x5f: {  	v15 =	vld.idx.msk [tilespmem:v18+s16+$0x0], $0xffff;
	v18 =	vor.u32 $0x1, v11;
	v63 =	vmul.f32 $2.000000030e-01, v38;
	v29 =	vmul.f32 v39, v16;
	[tilespmem:v22+s15+$0x0] =	vst.idx.msk $0xffff, v12  }
0x60: {  	s18 =	sor.u32 s17, s4;
	(erf) = vpow2.f32 v24;
	v24 =	vor.u32 v0, v20;
	v12 =	vld.idx.msk [tilespmem:v19+s16+$0x0], $0xffff;
	v16 =	vshll.u32 v28, $0x4;
	[tilespmem:v37+s15+$0x0] =	vst.idx.msk $0xffff, v36  }
0x61: {  	v22 =	vpop (erf);
	v19 =	vmov s18;
	v28 =	vmax.f32 v35, v17;
	v17 =	vld.idx.msk [tilespmem:v33+s16+$0x0], $0xffff;
	[tilespmem:v27+s15+$0x0] =	vst.idx.msk $0xffff, v29;
	v27 =	vmax.f32 v38, v63  }
0x62: {  	s0 =	simm.s32 $0x8;
	s17 =	simm.s32 $0xC0;
	v20 =	vpop (erf);
	v19 =	vshll.u32 v19, $0x4;
	v29 =	vld.idx.msk [tilespmem:v31+s16+$0x0], $0xffff;
	[tilespmem:v32+s15+$0x0] =	vst.idx.msk $0xffff, v39;
	v31 =	vmul.f32 $1.442695020e+00, v27;
	v27 =	vor.u32 $0x1, v24  }
.LBB2_3:
0x63: {  	s4 =	sand.u32 $0x7FFFFF80, s17;
	s0 =	sadd.s32 $0x4, s0;
	v21 =	vld.idx.msk [tilespmem:v21+s16+$0x0], $0xffff;
	v30 =	vmul.f32 $1.442695020e+00, v30;
	v32 =	vor.u32 v0, v10;
	v33 =	vmul.f32 v22, v4;
	v10 =	vmovc v14  }
0x64: {  	s6 =	sand.u32 $0x40, s17;
	v34 =	vmul.f32 v15, v1;
	v36 =	vmov s1;
	v4 =	vmovc v3;
	v3 =	vmovc v15;
	s7 =	sadd.s32 s30, s4;
	p0 =	slt.u32 s0, $0x3C;
	v35 =	vld.idx.msk [tilespmem:v25+s16+$0x0], $0xffff;
	(erf) = vpow2.f32 v31  }
0x65: {  	s9 =	sor.u32 $0x20, s6;
	s10 =	sor.u32 $0x30, s6;
	v15 =	vmul.f32 v26, v2;
	v31 =	vor.u32 v0, v13;
	v13 =	vmul.f32 v20, v5;
	s1 =	sor.u32 s6, s7;
	v23 =	vld.idx.msk [tilespmem:v23+s16+$0x0], $0xffff  }
0x66: {  	v25 =	vmul.f32 $1.442695020e+00, v28;
	v28 =	vor.u32 v0, v7;
	s6 =	sor.u32 $0x10, s6;
	s11 =	sor.u32 s4, s9;
	s18 =	sor.u32 s4, s10;
	v14 =	vmul.f32 v12, v1;
	v26 =	vld [tilespmem:s1+$0x0];
	[tilespmem:v24+s15+$0x0] =	vst.idx.msk $0xffff, v33  }
0x67: {  	v7 =	vmovc v16;
	v5 =	vmovc v6;
	s12 =	sor.u32 s6, s7;
	s4 =	sor.u32 s4, s6;
	v33 =	vmov s11;
	v29 =	vmul.f32 v29, v2;
	v24 =	vld [tilespmem:s1+$0x2800];
	(erf) = vpow2.f32 v30;
	[tilespmem:v27+s15+$0x0] =	vst.idx.msk $0xffff, v22;
	s1 =	smov.u32 s31  }
0x68: {  	v22 =	vmov s4;
	v27 =	vmul.f32 v17, v1;
	v6 =	vmovc v17;
	s31 =	smov.u32 s17;
	v16 =	vld [tilespmem:s12+$0x0];
	(erf) = vpow2.f32 v25;
	[tilespmem:v11+s15+$0x0] =	vst.idx.msk $0xffff, v13;
	v11 =	vmovc v28  }
0x69: {  	v37 =	vor.u32 $0x1, v31;
	s4 =	sor.u32 s9, s7;
	v28 =	vadd.f32 v29, v14;
	v25 =	vmul.f32 v21, v2;
	v17 =	vld [tilespmem:s12+$0x2800];
	v38 =	vpop (erf);
	[tilespmem:v18+s15+$0x0] =	vst.idx.msk $0xffff, v20  }
0x6a: {  	v14 =	vshll.u32 v22, $0x4;
	v13 =	vmovc v19;
	v18 =	vadd.f32 v15, v34;
	v15 =	vmul.f32 v35, v1;
	v39 =	vld [tilespmem:s4+$0x0]  }
0x6b: {  	v19 =	vmul.f32 $2.000000030e-01, v28;
	v20 =	vadd.f32 v25, v27;
	v22 =	vmul.f32 v23, v2;
	v21 =	vld [tilespmem:s4+$0x2800];
	s4 =	sor.u32 s10, s7  }
0x6c: {  	v29 =	vshll.u32 v36, $0x4;
	v34 =	vor.u32 $0x1, v32;
	v27 =	vmul.f32 $2.000000030e-01, v18;
	v25 =	vld [tilespmem:s4+$0x0]  }
0x6d: {  	v19 =	vmax.f32 v28, v19;
	v36 =	vadd.f32 v22, v15;
	v28 =	vmul.f32 v38, v8;
	v23 =	vld [tilespmem:s4+$0x2800];
	v40 =	vpop (erf)  }
.Ltmp0:
0x6e: {  	v30 =	vmax.f32 v18, v27;
	v19 =	vmul.f32 $1.442695020e+00, v19;
	v15 =	vld.idx.msk [tilespmem:v26+s16+$0x0], $0xffff;
	v41 =	vmul.f32 v40, v9;
	v9 =	vmovc v35;
	(pc) =	sbr.rel @p0 .LBB2_3-.Ltmp0, $4  }
0x6f: {  	v8 =	vmovc v12;
	v27 =	vmul.f32 $2.000000030e-01, v20;
	v18 =	vor.u32 $0x1, v11;
	v35 =	vmul.f32 $2.000000030e-01, v36;
	v26 =	vld.idx.msk [tilespmem:v24+s16+$0x0], $0xffff;
	[tilespmem:v32+s15+$0x0] =	vst.idx.msk $0xffff, v28  }
0x70: {  	v24 =	vor.u32 v0, v29;
	v12 =	vld.idx.msk [tilespmem:v16+s16+$0x0], $0xffff;
	v16 =	vshll.u32 v33, $0x4;
	(erf) = vpow2.f32 v19;
	[tilespmem:v31+s15+$0x0] =	vst.idx.msk $0xffff, v41;
	v22 =	vpop (erf)  }
0x71: {  	v28 =	vmax.f32 v20, v27;
	v19 =	vmov s18;
	v27 =	vmax.f32 v36, v35;
	v29 =	vld.idx.msk [tilespmem:v17+s16+$0x0], $0xffff;
	[tilespmem:v37+s15+$0x0] =	vst.idx.msk $0xffff, v40;
	v20 =	vpop (erf)  }
0x72: {  	s17 =	sadd.s32 $0x40, s17;
	v19 =	vshll.u32 v19, $0x4;
	v31 =	vmul.f32 $1.442695020e+00, v27;
	v27 =	vor.u32 $0x1, v24;
	v17 =	vld.idx.msk [tilespmem:v39+s16+$0x0], $0xffff;
	[tilespmem:v34+s15+$0x0] =	vst.idx.msk $0xffff, v38  }
0x73: {  	_ =	sdelay $0x3  }
0x74: {  	v25 =	vld.idx.msk [tilespmem:v25+s16+$0x0], $0xffff  }
0x75: {  	v23 =	vld.idx.msk [tilespmem:v23+s16+$0x0], $0xffff  }
0x76: {  	v30 =	vmul.f32 $1.442695020e+00, v30  }
0x77: {  	v4 =	vmul.f32 v22, v4;
	v33 =	vmul.f32 v15, v1  }
0x78: {  	v10 =	vor.u32 v0, v10;
	v59 =	vmul.f32 v12, v1;
	v29 =	vmul.f32 v29, v2  }
0x79: {  	v21 =	vld.idx.msk [tilespmem:v21+s16+$0x0], $0xffff;
	v60 =	vmov s1;
	v5 =	vmul.f32 v20, v5;
	(erf) = vpow2.f32 v31  }
0x7a: {  	v32 =	vmul.f32 v25, v1;
	v23 =	vmul.f32 v23, v2;
	v29 =	vadd.f32 v29, v59  }
0x7b: {  	v13 =	vor.u32 v0, v13;
	v28 =	vmul.f32 $1.442695020e+00, v28;
	v26 =	vmul.f32 v26, v2  }
0x7c: {  	v37 =	vor.u32 $0x1, v13;
	v23 =	vadd.f32 v23, v32;
	v61 =	vmul.f32 $2.000000030e-01, v29  }
0x7d: {  	(erf) = vpow2.f32 v30;
	v26 =	vadd.f32 v26, v33;
	v63 =	vmul.f32 v17, v1  }
0x7e: {  	v21 =	vmul.f32 v21, v2;
	v62 =	vmul.f32 $2.000000030e-01, v23;
	v29 =	vmax.f32 v29, v61  }
0x7f: {  	v38 =	vshll.u32 v60, $0x4;
	(erf) = vpow2.f32 v28;
	v34 =	vmul.f32 $1.442695020e+00, v29  }
0x80: {  	v36 =	vmul.f32 $2.000000030e-01, v26;
	v35 =	vadd.f32 v21, v63;
	v23 =	vmax.f32 v23, v62  }
0x81: {  	v42 =	vor.u32 $0x1, v10;
	[tilespmem:v24+s15+$0x0] =	vst.idx.msk $0xffff, v4;
	v39 =	vpop (erf);
	v23 =	vmul.f32 $1.442695020e+00, v23;
	(erf) = vpow2.f32 v34  }
0x82: {  	[tilespmem:v11+s15+$0x0] =	vst.idx.msk $0xffff, v5;
	v40 =	vmax.f32 v26, v36;
	v8 =	vmul.f32 v39, v8;
	v41 =	vmul.f32 $2.000000030e-01, v35  }
0x83: {  	v44 =	vor.u32 v0, v38;
	[tilespmem:v27+s15+$0x0] =	vst.idx.msk $0xffff, v22;
	v11 =	vmul.f32 $1.442695020e+00, v40;
	v43 =	vpop (erf);
	(erf) = vpow2.f32 v23  }
0x84: {  	[tilespmem:v18+s15+$0x0] =	vst.idx.msk $0xffff, v20;
	v9 =	vmul.f32 v43, v9;
	v4 =	vmax.f32 v35, v41  }
0x85: {  	v45 =	vor.u32 $0x1, v44;
	[tilespmem:v10+s15+$0x0] =	vst.idx.msk $0xffff, v8;
	v4 =	vmul.f32 $1.442695020e+00, v4;
	(erf) = vpow2.f32 v11  }
0x86: {  	v7 =	vor.u32 v0, v7;
	[tilespmem:v42+s15+$0x0] =	vst.idx.msk $0xffff, v39;
	v46 =	vpop (erf)  }
0x87: {  	v47 =	vor.u32 $0x1, v7;
	v3 =	vmul.f32 v46, v3;
	[tilespmem:v13+s15+$0x0] =	vst.idx.msk $0xffff, v9;
	(erf) = vpow2.f32 v4  }
0x88: {  	v49 =	vor.u32 v0, v14;
	v48 =	vpop (erf);
	[tilespmem:v37+s15+$0x0] =	vst.idx.msk $0xffff, v43  }
0x89: {  	v53 =	vor.u32 $0x1, v49;
	v6 =	vmul.f32 v48, v6;
	[tilespmem:v44+s15+$0x0] =	vst.idx.msk $0xffff, v3  }
0x8a: {  	v50 =	vor.u32 v0, v19;
	v3 =	vmov s31;
	[tilespmem:v45+s15+$0x0] =	vst.idx.msk $0xffff, v46;
	v52 =	vpop (erf)  }
0x8b: {  	v51 =	vor.u32 $0x1, v50;
	[tilespmem:v7+s15+$0x0] =	vst.idx.msk $0xffff, v6;
	v3 =	vshll.u32 v3, $0x4;
	v54 =	vmul.f32 v52, v12  }
0x8c: {  	[tilespmem:v47+s15+$0x0] =	vst.idx.msk $0xffff, v48;
	v3 =	vor.u32 v0, v3;
	v55 =	vpop (erf)  }
0x8d: {  	v57 =	vor.u32 $0x1, v3;
	v56 =	vmul.f32 v55, v25;
	[tilespmem:v49+s15+$0x0] =	vst.idx.msk $0xffff, v54  }
0x8e: {  	v58 =	vor.u32 v0, v16;
	v59 =	vpop (erf);
	[tilespmem:v53+s15+$0x0] =	vst.idx.msk $0xffff, v52  }
0x8f: {  	v60 =	vor.u32 $0x1, v58;
	v61 =	vmul.f32 v59, v15;
	[tilespmem:v50+s15+$0x0] =	vst.idx.msk $0xffff, v56  }
0x90: {  	v62 =	vpop (erf);
	[tilespmem:v51+s15+$0x0] =	vst.idx.msk $0xffff, v55  }
0x91: {  	v63 =	vmul.f32 v62, v17;
	[tilespmem:v3+s15+$0x0] =	vst.idx.msk $0xffff, v61  }
0x92: {  	[tilespmem:v57+s15+$0x0] =	vst.idx.msk $0xffff, v59  }
0x93: {  	s0 =	sand.u32 $0x3FFFFC00, s30;
	[tilespmem:v58+s15+$0x0] =	vst.idx.msk $0xffff, v63  }
0x94: {  	s10 =	sadd.s32 $0x2800, s0;
	[tilespmem:v60+s15+$0x0] =	vst.idx.msk $0xffff, v62  }
0x95: {  	[spmem:s2] =	stream.indirect.scatter.add.f32 [tilespmem:s15], [sflag:$0x1], $0x10, s10, s19, $0xb8;
	[tilespmem:$0xE020] =	vst v63  }
0x96: {  	_ =	swait.ge [sflag:s14], $0x800  }
0x97: {  	[sflag:s14] =	ssyncset.done $0x0  }
0x98: {  	s11 =	sadd.s32 $0x2880, s0;
	[sflag:s14] =	ssyncadd.s32 $0xFFFFF800  }
0x99: {  	[spmem:s2] =	stream.indirect.scatter.add.f32 [tilespmem:s20], [sflag:$0x1], $0x10, s11, s19, $0xb8;
	[tilespmem:$0xE020] =	vst v63  }
0x9a: {  	_ =	swait.ge [sflag:s14], $0x800  }
0x9b: {  	[sflag:s14] =	ssyncset.done $0x0  }
0x9c: {  	s12 =	sadd.s32 $0x2900, s0;
	[sflag:s14] =	ssyncadd.s32 $0xFFFFF800  }
0x9d: {  	[spmem:s2] =	stream.indirect.scatter.add.f32 [tilespmem:s21], [sflag:$0x1], $0x10, s12, s19, $0xb8;
	[tilespmem:$0xE020] =	vst v63  }
0x9e: {  	_ =	swait.ge [sflag:s14], $0x800  }
0x9f: {  	[sflag:s14] =	ssyncset.done $0x0  }
0xa0: {  	s17 =	sadd.s32 $0x2980, s0;
	[sflag:s14] =	ssyncadd.s32 $0xFFFFF800  }
0xa1: {  	[spmem:s2] =	stream.indirect.scatter.add.f32 [tilespmem:s22], [sflag:$0x1], $0x10, s17, s19, $0xb8;
	[tilespmem:$0xE020] =	vst v63  }
0xa2: {  	_ =	swait.ge [sflag:s14], $0x800  }
0xa3: {  	[sflag:s14] =	ssyncset.done $0x0  }
0xa4: {  	s18 =	sadd.s32 $0x2A00, s0;
	[sflag:s14] =	ssyncadd.s32 $0xFFFFF800  }
0xa5: {  	[spmem:s2] =	stream.indirect.scatter.add.f32 [tilespmem:s23], [sflag:$0x1], $0x10, s18, s19, $0xb8;
	[tilespmem:$0xE020] =	vst v63  }
0xa6: {  	_ =	swait.ge [sflag:s14], $0x800  }
0xa7: {  	[sflag:s14] =	ssyncset.done $0x0  }
0xa8: {  	s30 =	sadd.s32 $0x2A80, s0;
	[sflag:s14] =	ssyncadd.s32 $0xFFFFF800  }
0xa9: {  	[spmem:s2] =	stream.indirect.scatter.add.f32 [tilespmem:s24], [sflag:$0x1], $0x10, s30, s19, $0xb8;
	[tilespmem:$0xE020] =	vst v63  }
0xaa: {  	_ =	swait.ge [sflag:s14], $0x800  }
0xab: {  	[sflag:s14] =	ssyncset.done $0x0  }
0xac: {  	s31 =	sadd.s32 $0x2B00, s0;
	[sflag:s14] =	ssyncadd.s32 $0xFFFFF800  }
0xad: {  	[spmem:s2] =	stream.indirect.scatter.add.f32 [tilespmem:s25], [sflag:$0x1], $0x10, s31, s19, $0xb8;
	[tilespmem:$0xE020] =	vst v63  }
0xae: {  	s29 =	sadd.s32 $0x1, s29;
	_ =	swait.ge [sflag:s14], $0x800  }
0xaf: {  	p0 =	sne.s32 s29, $0xA;
	[sflag:s14] =	ssyncset.done $0x0  }
.Ltmp1:
0xb0: {  	s0 =	sadd.s32 $0x2B80, s0;
	[sflag:s14] =	ssyncadd.s32 $0xFFFFF800;
	(pc) =	sbr.rel @p0 .LBB2_2-.Ltmp1, $4  }
0xb1: {  	[spmem:s2] =	stream.indirect.scatter.add.f32 [tilespmem:s26], [sflag:$0x1], $0x10, s0, s19, $0xb8;
	[tilespmem:$0xE020] =	vst v63  }
0xb2: {  	_ =	swait.ge [sflag:s14], $0x800  }
0xb3: {  	[sflag:s14] =	ssyncset.done $0x0  }
0xb4: {  	[sflag:s14] =	ssyncadd.s32 $0xFFFFF800  }
0xb5: {  	[bflag:$0x0] =	sbarrier.arrive $0xFFFF  }
0xb6: {  	s0 =	rddreg [dreg:$0x8]  }
0xb7: {  	[hbm:s0], [sflag:s8] =	dma.local [spmem:s13], $0x500  }
0xb8: {  	_ =	swait.ge [sflag:s14], $0x500  }
0xb9: {  	s28 =	sadd.s32 $0x1, s28;
	s31 =	rddreg [dreg:$0x9]  }
0xba: {  	p0 =	sne.s32 s28, s31  }
.Ltmp2:
0xbb: {  	_ = 	snop;
	(pc) =	sbr.rel @p0 .LBB2_1-.Ltmp2, $3  }
0xbc: {  	_ =	sdelay $0x1  }
0xbd: {  	[sflag:s14] =	ssyncset.done $0x0  }
0xbe: {  	[sflag:s14] =	ssyncadd.s32 $0xFFFFFB00  }
0xbf: {  	_ =	sfence.sel $0x180000  }
0xc0: {  	[bflag:$0x0] =	sbarrier.arrive $0xFFFF  }
0xc1: {  	_ =	strace $0x9000004A  }
0xc2: {  	s0 =	stileid.u32;
	[bflag:$0x2] =	sbarrier.arrive $0xFFFF  }
0xc3: {  	p0 =	sne.s32 s0, $0x0;
	s0 =	rddreg [dreg:$0x2]  }
0xc4: {  	s0 =	sadd.s32 @!p0 $0x100000, s0  }
0xc5: {  	[sflag:s0] =	ssyncadd.tile.s32 @!p0 $0x1;
	_ =	shalt  }
.Lfunc_end2:
_tile_overlayer_lowered:
.L_overlay_start_2:
0xc6: {  	(tag) =	ssettag $0x2  }
0xc7: {  	s0 =	rddreg [dreg:$0x0];
	s2 =	stileid.u32  }
0xc8: {  	s1 =	rddreg [dreg:$0x1];
	p0 =	sne.s32 s2, $0x0  }
0xc9: {  	s3 =	rddreg [dreg:$0x2];
	[bflag:$0x3] =	sbarrier.arrive $0xFFFF;
	s2 =	simm.s32 @!p0 $0x1C01  }
0xca: {  	[timem:s3], [sflag:s2] =	dma.local @!p0 [hbm:s0], s1  }
0xcb: {  	s0 =	simm.s32 @!p0 $0x1  }
0xcc: {  	_ =	swait.ge @!p0 [sflag:s0], s1  }
0xcd: {  	s1 =	ssub.s32 @!p0 $0x0, s1;
	[sflag:s0] =	ssyncset.done @!p0 $0x0  }
0xce: {  	[sflag:s0] =	ssyncadd.s32 @!p0 s1  }
0xcf: {  	[bflag:$0x3] =	sbarrier.arrive $0xFFFF  }
0xd0: {  	_ =	shalt  }

// kernel: kernel.7.cloned.1.call-start
scs
__scs_entry_jumppad:
0x0: {  	(pc) =	sbr.rel $0x88, $3  }
0x1: {  	(tag) =	ssettag $0x0;
	lr =	simm.s32 $0x1  }
0x2: {  	[smem:$0x3F97] =	sst lr;
	_ =	strace $0xD0000000  }
0x3: {  	_ = 	snop  }
0x4: {  	_ = 	snop  }
0x5: {  	_ = 	snop  }
0x6: {  	_ = 	snop  }
0x7: {  	_ = 	snop  }
__scs_overlays_trampoline_lowered:
0x8: {  	[smem:$0x3FA6] =	sst s0  }
0x9: {  	[smem:$0x3FA7] =	sst s1  }
0xa: {  	[smem:$0x3FA8] =	sst s2  }
0xb: {  	[smem:$0x3FA9] =	sst s3  }
0xc: {  	[smem:$0x3FAA] =	sst s4  }
0xd: {  	[smem:$0x3FAB] =	sst s5  }
0xe: {  	[smem:$0x3FAC] =	sst s6  }
0xf: {  	[smem:$0x3FAD] =	sst s7  }
0x10: {  	[smem:$0x3FAE] =	sst s8  }
0x11: {  	[smem:$0x3FAF] =	sst s9;
	s0 =	simm.s32 @!p0 $0x0  }
0x12: {  	s1 =	sld [smem:$0x3F95];
	s0 =	simm.s32 @p0 $0x1  }
0x13: {  	[smem:$0x3FB0] =	sst s0;
	s0 =	simm.s32 @!p1 $0x0  }
0x14: {  	s2 =	sld [smem:$0x3F94];
	s0 =	simm.s32 @p1 $0x1  }
0x15: {  	[smem:$0x3FB1] =	sst s0;
	s0 =	simm.s32 @!p2 $0x0  }
0x16: {  	s3 =	sld [smem:$0x3FDB];
	s0 =	simm.s32 @p2 $0x1  }
0x17: {  	s4 =	simm.s32 $0x1BF5;
	[smem:$0x3FB3] =	sst s0  }
0x18: {  	s0 =	sld [smem:$0x3F96];
	_ =	swait.ge [sflag:s4], $0x0  }
0x19: {  	s7 =	sld [smem:$0x3F97]  }
0x1a: {  	s8 =	sadd.s32 $0xFFFFE003, lr  }
0x1b: {  	s9 =	sadd.s32 $0xFFFFFEF7, lr;
	s5 =	simm.s32 $0xFFFFFFFF;
	p2 =	slt.u32 s8, $0xFFFFF086  }
0x1c: {  	p1 =	slt.u32 s9, $0xF7A;
	s5 =	simm.s32 @!p2 $0x0  }
0x1d: {  	s5 =	simm.s32 @p1 $0x1;
	p0 =	seq.s32 s7, s2  }
0x1e: {  	s7 =	smul.u32 @!p0 $0xF7A, s2;
	p2 =	seq.s32 @!p0 s5, $0x0  }
0x1f: {  	s9 =	smul.u32 $0xF7A, s1;
	s8 =	simm.s32 @!p0 $0x1BF5;
	p2 =	por !p2, p0  }
0x20: {  	[sflag:s8] =	ssyncset.s32 @!p0 $0xFFFFF086;
	s6 =	sadd.s32 @!p0 s3, s7;
	s7 =	simm.s32 @!p0 $0x108  }
0x21: {  	s3 =	sadd.s32 s3, s9;
	s6 =	sadd.s32 @!p0 $0x88, s6;
	s7 =	simm.s32 @p2 $0x1082  }
0x22: {  	[simem:s7], [sflag:s8] =	dma.local @!p0 [hbm:s6], $0xF7A  }
0x23: {  	s9 =	sor.u32 $0xD0000000, s2;
	s6 =	simm.s32 $0x108;
	_ =	swait.ge @!p0 [sflag:s8], $0x0  }
0x24: {  	s3 =	sadd.s32 $0x88, s3;
	s6 =	simm.s32 @!p1 $0x1082;
	[sflag:s4] =	ssyncset.s32 $0xFFFFF086  }
0x25: {  	[simem:s6], [sflag:s4] =	dma.local [hbm:s3], $0xF7A  }
0x26: {  	[smem:$0x3F97] =	sst s1;
	(tag) =	ssettag s2;
	_ =	strace s9  }
0x27: {  	s1 =	sld [smem:$0x3FA7]  }
0x28: {  	s2 =	sld [smem:$0x3FA8]  }
0x29: {  	s4 =	sld [smem:$0x3FAA]  }
0x2a: {  	p0 =	seq.s32 s5, $0x0;
	s5 =	sld [smem:$0x3FAB]  }
0x2b: {  	s6 =	sld [smem:$0x3FAC]  }
0x2c: {  	s7 =	sld [smem:$0x3FAD]  }
0x2d: {  	s3 =	simm.s32 $0x108;
	s8 =	sld [smem:$0x3FAE]  }
0x2e: {  	s3 =	simm.s32 @!p0 $0x1082;
	s9 =	sld [smem:$0x3FAF]  }
0x2f: {  	lr =	sadd.s32 s0, s3;
	s0 =	sld [smem:$0x3FA6]  }
0x30: {  	s3 =	sld [smem:$0x3FA9]  }
0x31: {  	[smem:$0x3FB2] =	sst s10  }
0x32: {  	s10 =	sld [smem:$0x3FB0];
	_ =	sdelay $0x3  }
0x33: {  	p0 =	seq.s32 s10, $0x1;
	s10 =	sld [smem:$0x3FB2];
	_ =	sdelay $0x3  }
0x34: {  	[smem:$0x3FB2] =	sst s10  }
0x35: {  	s10 =	sld [smem:$0x3FB1];
	_ =	sdelay $0x3  }
0x36: {  	p1 =	seq.s32 s10, $0x1;
	s10 =	sld [smem:$0x3FB2];
	_ =	sdelay $0x3  }
0x37: {  	[smem:$0x3FB2] =	sst s10  }
0x38: {  	s10 =	sld [smem:$0x3FB3]  }
0x39: {  	_ = 	snop;
	(pc) =	sbr.ind lr, $3  }
0x3a: {  	_ = 	snop  }
0x3b: {  	_ = 	snop  }
0x3c: {  	p2 =	seq.s32 s10, $0x1;
	s10 =	sld [smem:$0x3FB2]  }
0x3d: {  	_ =	shalt  }
0x3e: {  	_ =	shalt  }
0x3f: {  	_ =	shalt  }
0x40: {  	_ =	shalt  }
0x41: {  	_ =	shalt  }
0x42: {  	_ =	shalt  }
0x43: {  	_ =	shalt  }
0x44: {  	_ =	shalt  }
0x45: {  	_ =	shalt  }
0x46: {  	_ =	shalt  }
0x47: {  	_ =	shalt  }
0x48: {  	_ =	shalt  }
0x49: {  	_ =	shalt  }
0x4a: {  	_ =	shalt  }
0x4b: {  	_ =	shalt  }
0x4c: {  	_ =	shalt  }
0x4d: {  	_ =	shalt  }
0x4e: {  	_ =	shalt  }
0x4f: {  	_ =	shalt  }
0x50: {  	_ =	shalt  }
0x51: {  	_ =	shalt  }
0x52: {  	_ =	shalt  }
0x53: {  	_ =	shalt  }
0x54: {  	_ =	shalt  }
0x55: {  	_ =	shalt  }
0x56: {  	_ =	shalt  }
0x57: {  	_ =	shalt  }
0x58: {  	_ =	shalt  }
0x59: {  	_ =	shalt  }
0x5a: {  	_ =	shalt  }
0x5b: {  	_ =	shalt  }
0x5c: {  	_ =	shalt  }
0x5d: {  	_ =	shalt  }
0x5e: {  	_ =	shalt  }
0x5f: {  	_ =	shalt  }
0x60: {  	_ =	shalt  }
0x61: {  	_ =	shalt  }
0x62: {  	_ =	shalt  }
0x63: {  	_ =	shalt  }
0x64: {  	_ =	shalt  }
0x65: {  	_ =	shalt  }
0x66: {  	_ =	shalt  }
0x67: {  	_ =	shalt  }
0x68: {  	_ =	shalt  }
0x69: {  	_ =	shalt  }
0x6a: {  	_ =	shalt  }
0x6b: {  	_ =	shalt  }
0x6c: {  	_ =	shalt  }
0x6d: {  	_ =	shalt  }
0x6e: {  	_ =	shalt  }
0x6f: {  	_ =	shalt  }
0x70: {  	_ =	shalt  }
0x71: {  	_ =	shalt  }
0x72: {  	_ =	shalt  }
0x73: {  	_ =	shalt  }
0x74: {  	_ =	shalt  }
0x75: {  	_ =	shalt  }
0x76: {  	_ =	shalt  }
0x77: {  	_ =	shalt  }
0x78: {  	_ =	shalt  }
0x79: {  	_ =	shalt  }
0x7a: {  	_ =	shalt  }
0x7b: {  	_ =	shalt  }
0x7c: {  	_ =	shalt  }
0x7d: {  	_ =	shalt  }
0x7e: {  	_ =	shalt  }
0x7f: {  	_ =	shalt  }
0x80: {  	_ =	shalt  }
0x81: {  	_ =	shalt  }
0x82: {  	_ =	shalt  }
0x83: {  	_ =	shalt  }
0x84: {  	_ =	shalt  }
0x85: {  	_ =	shalt  }
0x86: {  	_ =	shalt  }
0x87: {  	_ =	shalt  }
.Lfunc_end0:
.L_simem_size_0:
called_computation_lowered:
.L_overlay_start_0:
0x88: {  	s2 =	sld [smem:$0x3FD9]  }
0x89: {  	s3 =	sld [smem:$0x3FFE];
	_ =	sdelay $0x1  }
0x8a: {  	s1 =	srdreg.scid  }
0x8b: {  	s0 =	sand.u32 $0x1, s1  }
0x8c: {  	s16 =	sshll.u32 s0, $0xA;
	s2 =	sadd.s32 s3, s2  }
0x8d: {  	s2 =	sadd.s32 s2, s16  }
0x8e: {  	[smem:$0x3FBE] =	sst s2  }
0x8f: {  	_ = 	snop  }
0x90: {  	(tm) =	ssettm $0x1  }
0x91: {  	s17 =	sld [smem:$0x3FFB];
	_ =	sdelay $0x3  }
0x92: {  	_ =	strace s17  }
0x93: {  	s2 =	sld [smem:$0x3FFC];
	_ =	sdelay $0x3  }
0x94: {  	_ =	strace s2  }
0x95: {  	s2 =	sld [smem:$0x3FFD];
	_ =	sdelay $0x3  }
0x96: {  	_ =	strace s2  }
0x97: {  	_ =	strace $0x8FFFFFFF  }
0x98: {  	s18 =	sld [smem:$0x3FDB];
	_ =	sdelay $0x1  }
0x99: {  	s19 =	simm.s32 $_scs_section_size  }
0x9a: {  	s4 =	simm.s32 $_size__tile_overlayer_lowered;
	s5 =	simm.s32 $_tile_overlayer_lowered  }
0x9b: {  	s22 =	simm.s32 $0x1BFF;
	s21 =	sshll.u32 s5, $0x1;
	s2 =	sadd.s32 s19, s18  }
0x9c: {  	s6 =	simm.s32 $0x0;
	s20 =	sshll.u32 s4, $0x1;
	s4 =	sadd.s32 s21, s2  }
0x9d: {  	[timem:s6], [sflag:s22] =	dma.local [hbm:s4], s20  }
0x9e: {  	_ =	swait.ge [sflag:s22], s20  }
0x9f: {  	s3 =	ssub.s32 $0x0, s20;
	[sflag:s22] =	ssyncset.done $0x0  }
0xa0: {  	[sflag:s22] =	ssyncadd.s32 s3;
	_ =	sdelay $0x1  }
0xa1: {  	s23 =	simm.s32 $0x1B8B  }
0xa2: {  	_ =	swait.ge [sflag:s23], $0x1  }
0xa3: {  	[sflag:s23] =	ssyncset.done $0x0  }
0xa4: {  	s25 =	simm.s32 $0x1B8E;
	s24 =	sld [smem:$0x3FFE];
	[sflag:s23] =	ssyncadd.s32 $0xFFFFFFFF  }
0xa5: {  	s26 =	simm.s32 $execute0_lowered;
	[smem:$0x3FD2] =	sst s25  }
0xa6: {  	s4 =	sshll.u32 s26, $0x1;
	_ =	strace $0x80000046;
	[dreg:$0x1] =	wrdreg $0xFFFFFFFF  }
0xa7: {  	s28 =	simm.s32 $_size_execute0_lowered;
	s2 =	sadd.s32 s2, s4;
	[dreg:$0x0] =	wrdreg $0x0  }
0xa8: {  	s4 =	sshll.u32 s28, $0x1;
	[dreg:$0x2] =	wrdreg s2  }
0xa9: {  	[dreg:$0x3] =	wrdreg s4  }
0xaa: {  	[dreg:$0x4] =	wrdreg $0xC0  }
0xab: {  	_ =	task [dreg:s6], $0x5FFFF  }
0xac: {  	[dreg:$0x1] =	wrdreg $0xFFFFFFFF  }
0xad: {  	[dreg:$0x0] =	wrdreg $0x60  }
0xae: {  	[dreg:$0x2] =	wrdreg s24  }
0xaf: {  	[dreg:$0x3] =	wrdreg $0x110000  }
0xb0: {  	[dreg:$0x4] =	wrdreg $0x9  }
0xb1: {  	_ =	task.clear_ibuf [dreg:s6], $0x5FFFF;
	_ =	strace $0x90000046  }
0xb2: {  	s29 =	simm.s32 $0x9;
	_ =	strace $0x80000048  }
0xb3: {  	_ =	swait.ge [sflag:s29], $0x1  }
0xb4: {  	[sflag:s29] =	ssyncadd.s32 $0xFFFFFFFF  }
0xb5: {  	_ =	strace $0x90000048  }
0xb6: {  	_ =	sfence  }
0xb7: {  	s30 =	sld [smem:$0x0];
	_ =	sdelay $0x2  }
0xb8: {  	s31 =	sshll.u32 s1, $0xD;
	s1 =	sshrl.u32 s1, $0x2  }
0xb9: {  	s3 =	sand.u32 $0x4000, s31;
	s1 =	sadd.s32 s1, s30  }
0xba: {  	s0 =	sor.u32 s3, s0;
	s1 =	sshll.u32 s1, $0x11  }
0xbb: {  	s0 =	sor.u32 s1, s0  }
0xbc: {  	s0 =	sadd.s32 $0x8F2B, s0  }
0xbd: {  	[sflag:s0] =	ssyncadd.remote.s32 $0x1  }
0xbe: {  	_ =	sfence.sel $0xFFFF  }
0xbf: {  	[dreg:$0x0] =	wrdreg $0xFFFFFFFF;
	(pc) =	sbr.abs _section_cstart, $3  }
0xc0: {  	[dreg:$0x1] =	wrdreg $0xFFFFFFFF  }
0xc1: {  	_ =	task.clear_ibuf [dreg:s6], $0x2FFFF;
	_ =	strace $0x9FFFFFFF  }
0xc2: {  	(tm) =	ssettm $0x7FFFFFFF  }
0xc3: {  	_ =	shalt  }
tec
execute0_lowered:
.L_overlay_start_1:
0x0: {  	(tag) =	ssettag $0x1  }
0x1: {  	s0 =	srdreg.scid  }
0x2: {  	s1 =	rddreg [dreg:$0x0];
	s11 =	stileid.u32  }
0x3: {  	s2 =	rddreg [dreg:$0x1];
	s13 =	simm.s32 $0x9;
	s15 =	simm.s32 $0x80  }
0x4: {  	s25 =	simm.s32 $0x0;
	s0 =	sand.u32 $0x1, s0;
	s6 =	smul.u32 $0xC800, s11  }
0x5: {  	v1 =	vlaneseq.u32;
	s5 =	sadd.s32 $0x19400, s1;
	s31 =	sshll.u32 s11, $0x6;
	s3 =	sshll.u32 s0, $0x4  }
0x6: {  	v2 =	vand.u32 $0x7, v1;
	s7 =	smul.u32 $0xC8000, s0;
	s4 =	sor.u32 s11, s3;
	s3 =	simm.s32 $0x0  }
0x7: {  	v57 =	vshrl.u32 v1, $0x3;
	s0 =	ssub.s32 $0x2, s0;
	v0 =	vor.u32 $0x8, v2;
	s8 =	sshrl.u32 s6, $0x3;
	[smem:$0x7FF] =	sst s3  }
0x8: {  	v1 =	vor.u32 $0x40, v57;
	s10 =	sshrl.u32 s0, $0x1;
	s12 =	sadd.s32 s6, s2;
	_ =	strace $0x80000047;
	[tilespmem:$0x1FFA0] =	vst v0  }
0x9: {  	v58 =	vor.u32 $0x40, v2;
	v2 =	vor.u32 $0x42, v57;
	s4 =	smul.u32 $0x500, s4;
	s7 =	sadd.s32 s6, s7;
	s8 =	sadd.s32 s8, s1;
	[tilespmem:$0x1FFB0] =	vst v1  }
0xa: {  	v3 =	vor.u32 $0x44, v57;
	s0 =	ssub.s32 s0, s10;
	s12 =	sshrl.u32 s12, $0x3;
	s7 =	sshrl.u32 s7, $0x3;
	[tilespmem:$0x1FFC0] =	vst v2  }
0xb: {  	v4 =	vor.u32 $0x46, v57;
	s6 =	sadd.s32 $0x32400, s8;
	s11 =	smax.u32 s0, $0x1;
	[tilespmem:$0x1FFD0] =	vst v3;
	s9 =	sadd.s32 s4, s1  }
0xc: {  	v5 =	vor.u32 $0x4, v57;
	[tilespmem:$0x1FFE0] =	vst v4;
	s4 =	sadd.s32 $0x400, s1;
	s1 =	sadd.s32 s7, s1;
	s7 =	sor.u32 $0x1C09, s31  }
0xd: {  	v63 =	vor.u32 $0x2, v57;
	v62 =	vor.u32 $0x6, v57;
	[tilespmem:$0x1FFF0] =	vst v5;
	s8 =	sadd.s32 $0x28400, s9;
	s9 =	sadd.s32 $0x1E400, s9;
	s10 =	sadd.s32 $0x4B400, s1  }
.LBB2_1:
0xe: {  	[spmem:s12], [sflag:s7] =	dma.local [hbm:s6], $0x1900  }
0xf: {  	_ =	swait.ge [sflag:s13], $0x1900  }
0x10: {  	[sflag:s13] =	ssyncset.done $0x0  }
0x11: {  	[sflag:s13] =	ssyncadd.s32 $0xFFFFE700  }
0x12: {  	[tilespmem:s3], [sflag:$0x9] =	stream.linear.gather [hbm4b:s8+s3], $0x2800, $0x38;
	[tilespmem:$0x1D800] =	vst v63  }
0x13: {  	_ =	swait.ge [sflag:s13], $0x2800  }
0x14: {  	[sflag:s13] =	ssyncset.done $0x0  }
0x15: {  	s0 =	simm.s32 $0x2800;
	[sflag:s13] =	ssyncadd.s32 $0xFFFFD800  }
0x16: {  	[tilespmem:s0], [sflag:$0x9] =	stream.linear.gather [hbm4b:s9+s3], $0x2800, $0x38;
	[tilespmem:$0x1D800] =	vst v63  }
0x17: {  	_ =	swait.ge [sflag:s13], $0x2800  }
0x18: {  	[sflag:s13] =	ssyncset.done $0x0  }
0x19: {  	[sflag:s13] =	ssyncadd.s32 $0xFFFFD800  }
0x1a: {  	s1 =	simm.s32 $0x5000;
	[bflag:$0x0] =	sbarrier.arrive $0xFFFF  }
0x1b: {  	[tilespmem:s1], [sflag:$0x1] =	stream.indirect.gather [hbm4b:s4+s15], $0x50, s3, s15, $0xb8;
	[tilespmem:$0x1D800] =	vst v63  }
0x1c: {  	s21 =	simm.s32 $0xF000  }
0x1d: {  	[tilespmem:s21], [sflag:$0x1] =	stream.indirect.gather [hbm4b:s5+s15], $0x10, s0, s15, $0xb8;
	[tilespmem:$0x1D800] =	vst v63  }
0x1e: {  	s22 =	simm.s32 $0x7800  }
0x1f: {  	[tilespmem:s22], [sflag:$0x2] =	stream.indirect.gather [hbm4b:s4+s15], $0x50, s15, s15, $0xb8;
	[tilespmem:$0x1D800] =	vst v63  }
0x20: {  	s23 =	simm.s32 $0x2880;
	s24 =	simm.s32 $0xF800  }
0x21: {  	[tilespmem:s24], [sflag:$0x2] =	stream.indirect.gather [hbm4b:s5+s15], $0x10, s23, s15, $0xb8;
	[tilespmem:$0x1D800] =	vst v63  }
0x22: {  	s26 =	simm.s32 $0x100;
	s29 =	simm.s32 $0xA000;
	s30 =	simm.s32 $0x2900  }
0x23: {  	[tilespmem:s29], [sflag:$0x3] =	stream.indirect.gather [hbm4b:s4+s15], $0x50, s26, s15, $0xb8;
	[tilespmem:$0x1D800] =	vst v63  }
0x24: {  	s31 =	simm.s32 $0x10000;
	s28 =	simm.s32 $0x0;
	s26 =	simm.s32 $0x0  }
0x25: {  	[tilespmem:s31], [sflag:$0x3] =	stream.indirect.gather [hbm4b:s5+s15], $0x10, s30, s15, $0xb8;
	[tilespmem:$0x1D800] =	vst v63  }
.LBB2_2:
0x26: {  	p0 =	sgt.u32 s28, $0x4C  }
0x27: {  	s0 =	sadd.s32 @!p0 $0x3, s28  }
0x28: {  	s1 =	sand.u32 @!p0 $0x3, s0  }
0x29: {  	s16 =	smul.u32 @!p0 $0xA000, s1;
	_ =	sdelay $0x1  }
0x2a: {  	s18 =	simm.s32 @!p0 $0x80;
	s0 =	sshll.u32 @!p0 s0, $0x7;
	s16 =	sshrl.u32 @!p0 s16, $0x2  }
0x2b: {  	s17 =	sadd.s32 @!p0 $0x1, s1;
	s1 =	sshll.u32 @!p0 s1, $0xB;
	s16 =	sadd.s32 @!p0 $0x5000, s16  }
0x2c: {  	[tilespmem:s16], [sflag:s17] =	stream.indirect.gather @!p0 [hbm4b:s4+s18], $0x50, s0, s18, $0xb8;
	[tilespmem:$0x1D800] =	vst v63  }
0x2d: {  	s1 =	sadd.s32 @!p0 $0xF000, s1;
	s0 =	sadd.s32 @!p0 $0x2800, s0  }
0x2e: {  	[tilespmem:s1], [sflag:s17] =	stream.indirect.gather @!p0 [hbm4b:s5+s18], $0x10, s0, s18, $0xb8;
	[tilespmem:$0x1D800] =	vst v63  }
0x2f: {  	s29 =	sand.u32 $0x3, s28;
	s18 =	simm.s32 $0x6  }
0x30: {  	s19 =	sadd.s32 $0x1, s29;
	v10 =	vor.u32 s18, v57  }
0x31: {  	_ =	swait.ge [sflag:s19], $0x2800;
	v11 =	vshll.u32 v10, $0x4;
	v10 =	vmul.u32 $0x50, v10  }
0x32: {  	[sflag:s19] =	ssyncset.done $0x0;
	v11 =	vor.u32 v0, v11  }
0x33: {  	[sflag:s19] =	ssyncadd.s32 $0xFFFFD800;
	v10 =	vadd.s32 v58, v10  }
0x34: {  	s20 =	smul.u32 $0xA000, s29;
	_ =	swait.ge [sflag:s19], $0x800  }
0x35: {  	s22 =	simm.s32 $0x2;
	s21 =	sshll.u32 s29, $0xB;
	[sflag:s19] =	ssyncset.done $0x0  }
0x36: {  	v12 =	vor.u32 s22, v57;
	s16 =	sshrl.u32 s20, $0x2;
	s1 =	sadd.s32 $0xF000, s21;
	[sflag:s19] =	ssyncadd.s32 $0xFFFFF800  }
0x37: {  	v13 =	vmul.u32 $0x50, v12;
	v12 =	vshll.u32 v12, $0x4;
	s30 =	sadd.s32 $0x5000, s16;
	v11 =	vld.idx.msk [tilespmem:v11+s1+$0x0], $0xffff  }
0x38: {  	s23 =	simm.s32 $0x4;
	v12 =	vor.u32 v0, v12;
	v14 =	vld.idx.msk [tilespmem:v10+s30+$0x0], $0xffff  }
0x39: {  	v15 =	vor.u32 s23, v57;
	v13 =	vadd.s32 v58, v13  }
0x3a: {  	s24 =	simm.s32 $0x0;
	v17 =	vmul.u32 $0x50, v15  }
0x3b: {  	v16 =	vor.u32 s24, v57  }
0x3c: {  	v18 =	vmul.u32 $0x50, v16;
	v15 =	vshll.u32 v15, $0x4;
	v17 =	vadd.s32 v58, v17  }
0x3d: {  	v15 =	vor.u32 v0, v15;
	v12 =	vld.idx.msk [tilespmem:v12+s1+$0x0], $0xffff;
	v11 =	vadd.f32 v14, v11  }
0x3e: {  	v18 =	vadd.s32 v58, v18;
	v14 =	vshll.u32 v16, $0x4;
	v16 =	vld.idx.msk [tilespmem:v13+s30+$0x0], $0xffff  }
0x3f: {  	v14 =	vor.u32 v0, v14;
	v19 =	vmul.f32 $2.000000030e-01, v11;
	_ =	sdelay $0x1  }
0x40: {  	v20 =	vld.idx.msk [tilespmem:v17+s30+$0x0], $0xffff;
	v11 =	vmax.f32 v11, v19  }
0x41: {  	v15 =	vld.idx.msk [tilespmem:v15+s1+$0x0], $0xffff;
	v11 =	vmul.f32 $1.442695020e+00, v11  }
0x42: {  	v19 =	vld.idx.msk [tilespmem:v18+s30+$0x0], $0xffff;
	v12 =	vadd.f32 v16, v12  }
0x43: {  	v14 =	vld.idx.msk [tilespmem:v14+s1+$0x0], $0xffff;
	(erf) = vpow2.f32 v11  }
0x44: {  	v11 =	vmul.f32 $2.000000030e-01, v12;
	_ =	sdelay $0x1  }
0x45: {  	v16 =	vmov s18;
	v11 =	vmax.f32 v12, v11  }
0x46: {  	v15 =	vadd.f32 v20, v15;
	v12 =	vmul.u32 $0x50, v16;
	v11 =	vmul.f32 $1.442695020e+00, v11  }
0x47: {  	v14 =	vadd.f32 v19, v14  }
0x48: {  	v16 =	vmul.f32 $2.000000030e-01, v15;
	v19 =	vadd.s32 v1, v12;
	(erf) = vpow2.f32 v11  }
0x49: {  	s14 =	sand.u32 $0x3, s26;
	v51 =	vmul.f32 $2.000000030e-01, v14  }
0x4a: {  	s0 =	smul.u32 $0xA000, s14;
	v11 =	vmax.f32 v15, v16  }
0x4b: {  	v11 =	vmul.f32 $1.442695020e+00, v11;
	v14 =	vmax.f32 v14, v51;
	v15 =	vpop (erf)  }
0x4c: {  	s0 =	sshrl.u32 s0, $0x2;
	v14 =	vmul.f32 $1.442695020e+00, v14;
	[tilespmem:v10+s30+$0x0] =	vst.idx.msk $0xffff, v15  }
0x4d: {  	s31 =	sadd.s32 $0x5140, s0;
	v16 =	vmov s22;
	(erf) = vpow2.f32 v11;
	v11 =	vld.idx.msk [tilespmem:v19+s30+$0x0], $0xffff  }
0x4e: {  	v10 =	vmul.u32 $0x50, v16;
	(erf) = vpow2.f32 v14;
	v14 =	vld [tilespmem:s31+$0xA0];
	_ =	sdelay $0x1  }
0x4f: {  	v15 =	vor.u32 v1, v10  }
0x50: {  	v16 =	vmov s23;
	v56 =	vld [tilespmem:s31+$0xC0];
	v21 =	vpop (erf)  }
0x51: {  	v52 =	vadd.s32 v2, v12;
	v16 =	vmul.u32 $0x50, v16;
	v51 =	vld [tilespmem:s31+$0x110];
	[tilespmem:v13+s30+$0x0] =	vst.idx.msk $0xffff, v21  }
0x52: {  	v19 =	vmov s24;
	v11 =	vmul.f32 v14, v11;
	v60 =	vld [tilespmem:s31+$0xFFFFFF80]  }
0x53: {  	v19 =	vmul.u32 $0x50, v19;
	v22 =	vadd.s32 v1, v16;
	v25 =	vld [tilespmem:s31+$0xFFFFFF90]  }
0x54: {  	v14 =	vld.idx.msk [tilespmem:v15+s30+$0x0], $0xffff  }
0x55: {  	v13 =	vor.u32 v1, v19;
	v15 =	vld [tilespmem:s31+$0xFFFFFF60];
	[tilespmem:s31+$0xA0] =	vst v11  }
0x56: {  	v20 =	vld.idx.msk [tilespmem:v52+s30+$0x0], $0xffff;
	v11 =	vpop (erf)  }
0x57: {  	[tilespmem:v17+s30+$0x0] =	vst.idx.msk $0xffff, v11;
	v11 =	vpop (erf);
	v17 =	vld [tilespmem:s31+$0xB0]  }
0x58: {  	[tilespmem:v18+s30+$0x0] =	vst.idx.msk $0xffff, v11;
	v11 =	vld.idx.msk [tilespmem:v22+s30+$0x0], $0xffff  }
0x59: {  	v18 =	vor.u32 v2, v10;
	v53 =	vld [tilespmem:s31+$0x0]  }
0x5a: {  	v54 =	vadd.s32 v3, v12;
	v13 =	vld.idx.msk [tilespmem:v13+s30+$0x0], $0xffff  }
0x5b: {  	v14 =	vmul.f32 v15, v14;
	v23 =	vld [tilespmem:s31+$0xFFFFFEC0]  }
0x5c: {  	v55 =	vadd.s32 v2, v16;
	v28 =	vld [tilespmem:s31+$0xFFFFFFC0];
	v17 =	vmul.f32 v17, v20  }
0x5d: {  	v15 =	vld [tilespmem:s31+$0xFFFFFF70];
	[tilespmem:s31+$0xFFFFFF60] =	vst v14  }
0x5e: {  	v14 =	vld.idx.msk [tilespmem:v18+s30+$0x0], $0xffff;
	v11 =	vmul.f32 v53, v11;
	[tilespmem:s31+$0xB0] =	vst v17  }
0x5f: {  	v17 =	vor.u32 v2, v19;
	v18 =	vld.idx.msk [tilespmem:v54+s30+$0x0], $0xffff  }
0x60: {  	v24 =	vld [tilespmem:s31+$0x10];
	[tilespmem:s31+$0x0] =	vst v11;
	v11 =	vmul.f32 v23, v13  }
0x61: {  	v13 =	vld.idx.msk [tilespmem:v55+s30+$0x0], $0xffff  }
0x62: {  	v21 =	vld [tilespmem:s31+$0xFFFFFFE0];
	[tilespmem:s31+$0xFFFFFEC0] =	vst v11;
	v11 =	vadd.s32 v4, v12  }
0x63: {  	v59 =	vld [tilespmem:s31+$0xFFFFFED0];
	v14 =	vmul.f32 v15, v14;
	v15 =	vor.u32 v3, v10  }
0x64: {  	s16 =	simm.s32 $0x7;
	v12 =	vld.idx.msk [tilespmem:v17+s30+$0x0], $0xffff;
	v18 =	vmul.f32 v56, v18  }
0x65: {  	v61 =	vadd.s32 v3, v16;
	v45 =	vld [tilespmem:s31+$0x50];
	[tilespmem:s31+$0xFFFFFF70] =	vst v14;
	v14 =	vmov s16  }
0x66: {  	v14 =	vmul.u32 $0x50, v14;
	v13 =	vmul.f32 v24, v13;
	v24 =	vld [tilespmem:s31+$0xD0];
	[tilespmem:s31+$0xC0] =	vst v18  }
0x67: {  	v18 =	vor.u32 v3, v19;
	v11 =	vld.idx.msk [tilespmem:v11+s30+$0x0], $0xffff  }
0x68: {  	v14 =	vadd.s32 $0x40, v14;
	v15 =	vld.idx.msk [tilespmem:v15+s30+$0x0], $0xffff  }
0x69: {  	v17 =	vld [tilespmem:s31+$0x20];
	[tilespmem:s31+$0x10] =	vst v13;
	v12 =	vmul.f32 v59, v12;
	v7 =	vbroadcast v14, $0x0  }
0x6a: {  	v13 =	vld.idx.msk [tilespmem:v61+s30+$0x0], $0xffff  }
0x6b: {  	v6 =	vld [tilespmem:s31+$0xFFFFFEE0];
	[tilespmem:s31+$0xFFFFFED0] =	vst v12;
	v12 =	vor.u32 v57, v7  }
0x6c: {  	v18 =	vld.idx.msk [tilespmem:v18+s30+$0x0], $0xffff;
	v11 =	vmul.f32 v24, v11  }
0x6d: {  	v30 =	vld [tilespmem:s31+$0x60];
	v15 =	vmul.f32 v60, v15  }
0x6e: {  	s17 =	simm.s32 $0xE;
	v44 =	vld [tilespmem:s31+$0xFFFFFEF0];
	[tilespmem:s31+$0xD0] =	vst v11  }
0x6f: {  	v16 =	vadd.s32 v4, v16;
	v13 =	vmul.f32 v17, v13;
	v17 =	vld [tilespmem:s31+$0xF0];
	[tilespmem:s31+$0xFFFFFF80] =	vst v15;
	v15 =	vor.u32 s17, v57  }
0x70: {  	v11 =	vor.u32 v4, v19;
	v12 =	vld.idx.msk [tilespmem:v12+s30+$0x0], $0xffff;
	v19 =	vshll.u32 v15, $0x4;
	v15 =	vmul.u32 $0x50, v15  }
0x71: {  	v46 =	vld [tilespmem:s31+$0xFFFFFF10];
	[tilespmem:s31+$0x20] =	vst v13;
	v18 =	vmul.f32 v6, v18;
	v13 =	vor.u32 v0, v19  }
0x72: {  	s22 =	simm.s32 $0xC;
	s23 =	simm.s32 $0x8;
	v14 =	vld [tilespmem:s31+$0x30];
	v29 =	vadd.s32 v58, v15  }
0x73: {  	s21 =	simm.s32 $0xA;
	v26 =	vor.u32 s22, v57;
	v24 =	vld [tilespmem:s31+$0xFFFFFFB0];
	v15 =	vor.u32 s23, v57;
	[tilespmem:s31+$0xFFFFFEE0] =	vst v18;
	v18 =	vor.u32 v63, v7  }
0x74: {  	v10 =	vor.u32 v4, v10;
	v16 =	vld.idx.msk [tilespmem:v16+s30+$0x0], $0xffff;
	v19 =	vor.u32 s21, v57;
	v31 =	vmul.u32 $0x50, v15  }
0x75: {  	v15 =	vshll.u32 v15, $0x4;
	v27 =	vld.idx.msk [tilespmem:v11+s30+$0x0], $0xffff;
	v11 =	vmul.u32 $0x50, v19;
	v12 =	vmul.f32 v17, v12  }
0x76: {  	s19 =	simm.s32 $0x1;
	v37 =	vor.u32 v0, v15;
	v17 =	vmul.u32 $0x50, v26;
	v33 =	vld.idx.msk [tilespmem:v13+s1+$0x0], $0xffff  }
0x77: {  	s20 =	simm.s32 $0x3;
	v26 =	vshll.u32 v26, $0x4;
	v32 =	vadd.s32 v58, v11;
	v11 =	vmov s19;
	[tilespmem:s31+$0xF0] =	vst v12;
	v36 =	vld.idx.msk [tilespmem:v29+s30+$0x0], $0xffff  }
0x78: {  	s24 =	simm.s32 $0x5;
	v13 =	vshll.u32 v19, $0x4;
	v34 =	vadd.s32 v58, v17;
	v12 =	vmov s20;
	v17 =	vld.idx.msk [tilespmem:v18+s30+$0x0], $0xffff  }
0x79: {  	v19 =	vmov s24;
	v35 =	vor.u32 v0, v13;
	v18 =	vld [tilespmem:s31+$0x100];
	v12 =	vmul.u32 $0x50, v12  }
0x7a: {  	v10 =	vld.idx.msk [tilespmem:v10+s30+$0x0], $0xffff;
	v26 =	vor.u32 v0, v26;
	v11 =	vmul.u32 $0x50, v11;
	v19 =	vmul.u32 $0x50, v19  }
0x7b: {  	v40 =	vor.u32 v5, v7;
	v16 =	vmul.f32 v14, v16;
	v14 =	vld [tilespmem:s31+$0xFFFFFF20];
	v12 =	vadd.s32 $0x40, v12  }
0x7c: {  	v15 =	vadd.s32 $0x40, v11;
	v19 =	vadd.s32 $0x40, v19;
	v49 =	vld.idx.msk [tilespmem:v37+s1+$0x0], $0xffff;
	v11 =	vbroadcast v12, $0x0  }
0x7d: {  	v31 =	vadd.s32 v58, v31;
	v38 =	vld.idx.msk [tilespmem:v32+s30+$0x0], $0xffff;
	v12 =	vbroadcast v19, $0x0  }
0x7e: {  	v19 =	vld.idx.msk [tilespmem:v35+s1+$0x0], $0xffff;
	v17 =	vmul.f32 v18, v17;
	v18 =	vadd.f32 v36, v33;
	v47 =	vor.u32 v57, v11  }
0x7f: {  	v15 =	vbroadcast v15, $0x0;
	v26 =	vld.idx.msk [tilespmem:v26+s1+$0x0], $0xffff;
	v48 =	vor.u32 v57, v12  }
0x80: {  	v10 =	vmul.f32 v25, v10;
	v39 =	vld.idx.msk [tilespmem:v34+s30+$0x0], $0xffff;
	[tilespmem:s31+$0x100] =	vst v17;
	v17 =	vmul.f32 $2.000000030e-01, v18  }
0x81: {  	v50 =	vor.u32 v57, v15;
	v25 =	vld.idx.msk [tilespmem:v40+s30+$0x0], $0xffff  }
0x82: {  	[tilespmem:s31+$0xFFFFFF90] =	vst v10;
	v41 =	vld.idx.msk [tilespmem:v31+s30+$0x0], $0xffff;
	v17 =	vmax.f32 v18, v17;
	v18 =	vmul.f32 v44, v27  }
0x83: {  	[tilespmem:s31+$0x30] =	vst v16;
	v10 =	vadd.f32 v38, v19;
	v17 =	vmul.f32 $1.442695020e+00, v17;
	v27 =	vld.idx.msk [tilespmem:v47+s30+$0x0], $0xffff  }
0x84: {  	v22 =	vor.u32 v62, v7;
	[tilespmem:s31+$0xFFFFFEF0] =	vst v18;
	v18 =	vld.idx.msk [tilespmem:v48+s30+$0x0], $0xffff  }
0x85: {  	v13 =	vld [tilespmem:s31+$0xFFFFFFD0];
	v26 =	vadd.f32 v39, v26;
	v16 =	vmul.f32 $2.000000030e-01, v10;
	(erf) = vpow2.f32 v17  }
0x86: {  	v56 =	vmov s17;
	v53 =	vor.u32 v63, v11;
	v37 =	vld.idx.msk [tilespmem:v50+s30+$0x0], $0xffff;
	v17 =	vmul.f32 v51, v25  }
0x87: {  	v54 =	vor.u32 v63, v12;
	v19 =	vld [tilespmem:s31+$0x70];
	v10 =	vmax.f32 v10, v16;
	v25 =	vmul.f32 $2.000000030e-01, v26  }
0x88: {  	v36 =	vadd.f32 v41, v49;
	v16 =	vld [tilespmem:s31+$0xFFFFFF30];
	v10 =	vmul.f32 $1.442695020e+00, v10;
	v24 =	vmul.f32 v24, v27;
	[tilespmem:s31+$0x110] =	vst v17  }
0x89: {  	v52 =	vor.u32 v63, v15;
	v27 =	vmul.u32 $0x50, v56;
	v20 =	vmul.f32 v45, v18;
	v17 =	vld.idx.msk [tilespmem:v22+s30+$0x0], $0xffff  }
0x8a: {  	v55 =	vmul.f32 $2.000000030e-01, v36;
	v25 =	vmax.f32 v26, v25;
	v18 =	vld [tilespmem:s31+$0x120];
	(erf) = vpow2.f32 v10;
	[tilespmem:s31+$0xFFFFFFB0] =	vst v24  }
0x8b: {  	v59 =	vmul.f32 $1.442695020e+00, v25;
	v10 =	vmul.f32 v46, v37;
	v60 =	vadd.s32 v1, v27;
	v25 =	vld.idx.msk [tilespmem:v53+s30+$0x0], $0xffff;
	[tilespmem:s31+$0x50] =	vst v20  }
0x8c: {  	v61 =	vmax.f32 v36, v55;
	v6 =	vld.idx.msk [tilespmem:v54+s30+$0x0], $0xffff  }
0x8d: {  	(erf) = vpow2.f32 v59;
	v20 =	vmul.f32 $1.442695020e+00, v61;
	v59 =	vld [tilespmem:s31+$0xFFFFFF40];
	[tilespmem:s31+$0xFFFFFF10] =	vst v10;
	v10 =	vmov s21  }
0x8e: {  	v7 =	vor.u32 v5, v11;
	v24 =	vld.idx.msk [tilespmem:v52+s30+$0x0], $0xffff;
	v36 =	vmul.u32 $0x50, v10;
	v26 =	vpop (erf)  }
0x8f: {  	(erf) = vpow2.f32 v20;
	v20 =	vld [tilespmem:s31+$0x80];
	[tilespmem:v29+s30+$0x0] =	vst.idx.msk $0xffff, v26;
	v26 =	vor.u32 v5, v12  }
0x90: {  	s0 =	sadd.s32 $0x280, s31;
	v41 =	vor.u32 v1, v36;
	v23 =	vld.idx.msk [tilespmem:v60+s30+$0x0], $0xffff;
	v25 =	vmul.f32 v28, v25  }
0x91: {  	v28 =	vld [tilespmem:s0+$0xA0];
	v22 =	vmul.f32 v30, v6  }
0x92: {  	v40 =	vmov s22;
	v49 =	vld [tilespmem:s0+$0xB0];
	[tilespmem:s31+$0xFFFFFFC0] =	vst v25  }
0x93: {  	v29 =	vmul.u32 $0x50, v40;
	v43 =	vpop (erf);
	v25 =	vld.idx.msk [tilespmem:v7+s30+$0x0], $0xffff;
	[tilespmem:s31+$0x60] =	vst v22  }
0x94: {  	[tilespmem:v32+s30+$0x0] =	vst.idx.msk $0xffff, v43;
	v26 =	vld.idx.msk [tilespmem:v26+s30+$0x0], $0xffff  }
0x95: {  	v42 =	vadd.s32 v1, v29;
	v35 =	vld.idx.msk [tilespmem:v41+s30+$0x0], $0xffff  }
0x96: {  	v47 =	vld [tilespmem:s0+$0xFFFFFF60]  }
0x97: {  	v30 =	vmov s23;
	v53 =	vld [tilespmem:s0+$0xFFFFFF70]  }
0x98: {  	v30 =	vmul.u32 $0x50, v30;
	v45 =	vpop (erf);
	v7 =	vld [tilespmem:s0+$0xFFFFFF80]  }
0x99: {  	v44 =	vadd.s32 v2, v27;
	v41 =	vld [tilespmem:s0+$0xFFFFFF90];
	[tilespmem:v34+s30+$0x0] =	vst.idx.msk $0xffff, v45  }
0x9a: {  	v46 =	vor.u32 v1, v30;
	v23 =	vmul.f32 v28, v23;
	v28 =	vld.idx.msk [tilespmem:v42+s30+$0x0], $0xffff  }
0x9b: {  	v34 =	vld [tilespmem:s0+$0x0]  }
0x9c: {  	v55 =	vld [tilespmem:s0+$0x10]  }
0x9d: {  	v45 =	vld [tilespmem:s0+$0x20];
	[tilespmem:s0+$0xA0] =	vst v23;
	v48 =	vpop (erf)  }
0x9e: {  	v22 =	vld.idx.msk [tilespmem:v44+s30+$0x0], $0xffff;
	[tilespmem:v31+s30+$0x0] =	vst.idx.msk $0xffff, v48  }
0x9f: {  	v50 =	vor.u32 v2, v36;
	v31 =	vld.idx.msk [tilespmem:v46+s30+$0x0], $0xffff  }
0xa0: {  	v51 =	vld [tilespmem:s0+$0xFFFFFEC0]  }
0xa1: {  	v52 =	vadd.s32 v3, v27;
	v38 =	vld [tilespmem:s0+$0x50];
	v32 =	vmul.f32 v47, v35  }
0xa2: {  	v56 =	vld [tilespmem:s0+$0xFFFFFED0];
	v28 =	vmul.f32 v34, v28  }
0xa3: {  	v60 =	vor.u32 v2, v30;
	v47 =	vld [tilespmem:s0+$0xFFFFFEE0];
	[tilespmem:s0+$0xFFFFFF60] =	vst v32;
	v22 =	vmul.f32 v49, v22  }
0xa4: {  	v33 =	vld.idx.msk [tilespmem:v50+s30+$0x0], $0xffff;
	[tilespmem:s0+$0x0] =	vst v28  }
0xa5: {  	v54 =	vadd.s32 v2, v29;
	v28 =	vmul.f32 v51, v31;
	v31 =	vld [tilespmem:s0+$0xC0];
	[tilespmem:s0+$0xB0] =	vst v22  }
0xa6: {  	v22 =	vld.idx.msk [tilespmem:v52+s30+$0x0], $0xffff  }
0xa7: {  	v6 =	vor.u32 v3, v36;
	v40 =	vld [tilespmem:s0+$0xFFFFFEF0];
	[tilespmem:s0+$0xFFFFFEC0] =	vst v28  }
0xa8: {  	v28 =	vld.idx.msk [tilespmem:v60+s30+$0x0], $0xffff  }
0xa9: {  	v27 =	vadd.s32 v4, v27;
	v39 =	vld [tilespmem:s0+$0xFFFFFF10];
	v44 =	vmul.f32 v53, v33  }
0xaa: {  	s14 =	simm.s32 $0xF;
	v61 =	vld.idx.msk [tilespmem:v54+s30+$0x0], $0xffff  }
0xab: {  	v19 =	vmul.f32 v19, v26;
	v26 =	vld [tilespmem:s0+$0x110];
	[tilespmem:s0+$0xFFFFFF70] =	vst v44;
	v22 =	vmul.f32 v31, v22;
	v31 =	vmov s14  }
0xac: {  	v48 =	vor.u32 v3, v30;
	v37 =	vld.idx.msk [tilespmem:v6+s30+$0x0], $0xffff;
	v49 =	vmul.u32 $0x50, v31  }
0xad: {  	v46 =	vadd.s32 v3, v29;
	v23 =	vmul.f32 v56, v28;
	v28 =	vld [tilespmem:s0+$0xD0];
	[tilespmem:s0+$0xC0] =	vst v22  }
0xae: {  	v27 =	vld.idx.msk [tilespmem:v27+s30+$0x0], $0xffff;
	v22 =	vadd.s32 $0x40, v49  }
0xaf: {  	v50 =	vor.u32 v4, v36;
	v36 =	vld [tilespmem:s0+$0x30];
	v34 =	vmul.f32 v55, v61;
	v35 =	vbroadcast v22, $0x0  }
0xb0: {  	v54 =	vld [tilespmem:s0+$0xF0];
	[tilespmem:s0+$0xFFFFFED0] =	vst v23  }
0xb1: {  	[tilespmem:s0+$0x10] =	vst v34;
	v23 =	vld.idx.msk [tilespmem:v48+s30+$0x0], $0xffff;
	v51 =	vor.u32 v57, v35  }
0xb2: {  	s18 =	simm.s32 $0x16;
	v31 =	vld.idx.msk [tilespmem:v46+s30+$0x0], $0xffff  }
0xb3: {  	v55 =	vor.u32 s18, v57;
	v52 =	vmul.f32 v7, v37;
	v37 =	vld [tilespmem:s0+$0xFFFFFFB0];
	v27 =	vmul.f32 v28, v27  }
0xb4: {  	v56 =	vshll.u32 v55, $0x4;
	v22 =	vld [tilespmem:s0+$0xFFFFFF20];
	v28 =	vadd.s32 v4, v29;
	v29 =	vor.u32 v4, v30  }
0xb5: {  	v46 =	vor.u32 v0, v56;
	v7 =	vld [tilespmem:s0+$0x100];
	[tilespmem:s0+$0xD0] =	vst v27  }
0xb6: {  	v60 =	vmul.u32 $0x50, v55;
	v23 =	vmul.f32 v47, v23;
	v27 =	vld.idx.msk [tilespmem:v51+s30+$0x0], $0xffff  }
0xb7: {  	s22 =	simm.s32 $0x14;
	[tilespmem:s0+$0xFFFFFF80] =	vst v52;
	v53 =	vmul.f32 v45, v31;
	v31 =	vld [tilespmem:s0+$0x60]  }
0xb8: {  	v49 =	vadd.s32 v58, v60;
	v45 =	vor.u32 s22, v57;
	v42 =	vld.idx.msk [tilespmem:v50+s30+$0x0], $0xffff;
	[tilespmem:s0+$0xFFFFFEE0] =	vst v23  }
0xb9: {  	v48 =	vmul.u32 $0x50, v45;
	v45 =	vshll.u32 v45, $0x4;
	v44 =	vld.idx.msk [tilespmem:v29+s30+$0x0], $0xffff;
	v29 =	vor.u32 v63, v35  }
0xba: {  	s23 =	simm.s32 $0x10;
	v46 =	vld.idx.msk [tilespmem:v46+s1+$0x0], $0xffff;
	v45 =	vor.u32 v0, v45  }
0xbb: {  	s17 =	simm.s32 $0x12;
	[tilespmem:s0+$0x20] =	vst v53;
	v30 =	vld [tilespmem:s0+$0xFFFFFFC0];
	v47 =	vor.u32 s23, v57;
	v33 =	vadd.s32 v58, v48;
	v27 =	vmul.f32 v54, v27  }
0xbc: {  	v50 =	vmul.u32 $0x50, v47;
	v47 =	vshll.u32 v47, $0x4;
	v43 =	vld.idx.msk [tilespmem:v28+s30+$0x0], $0xffff;
	v28 =	vor.u32 s17, v57  }
0xbd: {  	s21 =	simm.s32 $0xB;
	v52 =	vld.idx.msk [tilespmem:v49+s30+$0x0], $0xffff;
	v47 =	vor.u32 v0, v47;
	v61 =	vmul.u32 $0x50, v28;
	v28 =	vshll.u32 v28, $0x4;
	[tilespmem:s0+$0xF0] =	vst v27  }
0xbe: {  	v14 =	vmul.f32 v14, v24;
	v6 =	vmov s21;
	v51 =	vor.u32 v0, v28;
	v29 =	vld.idx.msk [tilespmem:v29+s30+$0x0], $0xffff  }
0xbf: {  	s14 =	simm.s32 $0xD;
	v56 =	vor.u32 v5, v15;
	v48 =	vmul.u32 $0x50, v6;
	v23 =	vld [tilespmem:s0+$0xFFFFFFD0];
	v32 =	vadd.s32 v58, v61  }
0xc0: {  	s24 =	simm.s32 $0x9;
	v55 =	vor.u32 v5, v35;
	v34 =	vadd.s32 v58, v50;
	v60 =	vld.idx.msk [tilespmem:v33+s30+$0x0], $0xffff;
	v28 =	vmov s14  }
0xc1: {  	v48 =	vadd.s32 $0x40, v48;
	v0 =	vld.idx.msk [tilespmem:v45+s1+$0x0], $0xffff;
	v28 =	vmul.u32 $0x50, v28;
	v27 =	vmov s24  }
0xc2: {  	[tilespmem:s31+$0xFFFFFF20] =	vst v14;
	v14 =	vmul.f32 v41, v42;
	v47 =	vld.idx.msk [tilespmem:v47+s1+$0x0], $0xffff;
	v54 =	vmul.u32 $0x50, v27;
	v27 =	vbroadcast v48, $0x0  }
0xc3: {  	v6 =	vadd.f32 v52, v46;
	v28 =	vadd.s32 $0x40, v28;
	v51 =	vld.idx.msk [tilespmem:v51+s1+$0x0], $0xffff;
	v50 =	vmul.f32 v7, v29  }
0xc4: {  	[tilespmem:s0+$0xFFFFFF90] =	vst v14;
	v28 =	vbroadcast v28, $0x0;
	v53 =	vld.idx.msk [tilespmem:v32+s30+$0x0], $0xffff;
	v61 =	vor.u32 v57, v27;
	v29 =	vadd.s32 $0x40, v54  }
0xc5: {  	v14 =	vmul.f32 $2.000000030e-01, v6;
	v24 =	vld.idx.msk [tilespmem:v34+s30+$0x0], $0xffff;
	v29 =	vbroadcast v29, $0x0;
	[tilespmem:s0+$0x100] =	vst v50  }
0xc6: {  	v13 =	vmul.f32 v13, v25;
	v25 =	vmul.f32 v36, v43;
	v7 =	vor.u32 v57, v28;
	v54 =	vld.idx.msk [tilespmem:v55+s30+$0x0], $0xffff  }
0xc7: {  	v52 =	vor.u32 v57, v29;
	v55 =	vor.u32 v62, v11;
	v11 =	vmax.f32 v6, v14;
	v6 =	vld [tilespmem:s0+$0xFFFFFF30]  }
0xc8: {  	[tilespmem:s31+$0xFFFFFFD0] =	vst v13;
	v40 =	vmul.f32 v40, v44;
	v44 =	vld.idx.msk [tilespmem:v56+s30+$0x0], $0xffff  }
0xc9: {  	v12 =	vor.u32 v62, v12;
	[tilespmem:s0+$0x30] =	vst v25;
	v25 =	vadd.f32 v53, v51;
	v41 =	vld.idx.msk [tilespmem:v61+s30+$0x0], $0xffff  }
0xca: {  	[tilespmem:s31+$0x70] =	vst v19;
	v42 =	vadd.f32 v60, v0;
	v60 =	vadd.f32 v24, v47;
	v24 =	vld [tilespmem:s0+$0x70]  }
0xcb: {  	[tilespmem:s0+$0xFFFFFEF0] =	vst v40;
	v61 =	vmul.f32 $2.000000030e-01, v25;
	v56 =	vld.idx.msk [tilespmem:v7+s30+$0x0], $0xffff  }
0xcc: {  	v0 =	vor.u32 v63, v27;
	v36 =	vld.idx.msk [tilespmem:v52+s30+$0x0], $0xffff;
	[tilespmem:$0x1FF00] =	vst v6  }
0xcd: {  	v35 =	vor.u32 v62, v35;
	v19 =	vmul.f32 $2.000000030e-01, v60;
	v25 =	vmax.f32 v25, v61;
	v46 =	vld.idx.msk [tilespmem:v55+s30+$0x0], $0xffff  }
0xce: {  	v53 =	vmul.f32 $1.442695020e+00, v25;
	v37 =	vmul.f32 v37, v41;
	v52 =	vor.u32 v63, v28;
	v25 =	vld.idx.msk [tilespmem:v12+s30+$0x0], $0xffff  }
0xcf: {  	v14 =	vor.u32 v63, v29;
	v11 =	vmul.f32 $1.442695020e+00, v11;
	v13 =	vmul.f32 v26, v54;
	v6 =	vld [tilespmem:s0+$0xFFFFFFE0]  }
0xd0: {  	v26 =	vmul.f32 $2.000000030e-01, v42;
	v12 =	vmax.f32 v60, v19;
	[tilespmem:s0+$0xFFFFFFB0] =	vst v37;
	v37 =	vld [tilespmem:s0+$0x120];
	v19 =	vmul.f32 v38, v56  }
0xd1: {  	(erf) = vpow2.f32 v11;
	[tilespmem:s0+$0x110] =	vst v13;
	v55 =	vld.idx.msk [tilespmem:v0+s30+$0x0], $0xffff;
	v36 =	vmul.f32 v39, v36  }
0xd2: {  	v13 =	vmax.f32 v42, v26;
	v26 =	vld.idx.msk [tilespmem:v35+s30+$0x0], $0xffff;
	[tilespmem:s0+$0x50] =	vst v19  }
0xd3: {  	v19 =	vld.idx.msk [tilespmem:v52+s30+$0x0], $0xffff;
	[tilespmem:s0+$0xFFFFFF10] =	vst v36  }
0xd4: {  	v54 =	vmov s18;
	v36 =	vld.idx.msk [tilespmem:v14+s30+$0x0], $0xffff;
	[tilespmem:$0x1FF10] =	vst v6  }
0xd5: {  	(erf) = vpow2.f32 v53;
	v13 =	vmul.f32 $1.442695020e+00, v13;
	v35 =	vmul.u32 $0x50, v54;
	v6 =	vld [tilespmem:s0+$0x80];
	_ =	sdelay $0x1  }
0xd6: {  	(erf) = vpow2.f32 v13;
	v56 =	vadd.s32 v1, v35;
	_ =	sdelay $0x1  }
0xd7: {  	v61 =	vor.u32 v5, v28;
	v60 =	vor.u32 v5, v27;
	v12 =	vmul.f32 $1.442695020e+00, v12  }
0xd8: {  	v13 =	vmov s22;
	v0 =	vpop (erf);
	v30 =	vmul.f32 v30, v55;
	v14 =	vmov s23;
	[tilespmem:$0x1FF20] =	vst v6  }
0xd9: {  	v43 =	vmul.u32 $0x50, v13;
	v47 =	vmul.u32 $0x50, v14;
	[tilespmem:v49+s30+$0x0] =	vst.idx.msk $0xffff, v0;
	v14 =	vld [tilespmem:s0+$0xFFFFFF40]  }
0xda: {  	s16 =	sadd.s32 $0x280, s0;
	(erf) = vpow2.f32 v12;
	v12 =	vmov s17;
	v19 =	vmul.f32 v31, v19;
	v39 =	vld.idx.msk [tilespmem:v56+s30+$0x0], $0xffff  }
0xdb: {  	v41 =	vmul.u32 $0x50, v12;
	v7 =	vadd.s32 v1, v43;
	[tilespmem:s0+$0xFFFFFFC0] =	vst v30;
	v45 =	vld [tilespmem:s16+$0xA0]  }
0xdc: {  	v30 =	vpop (erf);
	[tilespmem:s0+$0x60] =	vst v19;
	v49 =	vld.idx.msk [tilespmem:v60+s30+$0x0], $0xffff  }
0xdd: {  	v6 =	vor.u32 v1, v41;
	[tilespmem:v32+s30+$0x0] =	vst.idx.msk $0xffff, v30;
	v30 =	vld.idx.msk [tilespmem:v61+s30+$0x0], $0xffff  }
0xde: {  	v19 =	vpop (erf);
	v61 =	vld [tilespmem:s16+$0xB0]  }
0xdf: {  	[tilespmem:v33+s30+$0x0] =	vst.idx.msk $0xffff, v19;
	v19 =	vadd.s32 v2, v35;
	v55 =	vld [tilespmem:s16+$0xFFFFFF60]  }
0xe0: {  	v53 =	vld.idx.msk [tilespmem:v7+s30+$0x0], $0xffff  }
0xe1: {  	v31 =	vor.u32 v1, v47;
	v56 =	vld [tilespmem:s16+$0x0];
	v54 =	vmul.f32 v45, v39  }
0xe2: {  	v32 =	vld.idx.msk [tilespmem:v6+s30+$0x0], $0xffff  }
0xe3: {  	v38 =	vld [tilespmem:s16+$0xFFFFFF70];
	[tilespmem:s16+$0xA0] =	vst v54  }
0xe4: {  	v0 =	vadd.s32 v2, v43;
	v52 =	vpop (erf);
	v19 =	vld.idx.msk [tilespmem:v19+s30+$0x0], $0xffff  }
0xe5: {  	v17 =	vmul.f32 v18, v17;
	v60 =	vor.u32 v2, v41;
	[tilespmem:v34+s30+$0x0] =	vst.idx.msk $0xffff, v52;
	v52 =	vld [tilespmem:s16+$0x10]  }
0xe6: {  	v31 =	vld.idx.msk [tilespmem:v31+s30+$0x0], $0xffff;
	v33 =	vmul.f32 v56, v53  }
0xe7: {  	[tilespmem:s31+$0x120] =	vst v17;
	v1 =	vld [tilespmem:s16+$0xFFFFFEC0];
	v32 =	vmul.f32 v55, v32  }
0xe8: {  	v53 =	vadd.s32 v3, v35;
	v54 =	vld [tilespmem:s16+$0xFFFFFED0];
	[tilespmem:s16+$0x0] =	vst v33  }
0xe9: {  	[tilespmem:s16+$0xFFFFFF60] =	vst v32;
	v56 =	vld.idx.msk [tilespmem:v0+s30+$0x0], $0xffff;
	v18 =	vmul.f32 v61, v19;
	v61 =	vor.u32 v62, v15  }
0xea: {  	v34 =	vld.idx.msk [tilespmem:v60+s30+$0x0], $0xffff;
	[tilespmem:$0x1FF30] =	vst v61  }
0xeb: {  	v55 =	vor.u32 v2, v47;
	v0 =	vor.u32 v62, v27;
	[tilespmem:s16+$0xB0] =	vst v18  }
0xec: {  	v31 =	vmul.f32 v1, v31;
	v1 =	vor.u32 v62, v28;
	v60 =	vmul.f32 v16, v44;
	v44 =	vld [tilespmem:s16+$0xFFFFFF80];
	[tilespmem:$0x1FF40] =	vst v0  }
0xed: {  	v26 =	vmul.f32 v37, v26;
	v28 =	vor.u32 v3, v41;
	v27 =	vld.idx.msk [tilespmem:v53+s30+$0x0], $0xffff;
	[tilespmem:$0x1FF50] =	vst v1  }
0xee: {  	s21 =	simm.s32 $0x11;
	v11 =	vor.u32 v5, v29;
	v15 =	vor.u32 v62, v29;
	[tilespmem:s16+$0xFFFFFEC0] =	vst v31;
	v29 =	vld [tilespmem:s16+$0xC0]  }
0xef: {  	v21 =	vmul.f32 v21, v46;
	v6 =	vmov s21;
	v31 =	vmul.f32 v38, v34;
	[tilespmem:s0+$0x120] =	vst v26;
	v45 =	vld [tilespmem:s16+$0x20]  }
0xf0: {  	s22 =	simm.s32 $0x13;
	v2 =	vadd.s32 v3, v43;
	v7 =	vmul.f32 v52, v56;
	[tilespmem:s31+$0xFFFFFF30] =	vst v60;
	v34 =	vmul.u32 $0x50, v6;
	v33 =	vld.idx.msk [tilespmem:v55+s30+$0x0], $0xffff  }
0xf1: {  	v22 =	vmul.f32 v22, v36;
	v35 =	vadd.s32 v4, v35;
	v50 =	vld [tilespmem:s16+$0xFFFFFEE0];
	[tilespmem:s16+$0xFFFFFF70] =	vst v31;
	v31 =	vmov s22  }
0xf2: {  	s23 =	simm.s32 $0x15;
	v46 =	vor.u32 v4, v41;
	[tilespmem:s16+$0x10] =	vst v7;
	v41 =	vmul.u32 $0x50, v31;
	v42 =	vld.idx.msk [tilespmem:v28+s30+$0x0], $0xffff;
	v28 =	vadd.s32 $0x40, v34  }
0xf3: {  	v40 =	vld [tilespmem:s16+$0xFFFFFF90];
	[tilespmem:s0+$0xFFFFFF20] =	vst v22;
	v36 =	vbroadcast v28, $0x0;
	v27 =	vmul.f32 v29, v27;
	v29 =	vmov s23  }
0xf4: {  	v20 =	vmul.f32 v20, v25;
	v26 =	vor.u32 v3, v47;
	v48 =	vld [tilespmem:s16+$0x30];
	[tilespmem:s31+$0xFFFFFFE0] =	vst v21;
	v60 =	vmul.u32 $0x50, v29  }
0xf5: {  	v61 =	vld.idx.msk [tilespmem:v2+s30+$0x0], $0xffff;
	v29 =	vadd.s32 $0x40, v41;
	v28 =	vmul.f32 v54, v33;
	v6 =	vor.u32 v57, v36;
	[tilespmem:s16+$0xC0] =	vst v27  }
0xf6: {  	v43 =	vadd.s32 v4, v43;
	v31 =	vor.u32 v4, v47;
	v4 =	vbroadcast v29, $0x0;
	v35 =	vld.idx.msk [tilespmem:v35+s30+$0x0], $0xffff;
	[tilespmem:$0x1FF60] =	vst v6  }
0xf7: {  	[tilespmem:s16+$0xFFFFFED0] =	vst v28  }
0xf8: {  	v23 =	vmul.f32 v23, v49;
	v7 =	vld [tilespmem:s16+$0xD0];
	[tilespmem:s31+$0x80] =	vst v20;
	v55 =	vor.u32 v57, v4  }
0xf9: {  	v27 =	vadd.s32 $0x40, v60;
	v51 =	vld.idx.msk [tilespmem:v26+s30+$0x0], $0xffff;
	[tilespmem:$0x1FF70] =	vst v55  }
0xfa: {  	s24 =	simm.s32 $0x17;
	v24 =	vmul.f32 v24, v30;
	v27 =	vbroadcast v27, $0x0;
	v60 =	vor.u32 v63, v4;
	[tilespmem:s0+$0xFFFFFFD0] =	vst v23  }
0xfb: {  	v49 =	vmov s24;
	v56 =	vmul.f32 v44, v42;
	v55 =	vld [tilespmem:s16+$0xFFFFFEF0];
	[tilespmem:$0x1FF80] =	vst v60  }
0xfc: {  	v20 =	vmul.u32 $0x50, v49;
	[tilespmem:s0+$0x70] =	vst v24;
	v24 =	vmul.f32 v45, v61;
	v61 =	vor.u32 v63, v27  }
0xfd: {  	v25 =	vor.u32 v63, v36;
	v39 =	vld [tilespmem:s16+$0xFFFFFFB0];
	[tilespmem:$0x1FF90] =	vst v61  }
0xfe: {  	v32 =	vor.u32 v5, v36;
	v30 =	vor.u32 v62, v4;
	v20 =	vadd.s32 $0x40, v20;
	[tilespmem:s16+$0xFFFFFF80] =	vst v56;
	v41 =	vld [tilespmem:s16+$0x50]  }
0xff: {  	v26 =	vor.u32 v5, v4;
	v42 =	vbroadcast v20, $0x0;
	v35 =	vmul.f32 v7, v35;
	[tilespmem:s16+$0x20] =	vst v24;
	v60 =	vld.idx.msk [tilespmem:v46+s30+$0x0], $0xffff  }
0x100: {  	v29 =	vor.u32 v57, v27;
	v17 =	vor.u32 v5, v27;
	v28 =	vor.u32 v62, v27;
	v61 =	vld.idx.msk [tilespmem:v43+s30+$0x0], $0xffff  }
0x101: {  	s19 =	simm.s32 $0x18;
	s18 =	simm.s32 $0x8;
	s17 =	smov.u32 s16;
	v34 =	vor.u32 v57, v42;
	v24 =	vor.u32 v62, v36;
	v33 =	vmul.f32 v50, v51;
	[tilespmem:s16+$0xD0] =	vst v35;
	v43 =	vld [tilespmem:s16+$0xFFFFFF10]  }
.LBB2_3:
0x102: {  	_ =	sdelay $0x3  }
0x103: {  	v34 =	vld.idx.msk [tilespmem:v34+s30+$0x0], $0xffff  }
0x104: {  	v23 =	vld [tilespmem:s16+$0xF0]  }
0x105: {  	v0 =	vld [tilespmem:$0x1FFA0]  }
0x106: {  	v54 =	vld [tilespmem:s16+$0xFFFFFFC0]  }
0x107: {  	s24 =	sadd.s32 $0x4, s19;
	v52 =	vld [tilespmem:s16+$0x60]  }
0x108: {  	v51 =	vld [tilespmem:s16+$0xFFFFFF20];
	v38 =	vor.u32 s24, v57  }
0x109: {  	s20 =	sadd.s32 $0x6, s19;
	v20 =	vld [tilespmem:$0x1FFB0];
	v46 =	vmul.u32 $0x50, v38  }
0x10a: {  	v21 =	vld [tilespmem:$0x1FFC0];
	v44 =	vor.u32 s20, v57  }
0x10b: {  	v22 =	vld [tilespmem:$0x1FFD0];
	v47 =	vshll.u32 v44, $0x4;
	v49 =	vadd.s32 v58, v46  }
0x10c: {  	v36 =	vor.u32 s19, v57;
	s23 =	sadd.s32 $0x2, s19;
	v6 =	vld [tilespmem:s16+$0x100];
	[tilespmem:s16+$0xFFFFFEE0] =	vst v33;
	v38 =	vshll.u32 v38, $0x4;
	v53 =	vor.u32 v0, v47  }
0x10d: {  	v18 =	vmovc v15;
	v37 =	vor.u32 s23, v57;
	v15 =	vld.idx.msk [tilespmem:v31+s30+$0x0], $0xffff;
	v31 =	vmul.u32 $0x50, v36;
	v2 =	vor.u32 v0, v38  }
0x10e: {  	v56 =	vor.u32 v63, v42;
	v13 =	vld [tilespmem:$0x1FFE0];
	v45 =	vmul.u32 $0x50, v37  }
0x10f: {  	v47 =	vadd.s32 v58, v31;
	v31 =	vmul.f32 v23, v34;
	v23 =	vld [tilespmem:$0x1FFF0]  }
0x110: {  	s14 =	sadd.s32 $0x1, s19;
	v3 =	vshll.u32 v36, $0x4;
	v44 =	vmul.u32 $0x50, v44;
	v50 =	vadd.s32 v58, v45;
	v9 =	vld.idx.msk [tilespmem:v49+s30+$0x0], $0xffff  }
0x111: {  	v35 =	vmov s19;
	v27 =	vmovc v17;
	v19 =	vmovc v63;
	v4 =	vmov s14;
	v63 =	vor.u32 v0, v3;
	v3 =	vld.idx.msk [tilespmem:v53+s1+$0x0], $0xffff  }
0x112: {  	v17 =	vmovc v14;
	v37 =	vshll.u32 v37, $0x4;
	v4 =	vmul.u32 $0x50, v4;
	v14 =	vadd.s32 v58, v44;
	[tilespmem:s16+$0xF0] =	vst v31;
	v2 =	vld.idx.msk [tilespmem:v2+s1+$0x0], $0xffff  }
0x113: {  	s22 =	sadd.s32 $0x5, s19;
	v36 =	vmovc v32;
	v32 =	vmul.u32 $0x50, v35;
	v44 =	vmov s23;
	v1 =	vor.u32 v0, v37;
	v5 =	vld.idx.msk [tilespmem:v56+s30+$0x0], $0xffff  }
0x114: {  	v16 =	vmovc v59;
	v59 =	vld.idx.msk [tilespmem:v11+s30+$0x0], $0xffff;
	v11 =	vmov s22;
	v4 =	vadd.s32 $0x40, v4;
	v31 =	vmul.u32 $0x50, v44  }
0x115: {  	v38 =	vor.u32 v21, v32;
	v4 =	vbroadcast v4, $0x0;
	v8 =	vld.idx.msk [tilespmem:v50+s30+$0x0], $0xffff;
	v53 =	vor.u32 v20, v32  }
0x116: {  	v10 =	vor.u32 v23, v42;
	v0 =	vld.idx.msk [tilespmem:v47+s30+$0x0], $0xffff;
	v56 =	vor.u32 v22, v32;
	v12 =	vor.u32 v20, v31  }
0x117: {  	v7 =	vld.idx.msk [tilespmem:v14+s30+$0x0], $0xffff;
	v44 =	vor.u32 v21, v31;
	v37 =	vor.u32 v22, v31;
	v35 =	vor.u32 v13, v31  }
0x118: {  	v1 =	vld.idx.msk [tilespmem:v1+s1+$0x0], $0xffff;
	v31 =	vor.u32 v13, v32;
	v2 =	vadd.f32 v9, v2;
	v5 =	vmul.f32 v6, v5  }
0x119: {  	s21 =	sadd.s32 $0x3, s19;
	v9 =	vld [tilespmem:$0x1FF60];
	v6 =	vmul.u32 $0x50, v11;
	v11 =	vmul.f32 v40, v60;
	v60 =	vmul.f32 v55, v15  }
0x11a: {  	v32 =	vmov s21;
	v40 =	vmul.f32 v48, v61;
	v48 =	vld.idx.msk [tilespmem:v63+s1+$0x0], $0xffff;
	v61 =	vor.u32 v57, v4;
	[tilespmem:s16+$0x100] =	vst v5  }
0x11b: {  	v32 =	vmul.u32 $0x50, v32;
	v15 =	vmov v61;
	[tilespmem:s16+$0xFFFFFEF0] =	vst v60;
	v60 =	vld [tilespmem:$0x1FF70]  }
0x11c: {  	v3 =	vadd.f32 v7, v3;
	[tilespmem:$0x1FF60] =	vst v15;
	v15 =	vld [tilespmem:$0x1FF40]  }
0x11d: {  	v32 =	vadd.s32 $0x40, v32;
	v7 =	vld.idx.msk [tilespmem:v10+s30+$0x0], $0xffff  }
0x11e: {  	[tilespmem:s16+$0xFFFFFF90] =	vst v11;
	v11 =	vmul.f32 $2.000000030e-01, v3;
	v10 =	vbroadcast v32, $0x0;
	v32 =	vld [tilespmem:s16+$0x110]  }
0x11f: {  	v46 =	vld [tilespmem:s16+$0xFFFFFFD0];
	v1 =	vadd.f32 v8, v1  }
0x120: {  	[tilespmem:s16+$0x30] =	vst v40;
	v3 =	vmax.f32 v3, v11;
	v11 =	vor.u32 v62, v42;
	v42 =	vld [tilespmem:s16+$0x70];
	v8 =	vor.u32 v57, v10  }
0x121: {  	v3 =	vmul.f32 $1.442695020e+00, v3;
	[tilespmem:$0x1FF70] =	vst v8;
	v8 =	vld.idx.msk [tilespmem:v29+s30+$0x0], $0xffff  }
0x122: {  	v9 =	vld.idx.msk [tilespmem:v9+s30+$0x0], $0xffff  }
0x123: {  	(erf) = vpow2.f32 v3;
	v3 =	vld [tilespmem:s16+$0xFFFFFF30];
	v7 =	vmul.f32 v32, v7  }
0x124: {  	v5 =	vadd.s32 $0x40, v6;
	v6 =	vld.idx.msk [tilespmem:v60+s30+$0x0], $0xffff  }
0x125: {  	v55 =	vor.u32 v19, v4;
	v5 =	vbroadcast v5, $0x0;
	v60 =	vld.idx.msk [tilespmem:v15+s30+$0x0], $0xffff;
	[tilespmem:s16+$0x110] =	vst v7  }
0x126: {  	v63 =	vmovc v19;
	v61 =	vmul.f32 $2.000000030e-01, v1;
	v0 =	vadd.f32 v0, v48;
	v48 =	vor.u32 v19, v10;
	v11 =	vld.idx.msk [tilespmem:v11+s30+$0x0], $0xffff  }
0x127: {  	v40 =	vmul.f32 $2.000000030e-01, v2;
	v15 =	vmovc v30;
	v30 =	vor.u32 v19, v5;
	v19 =	vmul.f32 v41, v8;
	v8 =	vmovc v48;
	v48 =	vld [tilespmem:$0x1FF30]  }
0x128: {  	v1 =	vmax.f32 v1, v61;
	v32 =	vmul.f32 $2.000000030e-01, v0;
	v61 =	vmul.f32 v43, v9;
	v9 =	vld [tilespmem:$0x1FF80]  }
0x129: {  	v2 =	vmax.f32 v2, v40;
	v40 =	vor.u32 v23, v5;
	v43 =	vld [tilespmem:$0x1FF90]  }
0x12a: {  	v0 =	vmax.f32 v0, v32;
	v32 =	vor.u32 v23, v4;
	[tilespmem:$0x1FF80] =	vst v8;
	v8 =	vor.u32 v23, v10;
	v23 =	vld [tilespmem:s16+$0x80]  }
0x12b: {  	[tilespmem:$0x1FF40] =	vst v15;
	v15 =	vmov v30;
	v6 =	vmul.f32 v39, v6;
	v39 =	vld [tilespmem:$0x1FF50]  }
0x12c: {  	v1 =	vmul.f32 $1.442695020e+00, v1;
	v30 =	vor.u32 v62, v10;
	v10 =	vld [tilespmem:$0x1FF00];
	[tilespmem:$0x1FF90] =	vst v15  }
0x12d: {  	[tilespmem:s16+$0xFFFFFF10] =	vst v61;
	v15 =	vld [tilespmem:s16+$0xFFFFFFE0]  }
0x12e: {  	v2 =	vmul.f32 $1.442695020e+00, v2;
	(erf) = vpow2.f32 v1;
	v1 =	vor.u32 v62, v4;
	v4 =	vld.idx.msk [tilespmem:v25+s30+$0x0], $0xffff  }
0x12f: {  	v0 =	vmul.f32 $1.442695020e+00, v0;
	[tilespmem:s16+$0xFFFFFFB0] =	vst v6;
	v6 =	vld [tilespmem:s16+$0x120]  }
0x130: {  	(erf) = vpow2.f32 v2;
	v25 =	vmov v55;
	v55 =	vld [tilespmem:s16+$0xFFFFFF40]  }
0x131: {  	(erf) = vpow2.f32 v0;
	v0 =	vld.idx.msk [tilespmem:v48+s30+$0x0], $0xffff  }
0x132: {  	v9 =	vld.idx.msk [tilespmem:v9+s30+$0x0], $0xffff  }
0x133: {  	v45 =	vmov s24;
	v41 =	vmov s20;
	v7 =	vld.idx.msk [tilespmem:v39+s30+$0x0], $0xffff;
	[tilespmem:s16+$0x50] =	vst v19  }
0x134: {  	v33 =	vmul.u32 $0x50, v45;
	[tilespmem:$0x1FEF0] =	vst v56;
	v61 =	vpop (erf);
	v6 =	vmul.f32 v6, v11;
	v39 =	vmul.u32 $0x50, v41;
	v2 =	vld.idx.msk [tilespmem:v43+s30+$0x0], $0xffff  }
0x135: {  	[tilespmem:v14+s30+$0x0] =	vst.idx.msk $0xffff, v61;
	v11 =	vld [tilespmem:$0x1FF10]  }
0x136: {  	v28 =	vmov v28;
	v56 =	vadd.s32 v20, v33;
	[tilespmem:s16+$0x120] =	vst v6;
	s16 =	sadd.s32 $0x280, s16;
	v41 =	vadd.s32 v20, v39;
	v20 =	vld [tilespmem:$0x1FF20]  }
0x137: {  	[tilespmem:$0x1FF50] =	vst v28;
	v43 =	vmov v3;
	v9 =	vmul.f32 v54, v9;
	v61 =	vld [tilespmem:s16+$0xA0]  }
0x138: {  	v45 =	vadd.s32 v21, v33;
	v29 =	vor.u32 v57, v5;
	v4 =	vmul.f32 v51, v4;
	[tilespmem:$0x1FF00] =	vst v43;
	v51 =	vld [tilespmem:s16+$0xB0]  }
0x139: {  	v48 =	vmov v18;
	v43 =	vadd.s32 v21, v39;
	v21 =	vld [tilespmem:s16+$0xC0];
	[tilespmem:s17+$0xFFFFFFC0] =	vst v9;
	v14 =	vmul.f32 v52, v2  }
0x13a: {  	v28 =	vor.u32 v62, v5;
	v10 =	vmul.f32 v10, v59;
	[tilespmem:$0x1FF30] =	vst v48;
	v9 =	vld.idx.msk [tilespmem:v26+s30+$0x0], $0xffff  }
0x13b: {  	v11 =	vmul.f32 v11, v60;
	v5 =	vmul.f32 v20, v7;
	v60 =	vld.idx.msk [tilespmem:v41+s30+$0x0], $0xffff;
	v20 =	vpop (erf);
	[tilespmem:s17+$0x60] =	vst v14  }
0x13c: {  	[tilespmem:v50+s30+$0x0] =	vst.idx.msk $0xffff, v20;
	v41 =	vld.idx.msk [tilespmem:v27+s30+$0x0], $0xffff  }
0x13d: {  	[tilespmem:s0+$0xFFFFFF30] =	vst v10;
	v26 =	vmov v8;
	v8 =	vld.idx.msk [tilespmem:v12+s30+$0x0], $0xffff  }
0x13e: {  	[tilespmem:$0x1FF10] =	vst v15;
	v48 =	vld [tilespmem:s16+$0xFFFFFF60]  }
0x13f: {  	[tilespmem:$0x1FF20] =	vst v23;
	v23 =	vpop (erf);
	v20 =	vld [tilespmem:s16+$0xFFFFFF80]  }
0x140: {  	v59 =	vmov v17;
	v17 =	vmov v40;
	[tilespmem:v49+s30+$0x0] =	vst.idx.msk $0xffff, v23;
	v10 =	vpop (erf);
	v40 =	vld [tilespmem:s16+$0xFFFFFF90]  }
0x141: {  	v15 =	vmov v24;
	v24 =	vmov v1;
	[tilespmem:v47+s30+$0x0] =	vst.idx.msk $0xffff, v10;
	v47 =	vld.idx.msk [tilespmem:v56+s30+$0x0], $0xffff;
	v1 =	vmul.f32 v61, v60  }
0x142: {  	[tilespmem:s0+$0xFFFFFFE0] =	vst v11;
	v49 =	vld [tilespmem:s16+$0x0]  }
0x143: {  	v10 =	vld.idx.msk [tilespmem:v53+s30+$0x0], $0xffff;
	[tilespmem:s16+$0xA0] =	vst v1  }
0x144: {  	v50 =	vmul.f32 v46, v9;
	[tilespmem:s0+$0x80] =	vst v5;
	v2 =	vld.idx.msk [tilespmem:v43+s30+$0x0], $0xffff  }
0x145: {  	v0 =	vmul.f32 v16, v0;
	[tilespmem:s17+$0xFFFFFF20] =	vst v4;
	v52 =	vld [tilespmem:s16+$0xFFFFFEC0]  }
0x146: {  	v14 =	vmov v55;
	v55 =	vld [tilespmem:s16+$0x10];
	[tilespmem:s17+$0xFFFFFFD0] =	vst v50;
	v4 =	vmul.f32 v48, v8  }
0x147: {  	v56 =	vadd.s32 v22, v39;
	v23 =	vld [tilespmem:s16+$0x20];
	[tilespmem:s31+$0xFFFFFF40] =	vst v0;
	v7 =	vmul.f32 v42, v41  }
0x148: {  	v53 =	vld [tilespmem:s16+$0xFFFFFF70];
	v54 =	vmul.f32 v49, v47;
	[tilespmem:s16+$0xFFFFFF60] =	vst v4  }
0x149: {  	[tilespmem:s17+$0x70] =	vst v7;
	v4 =	vld.idx.msk [tilespmem:v44+s30+$0x0], $0xffff;
	v60 =	vmul.f32 v51, v2  }
0x14a: {  	v8 =	vld [tilespmem:s16+$0xFFFFFED0];
	v1 =	vmul.f32 v52, v10;
	[tilespmem:s16+$0x0] =	vst v54  }
0x14b: {  	v61 =	vld.idx.msk [tilespmem:v45+s30+$0x0], $0xffff;
	[tilespmem:s16+$0xB0] =	vst v60  }
0x14c: {  	[tilespmem:s16+$0xFFFFFEC0] =	vst v1;
	v0 =	vld.idx.msk [tilespmem:v56+s30+$0x0], $0xffff  }
0x14d: {  	v34 =	vadd.s32 v22, v33;
	v22 =	vld.idx.msk [tilespmem:v38+s30+$0x0], $0xffff  }
0x14e: {  	v4 =	vmul.f32 v53, v4;
	v53 =	vld [tilespmem:$0x1FEF0]  }
0x14f: {  	v9 =	vld [tilespmem:s16+$0xFFFFFEE0];
	v45 =	vadd.s32 v13, v39  }
0x150: {  	v48 =	vld [tilespmem:s16+$0x30];
	v2 =	vmul.f32 v55, v61  }
0x151: {  	v51 =	vld [tilespmem:s16+$0xD0];
	[tilespmem:s16+$0xFFFFFF70] =	vst v4;
	v0 =	vmul.f32 v21, v0  }
0x152: {  	v4 =	vld.idx.msk [tilespmem:v37+s30+$0x0], $0xffff;
	[tilespmem:s16+$0x10] =	vst v2  }
0x153: {  	v6 =	vmul.f32 v8, v22;
	v46 =	vld.idx.msk [tilespmem:v34+s30+$0x0], $0xffff;
	[tilespmem:s16+$0xC0] =	vst v0  }
0x154: {  	s24 =	sadd.s32 $0x7, s19;
	v50 =	vld.idx.msk [tilespmem:v45+s30+$0x0], $0xffff  }
0x155: {  	s18 =	sadd.s32 $0x4, s18;
	v47 =	vmov s24;
	v43 =	vld [tilespmem:s16+$0xFFFFFF10];
	[tilespmem:s16+$0xFFFFFED0] =	vst v6  }
0x156: {  	p0 =	slt.u32 s18, $0x3C;
	v33 =	vadd.s32 v13, v33;
	v49 =	vmul.u32 $0x50, v47;
	v6 =	vld.idx.msk [tilespmem:v53+s30+$0x0], $0xffff  }
.Ltmp0:
0x157: {  	v41 =	vld [tilespmem:s16+$0x50];
	v54 =	vmul.f32 v20, v4;
	(pc) =	sbr.rel @p0 .LBB2_3-.Ltmp0, $4  }
0x158: {  	v39 =	vld [tilespmem:s16+$0xFFFFFFB0];
	v0 =	vadd.s32 $0x40, v49;
	v1 =	vmul.f32 v23, v46  }
0x159: {  	v55 =	vld [tilespmem:s16+$0xFFFFFEF0];
	v42 =	vbroadcast v0, $0x0;
	[tilespmem:s16+$0xFFFFFF80] =	vst v54;
	v56 =	vmul.f32 v51, v50  }
0x15a: {  	s19 =	sadd.s32 $0x8, s19;
	v60 =	vld.idx.msk [tilespmem:v35+s30+$0x0], $0xffff;
	[tilespmem:s16+$0x20] =	vst v1  }
0x15b: {  	v11 =	vmov v36;
	s31 =	smov.u32 s0;
	s0 =	smov.u32 s17;
	s17 =	smov.u32 s16;
	v34 =	vor.u32 v57, v42;
	v61 =	vld.idx.msk [tilespmem:v33+s30+$0x0], $0xffff;
	v33 =	vmul.f32 v9, v6;
	[tilespmem:s16+$0xD0] =	vst v56  }
0x15c: {  	_ =	sdelay $0x3  }
0x15d: {  	v0 =	vld.idx.msk [tilespmem:v34+s30+$0x0], $0xffff  }
0x15e: {  	v1 =	vld [tilespmem:s16+$0xF0];
	_ =	sdelay $0x3  }
0x15f: {  	v5 =	vmul.f32 v40, v60  }
0x160: {  	[tilespmem:s16+$0xFFFFFEE0] =	vst v33;
	v0 =	vmul.f32 v1, v0  }
0x161: {  	v7 =	vmul.f32 v48, v61;
	[tilespmem:s16+$0xFFFFFF90] =	vst v5  }
0x162: {  	[tilespmem:s16+$0xF0] =	vst v0  }
0x163: {  	v2 =	vor.u32 v63, v42;
	v13 =	vld [tilespmem:$0x1FFF0];
	[tilespmem:s16+$0x30] =	vst v7  }
0x164: {  	v7 =	vld [tilespmem:$0x1FF70];
	_ =	sdelay $0x1  }
0x165: {  	v3 =	vld.idx.msk [tilespmem:v31+s30+$0x0], $0xffff;
	_ =	sdelay $0x1  }
0x166: {  	v0 =	vld.idx.msk [tilespmem:v2+s30+$0x0], $0xffff  }
0x167: {  	v2 =	vld [tilespmem:s16+$0x100];
	_ =	sdelay $0x1  }
0x168: {  	v3 =	vmul.f32 v55, v3  }
0x169: {  	v7 =	vld.idx.msk [tilespmem:v7+s30+$0x0], $0xffff  }
0x16a: {  	v9 =	vld.idx.msk [tilespmem:v29+s30+$0x0], $0xffff;
	[tilespmem:s16+$0xFFFFFEF0] =	vst v3  }
0x16b: {  	v0 =	vmul.f32 v2, v0;
	v2 =	vld [tilespmem:$0x1FF60];
	_ =	sdelay $0x2  }
0x16c: {  	v4 =	vld [tilespmem:s16+$0x60];
	v3 =	vmul.f32 v39, v7  }
0x16d: {  	v6 =	vld [tilespmem:s16+$0xFFFFFFD0];
	[tilespmem:s16+$0x100] =	vst v0;
	v7 =	vmul.f32 v41, v9  }
0x16e: {  	v8 =	vld [tilespmem:s16+$0xFFFFFF20];
	[tilespmem:s16+$0xFFFFFFB0] =	vst v3  }
0x16f: {  	v3 =	vld [tilespmem:$0x1FF80];
	[tilespmem:s16+$0x50] =	vst v7  }
0x170: {  	v7 =	vld [tilespmem:$0x1FF90]  }
0x171: {  	v5 =	vor.u32 v13, v42;
	v2 =	vld.idx.msk [tilespmem:v2+s30+$0x0], $0xffff  }
0x172: {  	v54 =	vld [tilespmem:s16+$0xFFFFFF30]  }
0x173: {  	v10 =	vld [tilespmem:s16+$0x110]  }
0x174: {  	v11 =	vld.idx.msk [tilespmem:v11+s30+$0x0], $0xffff  }
0x175: {  	v1 =	vld [tilespmem:s16+$0xFFFFFFC0]  }
0x176: {  	v0 =	vld.idx.msk [tilespmem:v5+s30+$0x0], $0xffff;
	v2 =	vmul.f32 v43, v2  }
0x177: {  	v3 =	vld.idx.msk [tilespmem:v3+s30+$0x0], $0xffff  }
0x178: {  	[tilespmem:s16+$0xFFFFFF10] =	vst v2;
	v7 =	vld.idx.msk [tilespmem:v7+s30+$0x0], $0xffff  }
0x179: {  	v2 =	vld.idx.msk [tilespmem:v25+s30+$0x0], $0xffff  }
0x17a: {  	v21 =	vld [tilespmem:s16+$0xFFFFFFE0]  }
0x17b: {  	v55 =	vld [tilespmem:s16+$0x120];
	v0 =	vmul.f32 v10, v0  }
0x17c: {  	v5 =	vld [tilespmem:s16+$0x70];
	v1 =	vmul.f32 v1, v3  }
0x17d: {  	[tilespmem:s16+$0x110] =	vst v0;
	v3 =	vld [tilespmem:s16+$0x80];
	v4 =	vmul.f32 v4, v7  }
0x17e: {  	v7 =	vld [tilespmem:s16+$0xFFFFFF40];
	[tilespmem:s17+$0xFFFFFFC0] =	vst v1;
	v1 =	vmul.f32 v8, v2  }
0x17f: {  	v19 =	vor.u32 v62, v42;
	v2 =	vld.idx.msk [tilespmem:v26+s30+$0x0], $0xffff;
	[tilespmem:s17+$0x60] =	vst v4  }
0x180: {  	v0 =	vld.idx.msk [tilespmem:v17+s30+$0x0], $0xffff;
	[tilespmem:s17+$0xFFFFFF20] =	vst v1  }
0x181: {  	v56 =	vld [tilespmem:$0x1FF40]  }
0x182: {  	v12 =	vld [tilespmem:$0x1FF00]  }
0x183: {  	v1 =	vld.idx.msk [tilespmem:v32+s30+$0x0], $0xffff  }
0x184: {  	v4 =	vld.idx.msk [tilespmem:v19+s30+$0x0], $0xffff  }
0x185: {  	v2 =	vmul.f32 v6, v2;
	v6 =	vld [tilespmem:$0x1FF50]  }
0x186: {  	v0 =	vmul.f32 v5, v0;
	v5 =	vld [tilespmem:$0x1FF30]  }
0x187: {  	v11 =	vmul.f32 v12, v11;
	[tilespmem:s17+$0xFFFFFFD0] =	vst v2  }
0x188: {  	v1 =	vmul.f32 v54, v1;
	[tilespmem:s17+$0x70] =	vst v0;
	v0 =	vld.idx.msk [tilespmem:v30+s30+$0x0], $0xffff  }
0x189: {  	[tilespmem:s0+$0xFFFFFF30] =	vst v11;
	v10 =	vld.idx.msk [tilespmem:v56+s30+$0x0], $0xffff  }
0x18a: {  	v2 =	vmul.f32 v55, v4;
	v60 =	vld [tilespmem:$0x1FF10];
	[tilespmem:s17+$0xFFFFFF30] =	vst v1  }
0x18b: {  	v1 =	vld [tilespmem:$0x1FF20]  }
0x18c: {  	[tilespmem:s16+$0x120] =	vst v2;
	v2 =	vld.idx.msk [tilespmem:v24+s30+$0x0], $0xffff  }
0x18d: {  	v6 =	vld.idx.msk [tilespmem:v6+s30+$0x0], $0xffff  }
0x18e: {  	v5 =	vld.idx.msk [tilespmem:v5+s30+$0x0], $0xffff  }
0x18f: {  	v4 =	vld.idx.msk [tilespmem:v28+s30+$0x0], $0xffff;
	v0 =	vmul.f32 v21, v0  }
0x190: {  	v61 =	vld.idx.msk [tilespmem:v15+s30+$0x0], $0xffff;
	v8 =	vmul.f32 v60, v10  }
0x191: {  	[tilespmem:s17+$0xFFFFFFE0] =	vst v0;
	v0 =	vmul.f32 v7, v2  }
0x192: {  	[tilespmem:s0+$0xFFFFFFE0] =	vst v8;
	v1 =	vmul.f32 v1, v6  }
0x193: {  	[tilespmem:s17+$0xFFFFFF40] =	vst v0;
	v5 =	vmul.f32 v59, v5  }
0x194: {  	[tilespmem:s0+$0x80] =	vst v1;
	v1 =	vmul.f32 v3, v4  }
0x195: {  	s1 =	sshll.u32 s28, $0x7;
	v3 =	vmul.f32 v14, v61;
	[tilespmem:s31+$0xFFFFFF40] =	vst v5  }
0x196: {  	s24 =	sand.u32 $0x3FFFFF80, s1;
	[tilespmem:s17+$0x80] =	vst v1  }
0x197: {  	s28 =	sadd.s32 $0x1, s28;
	s31 =	sadd.s32 $0x5, s29;
	[tilespmem:s0+$0xFFFFFF40] =	vst v3;
	s0 =	sadd.s32 $0x2800, s24  }
0x198: {  	[spmem:s2] =	stream.indirect.scatter.add.f32 [tilespmem:s30], [sflag:s31], $0x50, s0, s15, $0xb8;
	[tilespmem:$0x1D800] =	vst v63  }
0x199: {  	p0 =	sne.s32 s28, $0x50;
	_ =	swait.ge [sflag:s31], $0x2800  }
.Ltmp1:
0x19a: {  	v0 =	vld [tilespmem:$0x1FFA0];
	(pc) =	sbr.rel @p0 .LBB2_2-.Ltmp1, $4  }
0x19b: {  	v1 =	vld [tilespmem:$0x1FFB0]  }
0x19c: {  	v2 =	vld [tilespmem:$0x1FFC0]  }
0x19d: {  	[sflag:s31] =	ssyncset.done $0x0;
	v3 =	vld [tilespmem:$0x1FFD0]  }
0x19e: {  	s26 =	sadd.s32 $0x1, s26;
	v5 =	vmov v13;
	v4 =	vld [tilespmem:$0x1FFE0];
	[sflag:s31] =	ssyncadd.s32 $0xFFFFD800  }
0x19f: {  	s25 =	sadd.s32 $0x1, s25  }
0x1a0: {  	p0 =	sne.s32 s25, s11  }
.Ltmp2:
0x1a1: {  	[bflag:$0x0] =	sbarrier.arrive $0xFFFF;
	(pc) =	sbr.rel @p0 .LBB2_1-.Ltmp2, $4  }
0x1a2: {  	[hbm:s10], [sflag:s7] =	dma.local [spmem:s12], $0x1900  }
0x1a3: {  	_ =	swait.ge [sflag:s13], $0x1900  }
0x1a4: {  	[sflag:s13] =	ssyncset.done $0x0  }
0x1a5: {  	[sflag:s13] =	ssyncadd.s32 $0xFFFFE700  }
0x1a6: {  	_ =	sfence.sel $0x180000  }
0x1a7: {  	[bflag:$0x0] =	sbarrier.arrive $0xFFFF  }
0x1a8: {  	_ =	strace $0x90000047  }
0x1a9: {  	s0 =	stileid.u32;
	[bflag:$0x2] =	sbarrier.arrive $0xFFFF  }
0x1aa: {  	p0 =	sne.s32 s0, $0x0;
	s0 =	rddreg [dreg:$0x2]  }
0x1ab: {  	s0 =	sadd.s32 @!p0 $0x100000, s0  }
0x1ac: {  	[sflag:s0] =	ssyncadd.tile.s32 @!p0 $0x1;
	_ =	shalt  }
.Lfunc_end2:
_tile_overlayer_lowered:
.L_overlay_start_2:
0x1ad: {  	(tag) =	ssettag $0x2  }
0x1ae: {  	s0 =	rddreg [dreg:$0x0];
	s2 =	stileid.u32  }
0x1af: {  	s1 =	rddreg [dreg:$0x1];
	p0 =	sne.s32 s2, $0x0  }
0x1b0: {  	s3 =	rddreg [dreg:$0x2];
	[bflag:$0x3] =	sbarrier.arrive $0xFFFF;
	s2 =	simm.s32 @!p0 $0x1C09  }
0x1b1: {  	[timem:s3], [sflag:s2] =	dma.local @!p0 [hbm:s0], s1  }
0x1b2: {  	s0 =	simm.s32 @!p0 $0x9  }
0x1b3: {  	_ =	swait.ge @!p0 [sflag:s0], s1  }
0x1b4: {  	s1 =	ssub.s32 @!p0 $0x0, s1;
	[sflag:s0] =	ssyncset.done @!p0 $0x0  }
0x1b5: {  	[sflag:s0] =	ssyncadd.s32 @!p0 s1  }
0x1b6: {  	[bflag:$0x3] =	sbarrier.arrive $0xFFFF  }
0x1b7: {  	_ =	shalt  }

</sc_bundles>
